<compile_context>
chip_gen: v7x
topology: tpu7x:2x2x1
jax: 0.10.2.dev20260603
libtpu: 0.0.44.dev20260713+nightly
codegen_flags: <defaults>
</compile_context>

<pallas_src>
import functools
import math

import jax
import jax.numpy as jnp
from jax import lax
from jax.experimental import pallas as pl
from jax.experimental.pallas import tpu as pltpu
from jax.experimental.pallas import tpu_sc as plsc

_EPS = 1e-06
_LN_1414 = math.log(1.414)
_NW = 32
_LANES = 16
_G = 4


def _min_block(x_ref, o_ref):
    i = pl.program_id(0)
    m = jnp.min(x_ref[...])
    mb = jnp.full((8, 128), m, jnp.float32)

    @pl.when(i == 0)
    def _():
        o_ref[...] = mb

    @pl.when(i != 0)
    def _():
        o_ref[...] = jnp.minimum(o_ref[...], mb)


def _global_min(disp2d, n_blocks):
    r, w = disp2d.shape
    assert r % n_blocks == 0
    rb = r // n_blocks
    return pl.pallas_call(
        _min_block,
        grid=(n_blocks,),
        in_specs=[pl.BlockSpec((rb, w), lambda i: (i, 0))],
        out_specs=pl.BlockSpec((8, 128), lambda i: (0, 0)),
        out_shape=jax.ShapeDtypeStruct((8, 128), jnp.float32),
    )(disp2d)


@functools.lru_cache(maxsize=None)
def _build_splat(B, C, H, W):
    R = B * H
    NV = W // _LANES
    NBLK = R // _G
    NIT = (NBLK + _NW - 1) // _NW
    NQ = (NIT + 1) // 2

    mesh = plsc.VectorSubcoreMesh(core_axis_name="c", subcore_axis_name="s")

    blk = pltpu.VMEM((_G, W), jnp.float32)
    rowv = pltpu.VMEM((W + _LANES,), jnp.float32)

    @functools.partial(
        pl.kernel,
        out_type=jax.ShapeDtypeStruct((B * C * H, W), jnp.float32),
        mesh=mesh,
        compiler_params=pltpu.CompilerParams(needs_layout_passes=False),
        scratch_types=[
            pltpu.VMEM((_LANES,), jnp.float32),
            [blk, blk],
            [blk, blk],
            [blk, blk],
            [blk, blk],
            [blk, blk],
            [blk, blk],
            [blk, blk],
            [rowv, rowv, rowv, rowv],
            [pltpu.SemaphoreType.DMA, pltpu.SemaphoreType.DMA],
            [pltpu.SemaphoreType.DMA, pltpu.SemaphoreType.DMA],
        ],
    )
    def splat(im_hbm, disp_hbm, minv_hbm, out_hbm,
              minv_v, dv, c0, c1, c2, o0, o1, o2, acc, sin, sout):
        a0, a1, a2, am = acc
        wid = lax.axis_index("s") * 2 + lax.axis_index("c")
        pltpu.sync_copy(minv_hbm.at[0, pl.ds(0, _LANES)], minv_v)
        minv = minv_v[...]
        iota_f = lax.iota(jnp.int32, _LANES).astype(jnp.float32)
        zeros = jnp.zeros((_LANES,), jnp.float32)
        idx0 = 121 * lax.iota(jnp.int32, _LANES)

        @plsc.parallel_loop(0, NV + 1, 1, unroll=4)
        def _(i):
            s = pl.ds(i * _LANES, _LANES)
            a0[s] = zeros
            a1[s] = zeros
            a2[s] = zeros
            am[s] = zeros

        def rows_of(t):
            j = wid + t * _NW
            r0 = j * _G
            b = jnp.where(r0 >= H, 1, 0).astype(jnp.int32)
            imr0 = r0 + b * (C - 1) * H
            return j, r0, imr0

        def issue_in(t, p):
            j, r0, imr0 = rows_of(t)

            @pl.when(j < NBLK)
            def _():
                pltpu.async_copy(disp_hbm.at[pl.ds(r0, _G)], dv[p], sin[p])
                pltpu.async_copy(im_hbm.at[pl.ds(imr0, _G)], c0[p], sin[p])
                pltpu.async_copy(im_hbm.at[pl.ds(imr0 + H, _G)], c1[p], sin[p])
                pltpu.async_copy(im_hbm.at[pl.ds(imr0 + 2 * H, _G)], c2[p], sin[p])

        def wait_in(t, p):
            j = wid + t * _NW

            @pl.when(j < NBLK)
            def _():
                pltpu.make_async_copy(disp_hbm.at[pl.ds(0, _G)], dv[p], sin[p]).wait()
                pltpu.make_async_copy(im_hbm.at[pl.ds(0, _G)], c0[p], sin[p]).wait()
                pltpu.make_async_copy(im_hbm.at[pl.ds(0, _G)], c1[p], sin[p]).wait()
                pltpu.make_async_copy(im_hbm.at[pl.ds(0, _G)], c2[p], sin[p]).wait()

        def issue_out(t, p):
            j, r0, imr0 = rows_of(t)

            @pl.when(j < NBLK)
            def _():
                pltpu.async_copy(o0[p], out_hbm.at[pl.ds(imr0, _G)], sout[p])
                pltpu.async_copy(o1[p], out_hbm.at[pl.ds(imr0 + H, _G)], sout[p])
                pltpu.async_copy(o2[p], out_hbm.at[pl.ds(imr0 + 2 * H, _G)], sout[p])

        def wait_out(t, p):
            j = wid + t * _NW

            @pl.when((t >= 0) & (j < NBLK))
            def _():
                pltpu.make_async_copy(o0[p], out_hbm.at[pl.ds(0, _G)], sout[p]).wait()
                pltpu.make_async_copy(o1[p], out_hbm.at[pl.ds(0, _G)], sout[p]).wait()
                pltpu.make_async_copy(o2[p], out_hbm.at[pl.ds(0, _G)], sout[p]).wait()

        def compute(t, p):
            j = wid + t * _NW

            @pl.when(j < NBLK)
            def _():
                dvb, c0b, c1b, c2b = dv[p], c0[p], c1[p], c2[p]
                o0b, o1b, o2b = o0[p], o1[p], o2[p]

                def gbody(g, _):
                    gv = jnp.full((_LANES,), g, jnp.int32)

                    @plsc.parallel_loop(0, NV, 1, unroll=4, carry=idx0)
                    def _(i, idx):
                        d = plsc.load_gather(dvb, [gv, idx])
                        w = jnp.exp((d - minv) * _LN_1414)
                        x = idx.astype(jnp.float32) - d
                        xc = jnp.minimum(jnp.maximum(x, -4.0), W + 4.0)
                        xi = xc.astype(jnp.int32)
                        xf = xi.astype(jnp.float32)
                        hi = xf > xc
                        fl = jnp.where(hi, xi - 1, xi)
                        flf = jnp.where(hi, xf - 1.0, xf)
                        frac = xc - flf
                        w1 = w * frac
                        w0 = w - w1
                        ok0 = (flf >= 0.0) & (flf <= W - 1.0)
                        ok1 = (flf >= -1.0) & (flf <= W - 2.0)
                        w0 = jnp.where(ok0, w0, 0.0)
                        w1 = jnp.where(ok1, w1, 0.0)
                        i0 = jnp.maximum(fl, 0)
                        i1 = jnp.maximum(fl + 1, 0)
                        v0 = plsc.load_gather(c0b, [gv, idx])
                        v1 = plsc.load_gather(c1b, [gv, idx])
                        v2 = plsc.load_gather(c2b, [gv, idx])
                        plsc.addupdate_scatter(a0, [i0], v0 * w0)
                        plsc.addupdate_scatter(a0, [i1], v0 * w1)
                        plsc.addupdate_scatter(a1, [i0], v1 * w0)
                        plsc.addupdate_scatter(a1, [i1], v1 * w1)
                        plsc.addupdate_scatter(a2, [i0], v2 * w0)
                        plsc.addupdate_scatter(a2, [i1], v2 * w1)
                        plsc.addupdate_scatter(am, [i0], w0)
                        plsc.addupdate_scatter(am, [i1], w1)
                        nidx = idx + _LANES
                        return jnp.where(nidx >= W, nidx - W, nidx)

                    @plsc.parallel_loop(0, NV, 1, unroll=4)
                    def _(i):
                        s = pl.ds(i * _LANES, _LANES)
                        rinv = 1.0 / jnp.maximum(am[s], _EPS)
                        o0b[g, s] = a0[s] * rinv
                        o1b[g, s] = a1[s] * rinv
                        o2b[g, s] = a2[s] * rinv
                        a0[s] = zeros
                        a1[s] = zeros
                        a2[s] = zeros
                        am[s] = zeros

                    return 0

                lax.fori_loop(0, _G, gbody, 0)

        issue_in(0, 0)

        def qbody(q, _):
            t0 = 2 * q
            t1 = t0 + 1
            issue_in(t1, 1)
            wait_in(t0, 0)
            wait_out(t0 - 2, 0)
            compute(t0, 0)
            issue_out(t0, 0)
            issue_in(t1 + 1, 0)
            wait_in(t1, 1)
            wait_out(t1 - 2, 1)
            compute(t1, 1)
            issue_out(t1, 1)
            return 0

        lax.fori_loop(0, NQ, qbody, 0)
        wait_out(2 * NQ - 2, 0)
        wait_out(2 * NQ - 1, 1)

    return splat


def kernel(im, disp):
    B, C, H, W = im.shape
    assert B == 2 and C == 3 and W % _LANES == 0 and H % _G == 0
    disp2d = disp.reshape(B * H, W)
    im2d = im.reshape(B * C * H, W)
    minv = _global_min(disp2d, n_blocks=6)
    out2d = _build_splat(B, C, H, W)(im2d, disp2d, minv)
    return out2d.reshape(B, C, H, W)

# --- scband reference (transcript-rebuilt; emitter-appended) ---
"""Pipeline reference for scband-forward-warp-stereo-7318624272882 (READ-ONLY COPY).

The authoritative reference and input builder live on the scoring server;
editing this copy changes nothing except your own understanding.
"""

import jax, jax.numpy as jnp
import numpy as np

EPS = 1e-06


def _fw_splat(im, flow):
    # im: [B, C, H, W], flow: [B, H, W, 2] (x, y)
    B, C, H, W = im.shape
    im_t = jnp.transpose(im, (0, 2, 3, 1)).reshape(B * H * W, C)
    gy, gx = jnp.meshgrid(jnp.arange(H, dtype=jnp.float32), jnp.arange(W, dtype=jnp.float32), indexing='ij')
    x = gx[None, :, :] + flow[..., 0]
    y = gy[None, :, :] + flow[..., 1]
    x0 = jnp.floor(x)
    y0 = jnp.floor(y)
    b_off = (jnp.arange(B, dtype=jnp.int32) * (H * W))[:, None, None]
    out = jnp.zeros((B * H * W, C), dtype=im.dtype)
    for dx, dy in ((0, 0), (1, 0), (0, 1), (1, 1)):
        xi = x0 + dx
        yi = y0 + dy
        w = (1.0 - jnp.abs(x - xi)) * (1.0 - jnp.abs(y - yi))
        valid = (xi >= 0) & (xi <= W - 1) & (yi >= 0) & (yi <= H - 1)
        w = jnp.where(valid, w, 0.0)
        idx = b_off + jnp.clip(yi, 0, H - 1).astype(jnp.int32) * W + jnp.clip(xi, 0, W - 1).astype(jnp.int32)
        out = out.at[idx.reshape(-1)].add(im_t * w.reshape(-1, 1))
    return jnp.transpose(out.reshape(B, H, W, C), (0, 3, 1, 2))


def setup_inputs(seed: int = 0):
    key = jax.random.key(seed)
    k1, k2 = jax.random.split(key)
    im = jax.random.normal(k1, (2, 3, 1080, 1920), dtype=jnp.float32)
    disp = jax.random.normal(k2, (2, 1, 1080, 1920), dtype=jnp.float32)
    return {"im": im, "disp": disp}


def reference(im, disp):
    weights_map = disp - jnp.min(disp)
    weights_map = 1.414 ** weights_map
    flow_x = -disp[:, 0]
    flow = jnp.stack((flow_x, jnp.zeros_like(flow_x)), axis=-1)
    res_accum = _fw_splat(im * weights_map, flow)
    mask = _fw_splat(weights_map, flow)
    mask = jnp.maximum(mask, EPS)
    res = res_accum / mask
    return res

if __name__ == "__main__":
    import jax
    _d = setup_inputs()
    print(jax.jit(kernel)(*tuple(_d.values())))

</pallas_src>

<mosaic_0001>
#map = affine_map<(d0, d1) -> (0, 0)>
module attributes {stable_mosaic.version = 14 : i64} {
  func.func @splat(%arg0: i32, %arg1: i32, %arg2: memref<6480x1920xf32, #tpu.memory_space<hbm>>, %arg3: memref<2160x1920xf32, #tpu.memory_space<hbm>>, %arg4: memref<8x128xf32, #tpu.memory_space<hbm>>, %arg5: memref<6480x1920xf32, #tpu.memory_space<hbm>>, %arg6: memref<16xf32, #tpu.memory_space<vmem>>, %arg7: memref<4x1920xf32, #tpu.memory_space<vmem>>, %arg8: memref<4x1920xf32, #tpu.memory_space<vmem>>, %arg9: memref<4x1920xf32, #tpu.memory_space<vmem>>, %arg10: memref<4x1920xf32, #tpu.memory_space<vmem>>, %arg11: memref<4x1920xf32, #tpu.memory_space<vmem>>, %arg12: memref<4x1920xf32, #tpu.memory_space<vmem>>, %arg13: memref<4x1920xf32, #tpu.memory_space<vmem>>, %arg14: memref<4x1920xf32, #tpu.memory_space<vmem>>, %arg15: memref<4x1920xf32, #tpu.memory_space<vmem>>, %arg16: memref<4x1920xf32, #tpu.memory_space<vmem>>, %arg17: memref<4x1920xf32, #tpu.memory_space<vmem>>, %arg18: memref<4x1920xf32, #tpu.memory_space<vmem>>, %arg19: memref<4x1920xf32, #tpu.memory_space<vmem>>, %arg20: memref<4x1920xf32, #tpu.memory_space<vmem>>, %arg21: memref<1936xf32, #tpu.memory_space<vmem>>, %arg22: memref<1936xf32, #tpu.memory_space<vmem>>, %arg23: memref<1936xf32, #tpu.memory_space<vmem>>, %arg24: memref<1936xf32, #tpu.memory_space<vmem>>, %arg25: memref<!tpu.dma_semaphore, #tpu.memory_space<semaphore_mem>>, %arg26: memref<!tpu.dma_semaphore, #tpu.memory_space<semaphore_mem>>, %arg27: memref<!tpu.dma_semaphore, #tpu.memory_space<semaphore_mem>>, %arg28: memref<!tpu.dma_semaphore, #tpu.memory_space<semaphore_mem>>) attributes {dimension_semantics = [#tpu.dimension_semantics<core_parallel>, #tpu.dimension_semantics<subcore_parallel>], iteration_bounds = array<i64: 2, 16>, scalar_prefetch = 0 : i64, scratch_operands = 23 : i64, tpu.core_type = #tpu.core_type<sc_vector_subcore>, window_params = [{transform_indices = #map}, {transform_indices = #map}, {transform_indices = #map}, {transform_indices = #map}]} {
    %mul3A = arith.constant 2 : i32
    %mul3A_0 = arith.muli %arg1, %mul3A : i32
    %add3A = arith.addi %mul3A_0, %arg0 : i32
    %run_scoped3A = arith.constant 0 : i32
    "tpu.region"() ({
      %run_scoped3A_46 = tpu.sem_alloc : memref<!tpu.dma_semaphore, #tpu.memory_space<semaphore_mem>>
      %dma_start3A = arith.constant 0 : i32
      %dma_start3A_47 = tpu.memref_slice %arg4[%run_scoped3A, %dma_start3A] : memref<8x128xf32, #tpu.memory_space<hbm>> -> memref<1x16xf32, #tpu.memory_space<hbm>>
      %dma_start3A_48 = tpu.memref_squeeze %dma_start3A_47 : memref<1x16xf32, #tpu.memory_space<hbm>> -> memref<16xf32, #tpu.memory_space<hbm>>
      %dma_start3A_49 = arith.constant 0 : i32
      %dma_start3A_50 = tpu.memref_slice %arg4[%run_scoped3A, %dma_start3A_49] : memref<8x128xf32, #tpu.memory_space<hbm>> -> memref<1x16xf32, #tpu.memory_space<hbm>>
      %dma_start3A_51 = tpu.memref_squeeze %dma_start3A_50 : memref<1x16xf32, #tpu.memory_space<hbm>> -> memref<16xf32, #tpu.memory_space<hbm>>
      tpu.enqueue_dma source(%dma_start3A_51 : memref<16xf32, #tpu.memory_space<hbm>>) target(%arg6 : memref<16xf32, #tpu.memory_space<vmem>>) target_semaphore(%run_scoped3A_46 : memref<!tpu.dma_semaphore, #tpu.memory_space<semaphore_mem>>)
      %dma_wait3A = arith.constant 0 : i32
      %dma_wait3A_52 = tpu.memref_slice %arg4[%run_scoped3A, %dma_wait3A] : memref<8x128xf32, #tpu.memory_space<hbm>> -> memref<1x16xf32, #tpu.memory_space<hbm>>
      %dma_wait3A_53 = tpu.memref_squeeze %dma_wait3A_52 : memref<1x16xf32, #tpu.memory_space<hbm>> -> memref<16xf32, #tpu.memory_space<hbm>>
      %dma_wait3A_54 = arith.constant 0 : i32
      %dma_wait3A_55 = tpu.memref_slice %arg4[%run_scoped3A, %dma_wait3A_54] : memref<8x128xf32, #tpu.memory_space<hbm>> -> memref<1x16xf32, #tpu.memory_space<hbm>>
      %dma_wait3A_56 = tpu.memref_squeeze %dma_wait3A_55 : memref<1x16xf32, #tpu.memory_space<hbm>> -> memref<16xf32, #tpu.memory_space<hbm>>
      tpu.wait_dma2 semaphore(%run_scoped3A_46 : memref<!tpu.dma_semaphore, #tpu.memory_space<semaphore_mem>>) src(%dma_wait3A_56 : memref<16xf32, #tpu.memory_space<hbm>>) dst(%arg6 : memref<16xf32, #tpu.memory_space<vmem>>)
      tpu.yield
    }) : () -> ()
    %get3A = arith.constant 0 : index
    %get3A_1 = tpu.vector_load %arg6[%get3A] {strides = array<i32>} : memref<16xf32, #tpu.memory_space<vmem>>, vector<16xf32>,
    %iota3A = tpu.iota {dimensions = array<i32: 0>} : vector<16xi32>
    %convert_element_type3A = arith.sitofp %iota3A : vector<16xi32> to vector<16xf32>
    %broadcast_in_dim3A = arith.constant 0.000000e+00 : f32
    %broadcast_in_dim3A_2 = vector.broadcast %broadcast_in_dim3A : f32 to vector<16xf32>
    %iota3A_3 = tpu.iota {dimensions = array<i32: 0>} : vector<16xi32>
    %mul3A_4 = arith.constant 121 : i32
    %mul3A_5 = vector.broadcast %mul3A_4 : i32 to vector<16xi32>
    %mul3A_6 = arith.muli %mul3A_5, %iota3A_3 : vector<16xi32>
    %parallel_loop3A = arith.constant 0 : i32
    %parallel_loop3A_7 = arith.constant 121 : i32
    %parallel_loop3A_8 = arith.constant 1 : i32
    scf.for %parallel_loop3A_46 = %parallel_loop3A to %parallel_loop3A_7 step %parallel_loop3A_8  : i32 {
      %parallel_loop3A_47 = arith.constant 16 : i32
      %parallel_loop3A_48 = arith.muli %parallel_loop3A_46, %parallel_loop3A_47 : i32
      %parallel_loop3A_49 = arith.index_cast %parallel_loop3A_48 : i32 to index
      %parallel_loop3A_50 = tpu.vector_load %arg21[%parallel_loop3A_49] {strides = array<i32>} : memref<1936xf32, #tpu.memory_space<vmem>>, vector<16xf32>,
      tpu.vector_store %arg21[%parallel_loop3A_49], %broadcast_in_dim3A_2 {strides = array<i32>} : memref<1936xf32, #tpu.memory_space<vmem>>, vector<16xf32>,
      %parallel_loop3A_51 = arith.index_cast %parallel_loop3A_48 : i32 to index
      %parallel_loop3A_52 = tpu.vector_load %arg22[%parallel_loop3A_51] {strides = array<i32>} : memref<1936xf32, #tpu.memory_space<vmem>>, vector<16xf32>,
      tpu.vector_store %arg22[%parallel_loop3A_51], %broadcast_in_dim3A_2 {strides = array<i32>} : memref<1936xf32, #tpu.memory_space<vmem>>, vector<16xf32>,
      %parallel_loop3A_53 = arith.index_cast %parallel_loop3A_48 : i32 to index
      %parallel_loop3A_54 = tpu.vector_load %arg23[%parallel_loop3A_53] {strides = array<i32>} : memref<1936xf32, #tpu.memory_space<vmem>>, vector<16xf32>,
      tpu.vector_store %arg23[%parallel_loop3A_53], %broadcast_in_dim3A_2 {strides = array<i32>} : memref<1936xf32, #tpu.memory_space<vmem>>, vector<16xf32>,
      %parallel_loop3A_55 = arith.index_cast %parallel_loop3A_48 : i32 to index
      %parallel_loop3A_56 = tpu.vector_load %arg24[%parallel_loop3A_55] {strides = array<i32>} : memref<1936xf32, #tpu.memory_space<vmem>>, vector<16xf32>,
      tpu.vector_store %arg24[%parallel_loop3A_55], %broadcast_in_dim3A_2 {strides = array<i32>} : memref<1936xf32, #tpu.memory_space<vmem>>, vector<16xf32>,
    } {sc.loop_unroll_factor = 4 : i64, sc.parallel_access}
    %add3A_9 = arith.constant 0 : i32
    %add3A_10 = arith.addi %add3A, %add3A_9 : i32
    %mul3A_11 = arith.constant 4 : i32
    %mul3A_12 = arith.muli %add3A_10, %mul3A_11 : i32
    %ge3A = arith.constant 1080 : i32
    %ge3A_13 = arith.cmpi sge, %mul3A_12, %ge3A : i32
    %jit3A = arith.constant 1 : i32
    %jit3A_14 = arith.constant 0 : i32
    %select_n3A = arith.select %ge3A_13, %jit3A, %jit3A_14 : i32
    %mul3A_15 = arith.constant 2 : i32
    %mul3A_16 = arith.muli %select_n3A, %mul3A_15 : i32
    %mul3A_17 = arith.constant 1080 : i32
    %mul3A_18 = arith.muli %mul3A_16, %mul3A_17 : i32
    %add3A_19 = arith.addi %mul3A_12, %mul3A_18 : i32
    %lt3A = arith.constant 540 : i32
    %lt3A_20 = arith.cmpi slt, %add3A_10, %lt3A : i32
    %convert_element_type3A_21 = arith.extui %lt3A_20 : i1 to i32
    %cond3A = arith.constant 0 : i32
    %cond3A_22 = arith.cmpi ne, %convert_element_type3A_21, %cond3A : i32
    scf.if %cond3A_22 {
      %dma_start3A = arith.constant 0 : i32
      %dma_start3A_46 = tpu.memref_slice %arg3[%mul3A_12, %dma_start3A] : memref<2160x1920xf32, #tpu.memory_space<hbm>> -> memref<4x1920xf32, #tpu.memory_space<hbm>>
      %dma_start3A_47 = arith.constant 0 : i32
      %dma_start3A_48 = tpu.memref_slice %arg3[%mul3A_12, %dma_start3A_47] : memref<2160x1920xf32, #tpu.memory_space<hbm>> -> memref<4x1920xf32, #tpu.memory_space<hbm>>
      tpu.enqueue_dma source(%dma_start3A_48 : memref<4x1920xf32, #tpu.memory_space<hbm>>) target(%arg7 : memref<4x1920xf32, #tpu.memory_space<vmem>>) target_semaphore(%arg25 : memref<!tpu.dma_semaphore, #tpu.memory_space<semaphore_mem>>)
      %dma_start3A_49 = arith.constant 0 : i32
      %dma_start3A_50 = tpu.memref_slice %arg2[%add3A_19, %dma_start3A_49] : memref<6480x1920xf32, #tpu.memory_space<hbm>> -> memref<4x1920xf32, #tpu.memory_space<hbm>>
      %dma_start3A_51 = arith.constant 0 : i32
      %dma_start3A_52 = tpu.memref_slice %arg2[%add3A_19, %dma_start3A_51] : memref<6480x1920xf32, #tpu.memory_space<hbm>> -> memref<4x1920xf32, #tpu.memory_space<hbm>>
      tpu.enqueue_dma source(%dma_start3A_52 : memref<4x1920xf32, #tpu.memory_space<hbm>>) target(%arg9 : memref<4x1920xf32, #tpu.memory_space<vmem>>) target_semaphore(%arg25 : memref<!tpu.dma_semaphore, #tpu.memory_space<semaphore_mem>>)
      %add3A_53 = arith.constant 1080 : i32
      %add3A_54 = arith.addi %add3A_19, %add3A_53 : i32
      %dma_start3A_55 = arith.constant 0 : i32
      %dma_start3A_56 = tpu.memref_slice %arg2[%add3A_54, %dma_start3A_55] : memref<6480x1920xf32, #tpu.memory_space<hbm>> -> memref<4x1920xf32, #tpu.memory_space<hbm>>
      %dma_start3A_57 = arith.constant 0 : i32
      %dma_start3A_58 = tpu.memref_slice %arg2[%add3A_54, %dma_start3A_57] : memref<6480x1920xf32, #tpu.memory_space<hbm>> -> memref<4x1920xf32, #tpu.memory_space<hbm>>
      tpu.enqueue_dma source(%dma_start3A_58 : memref<4x1920xf32, #tpu.memory_space<hbm>>) target(%arg11 : memref<4x1920xf32, #tpu.memory_space<vmem>>) target_semaphore(%arg25 : memref<!tpu.dma_semaphore, #tpu.memory_space<semaphore_mem>>)
      %add3A_59 = arith.constant 2160 : i32
      %add3A_60 = arith.addi %add3A_19, %add3A_59 : i32
      %dma_start3A_61 = arith.constant 0 : i32
      %dma_start3A_62 = tpu.memref_slice %arg2[%add3A_60, %dma_start3A_61] : memref<6480x1920xf32, #tpu.memory_space<hbm>> -> memref<4x1920xf32, #tpu.memory_space<hbm>>
      %dma_start3A_63 = arith.constant 0 : i32
      %dma_start3A_64 = tpu.memref_slice %arg2[%add3A_60, %dma_start3A_63] : memref<6480x1920xf32, #tpu.memory_space<hbm>> -> memref<4x1920xf32, #tpu.memory_space<hbm>>
      tpu.enqueue_dma source(%dma_start3A_64 : memref<4x1920xf32, #tpu.memory_space<hbm>>) target(%arg13 : memref<4x1920xf32, #tpu.memory_space<vmem>>) target_semaphore(%arg25 : memref<!tpu.dma_semaphore, #tpu.memory_space<semaphore_mem>>)
    } else {
    }
    %scan3A = arith.constant 0 : i32
    %scan3A_23 = arith.constant 0 : i32
    %scan3A_24 = arith.constant 9 : i32
    %scan3A_25 = arith.addi %scan3A_23, %scan3A_24 : i32
    %scan3A_26 = arith.constant 1 : i32
    %scan3A_27 = scf.for %scan3A_46 = %scan3A_23 to %scan3A_25 step %scan3A_26 iter_args(%scan3A_47 = %scan3A) -> (i32)  : i32 {
      %mul3A_48 = arith.constant 2 : i32
      %mul3A_49 = arith.muli %mul3A_48, %scan3A_46 : i32
      %add3A_50 = arith.constant 1 : i32
      %add3A_51 = arith.addi %mul3A_49, %add3A_50 : i32
      %mul3A_52 = arith.constant 32 : i32
      %mul3A_53 = arith.muli %add3A_51, %mul3A_52 : i32
      %add3A_54 = arith.addi %add3A, %mul3A_53 : i32
      %mul3A_55 = arith.constant 4 : i32
      %mul3A_56 = arith.muli %add3A_54, %mul3A_55 : i32
      %ge3A_57 = arith.constant 1080 : i32
      %ge3A_58 = arith.cmpi sge, %mul3A_56, %ge3A_57 : i32
      %jit3A_59 = arith.constant 1 : i32
      %jit3A_60 = arith.constant 0 : i32
      %select_n3A_61 = arith.select %ge3A_58, %jit3A_59, %jit3A_60 : i32
      %mul3A_62 = arith.constant 2 : i32
      %mul3A_63 = arith.muli %select_n3A_61, %mul3A_62 : i32
      %mul3A_64 = arith.constant 1080 : i32
      %mul3A_65 = arith.muli %mul3A_63, %mul3A_64 : i32
      %add3A_66 = arith.addi %mul3A_56, %mul3A_65 : i32
      %lt3A_67 = arith.constant 540 : i32
      %lt3A_68 = arith.cmpi slt, %add3A_54, %lt3A_67 : i32
      %convert_element_type3A_69 = arith.extui %lt3A_68 : i1 to i32
      %cond3A_70 = arith.constant 0 : i32
      %cond3A_71 = arith.cmpi ne, %convert_element_type3A_69, %cond3A_70 : i32
      scf.if %cond3A_71 {
        %dma_start3A = arith.constant 0 : i32
        %dma_start3A_192 = tpu.memref_slice %arg3[%mul3A_56, %dma_start3A] : memref<2160x1920xf32, #tpu.memory_space<hbm>> -> memref<4x1920xf32, #tpu.memory_space<hbm>>
        %dma_start3A_193 = arith.constant 0 : i32
        %dma_start3A_194 = tpu.memref_slice %arg3[%mul3A_56, %dma_start3A_193] : memref<2160x1920xf32, #tpu.memory_space<hbm>> -> memref<4x1920xf32, #tpu.memory_space<hbm>>
        tpu.enqueue_dma source(%dma_start3A_194 : memref<4x1920xf32, #tpu.memory_space<hbm>>) target(%arg8 : memref<4x1920xf32, #tpu.memory_space<vmem>>) target_semaphore(%arg26 : memref<!tpu.dma_semaphore, #tpu.memory_space<semaphore_mem>>)
        %dma_start3A_195 = arith.constant 0 : i32
        %dma_start3A_196 = tpu.memref_slice %arg2[%add3A_66, %dma_start3A_195] : memref<6480x1920xf32, #tpu.memory_space<hbm>> -> memref<4x1920xf32, #tpu.memory_space<hbm>>
        %dma_start3A_197 = arith.constant 0 : i32
        %dma_start3A_198 = tpu.memref_slice %arg2[%add3A_66, %dma_start3A_197] : memref<6480x1920xf32, #tpu.memory_space<hbm>> -> memref<4x1920xf32, #tpu.memory_space<hbm>>
        tpu.enqueue_dma source(%dma_start3A_198 : memref<4x1920xf32, #tpu.memory_space<hbm>>) target(%arg10 : memref<4x1920xf32, #tpu.memory_space<vmem>>) target_semaphore(%arg26 : memref<!tpu.dma_semaphore, #tpu.memory_space<semaphore_mem>>)
        %add3A_199 = arith.constant 1080 : i32
        %add3A_200 = arith.addi %add3A_66, %add3A_199 : i32
        %dma_start3A_201 = arith.constant 0 : i32
        %dma_start3A_202 = tpu.memref_slice %arg2[%add3A_200, %dma_start3A_201] : memref<6480x1920xf32, #tpu.memory_space<hbm>> -> memref<4x1920xf32, #tpu.memory_space<hbm>>
        %dma_start3A_203 = arith.constant 0 : i32
        %dma_start3A_204 = tpu.memref_slice %arg2[%add3A_200, %dma_start3A_203] : memref<6480x1920xf32, #tpu.memory_space<hbm>> -> memref<4x1920xf32, #tpu.memory_space<hbm>>
        tpu.enqueue_dma source(%dma_start3A_204 : memref<4x1920xf32, #tpu.memory_space<hbm>>) target(%arg12 : memref<4x1920xf32, #tpu.memory_space<vmem>>) target_semaphore(%arg26 : memref<!tpu.dma_semaphore, #tpu.memory_space<semaphore_mem>>)
        %add3A_205 = arith.constant 2160 : i32
        %add3A_206 = arith.addi %add3A_66, %add3A_205 : i32
        %dma_start3A_207 = arith.constant 0 : i32
        %dma_start3A_208 = tpu.memref_slice %arg2[%add3A_206, %dma_start3A_207] : memref<6480x1920xf32, #tpu.memory_space<hbm>> -> memref<4x1920xf32, #tpu.memory_space<hbm>>
        %dma_start3A_209 = arith.constant 0 : i32
        %dma_start3A_210 = tpu.memref_slice %arg2[%add3A_206, %dma_start3A_209] : memref<6480x1920xf32, #tpu.memory_space<hbm>> -> memref<4x1920xf32, #tpu.memory_space<hbm>>
        tpu.enqueue_dma source(%dma_start3A_210 : memref<4x1920xf32, #tpu.memory_space<hbm>>) target(%arg14 : memref<4x1920xf32, #tpu.memory_space<vmem>>) target_semaphore(%arg26 : memref<!tpu.dma_semaphore, #tpu.memory_space<semaphore_mem>>)
      } else {
      }
      %mul3A_72 = arith.constant 32 : i32
      %mul3A_73 = arith.muli %mul3A_49, %mul3A_72 : i32
      %add3A_74 = arith.addi %add3A, %mul3A_73 : i32
      %lt3A_75 = arith.constant 540 : i32
      %lt3A_76 = arith.cmpi slt, %add3A_74, %lt3A_75 : i32
      %convert_element_type3A_77 = arith.extui %lt3A_76 : i1 to i32
      %cond3A_78 = arith.constant 0 : i32
      %cond3A_79 = arith.cmpi ne, %convert_element_type3A_77, %cond3A_78 : i32
      scf.if %cond3A_79 {
        %dma_wait3A = arith.constant 0 : i32
        %dma_wait3A_192 = arith.constant 0 : i32
        %dma_wait3A_193 = tpu.memref_slice %arg3[%dma_wait3A, %dma_wait3A_192] : memref<2160x1920xf32, #tpu.memory_space<hbm>> -> memref<4x1920xf32, #tpu.memory_space<hbm>>
        %dma_wait3A_194 = arith.constant 0 : i32
        %dma_wait3A_195 = arith.constant 0 : i32
        %dma_wait3A_196 = tpu.memref_slice %arg3[%dma_wait3A_194, %dma_wait3A_195] : memref<2160x1920xf32, #tpu.memory_space<hbm>> -> memref<4x1920xf32, #tpu.memory_space<hbm>>
        tpu.wait_dma2 semaphore(%arg25 : memref<!tpu.dma_semaphore, #tpu.memory_space<semaphore_mem>>) src(%dma_wait3A_196 : memref<4x1920xf32, #tpu.memory_space<hbm>>) dst(%arg7 : memref<4x1920xf32, #tpu.memory_space<vmem>>)
        %dma_wait3A_197 = arith.constant 0 : i32
        %dma_wait3A_198 = arith.constant 0 : i32
        %dma_wait3A_199 = tpu.memref_slice %arg2[%dma_wait3A_197, %dma_wait3A_198] : memref<6480x1920xf32, #tpu.memory_space<hbm>> -> memref<4x1920xf32, #tpu.memory_space<hbm>>
        %dma_wait3A_200 = arith.constant 0 : i32
        %dma_wait3A_201 = arith.constant 0 : i32
        %dma_wait3A_202 = tpu.memref_slice %arg2[%dma_wait3A_200, %dma_wait3A_201] : memref<6480x1920xf32, #tpu.memory_space<hbm>> -> memref<4x1920xf32, #tpu.memory_space<hbm>>
        tpu.wait_dma2 semaphore(%arg25 : memref<!tpu.dma_semaphore, #tpu.memory_space<semaphore_mem>>) src(%dma_wait3A_202 : memref<4x1920xf32, #tpu.memory_space<hbm>>) dst(%arg9 : memref<4x1920xf32, #tpu.memory_space<vmem>>)
        %dma_wait3A_203 = arith.constant 0 : i32
        %dma_wait3A_204 = arith.constant 0 : i32
        %dma_wait3A_205 = tpu.memref_slice %arg2[%dma_wait3A_203, %dma_wait3A_204] : memref<6480x1920xf32, #tpu.memory_space<hbm>> -> memref<4x1920xf32, #tpu.memory_space<hbm>>
        %dma_wait3A_206 = arith.constant 0 : i32
        %dma_wait3A_207 = arith.constant 0 : i32
        %dma_wait3A_208 = tpu.memref_slice %arg2[%dma_wait3A_206, %dma_wait3A_207] : memref<6480x1920xf32, #tpu.memory_space<hbm>> -> memref<4x1920xf32, #tpu.memory_space<hbm>>
        tpu.wait_dma2 semaphore(%arg25 : memref<!tpu.dma_semaphore, #tpu.memory_space<semaphore_mem>>) src(%dma_wait3A_208 : memref<4x1920xf32, #tpu.memory_space<hbm>>) dst(%arg11 : memref<4x1920xf32, #tpu.memory_space<vmem>>)
        %dma_wait3A_209 = arith.constant 0 : i32
        %dma_wait3A_210 = arith.constant 0 : i32
        %dma_wait3A_211 = tpu.memref_slice %arg2[%dma_wait3A_209, %dma_wait3A_210] : memref<6480x1920xf32, #tpu.memory_space<hbm>> -> memref<4x1920xf32, #tpu.memory_space<hbm>>
        %dma_wait3A_212 = arith.constant 0 : i32
        %dma_wait3A_213 = arith.constant 0 : i32
        %dma_wait3A_214 = tpu.memref_slice %arg2[%dma_wait3A_212, %dma_wait3A_213] : memref<6480x1920xf32, #tpu.memory_space<hbm>> -> memref<4x1920xf32, #tpu.memory_space<hbm>>
        tpu.wait_dma2 semaphore(%arg25 : memref<!tpu.dma_semaphore, #tpu.memory_space<semaphore_mem>>) src(%dma_wait3A_214 : memref<4x1920xf32, #tpu.memory_space<hbm>>) dst(%arg13 : memref<4x1920xf32, #tpu.memory_space<vmem>>)
      } else {
      }
      %sub3A = arith.constant 2 : i32
      %sub3A_80 = arith.subi %mul3A_49, %sub3A : i32
      %mul3A_81 = arith.constant 32 : i32
      %mul3A_82 = arith.muli %sub3A_80, %mul3A_81 : i32
      %add3A_83 = arith.addi %add3A, %mul3A_82 : i32
      %ge3A_84 = arith.constant 0 : i32
      %ge3A_85 = arith.cmpi sge, %sub3A_80, %ge3A_84 : i32
      %lt3A_86 = arith.constant 540 : i32
      %lt3A_87 = arith.cmpi slt, %add3A_83, %lt3A_86 : i32
      %and3A_88 = arith.andi %ge3A_85, %lt3A_87 : i1
      %convert_element_type3A_89 = arith.extui %and3A_88 : i1 to i32
      %cond3A_90 = arith.constant 0 : i32
      %cond3A_91 = arith.cmpi ne, %convert_element_type3A_89, %cond3A_90 : i32
      scf.if %cond3A_91 {
        %dma_wait3A = arith.constant 0 : i32
        %dma_wait3A_192 = arith.constant 0 : i32
        %dma_wait3A_193 = tpu.memref_slice %arg5[%dma_wait3A, %dma_wait3A_192] : memref<6480x1920xf32, #tpu.memory_space<hbm>> -> memref<4x1920xf32, #tpu.memory_space<hbm>>
        %dma_wait3A_194 = arith.constant 0 : i32
        %dma_wait3A_195 = arith.constant 0 : i32
        %dma_wait3A_196 = tpu.memref_slice %arg5[%dma_wait3A_194, %dma_wait3A_195] : memref<6480x1920xf32, #tpu.memory_space<hbm>> -> memref<4x1920xf32, #tpu.memory_space<hbm>>
        tpu.wait_dma2 semaphore(%arg27 : memref<!tpu.dma_semaphore, #tpu.memory_space<semaphore_mem>>) src(%arg15 : memref<4x1920xf32, #tpu.memory_space<vmem>>) dst(%dma_wait3A_196 : memref<4x1920xf32, #tpu.memory_space<hbm>>)
        %dma_wait3A_197 = arith.constant 0 : i32
        %dma_wait3A_198 = arith.constant 0 : i32
        %dma_wait3A_199 = tpu.memref_slice %arg5[%dma_wait3A_197, %dma_wait3A_198] : memref<6480x1920xf32, #tpu.memory_space<hbm>> -> memref<4x1920xf32, #tpu.memory_space<hbm>>
        %dma_wait3A_200 = arith.constant 0 : i32
        %dma_wait3A_201 = arith.constant 0 : i32
        %dma_wait3A_202 = tpu.memref_slice %arg5[%dma_wait3A_200, %dma_wait3A_201] : memref<6480x1920xf32, #tpu.memory_space<hbm>> -> memref<4x1920xf32, #tpu.memory_space<hbm>>
        tpu.wait_dma2 semaphore(%arg27 : memref<!tpu.dma_semaphore, #tpu.memory_space<semaphore_mem>>) src(%arg17 : memref<4x1920xf32, #tpu.memory_space<vmem>>) dst(%dma_wait3A_202 : memref<4x1920xf32, #tpu.memory_space<hbm>>)
        %dma_wait3A_203 = arith.constant 0 : i32
        %dma_wait3A_204 = arith.constant 0 : i32
        %dma_wait3A_205 = tpu.memref_slice %arg5[%dma_wait3A_203, %dma_wait3A_204] : memref<6480x1920xf32, #tpu.memory_space<hbm>> -> memref<4x1920xf32, #tpu.memory_space<hbm>>
        %dma_wait3A_206 = arith.constant 0 : i32
        %dma_wait3A_207 = arith.constant 0 : i32
        %dma_wait3A_208 = tpu.memref_slice %arg5[%dma_wait3A_206, %dma_wait3A_207] : memref<6480x1920xf32, #tpu.memory_space<hbm>> -> memref<4x1920xf32, #tpu.memory_space<hbm>>
        tpu.wait_dma2 semaphore(%arg27 : memref<!tpu.dma_semaphore, #tpu.memory_space<semaphore_mem>>) src(%arg19 : memref<4x1920xf32, #tpu.memory_space<vmem>>) dst(%dma_wait3A_208 : memref<4x1920xf32, #tpu.memory_space<hbm>>)
      } else {
      }
      %mul3A_92 = arith.constant 32 : i32
      %mul3A_93 = arith.muli %mul3A_49, %mul3A_92 : i32
      %add3A_94 = arith.addi %add3A, %mul3A_93 : i32
      %lt3A_95 = arith.constant 540 : i32
      %lt3A_96 = arith.cmpi slt, %add3A_94, %lt3A_95 : i32
      %convert_element_type3A_97 = arith.extui %lt3A_96 : i1 to i32
      %cond3A_98 = arith.constant 0 : i32
      %cond3A_99 = arith.cmpi ne, %convert_element_type3A_97, %cond3A_98 : i32
      scf.if %cond3A_99 {
        %scan3A_192 = arith.constant 0 : i32
        %scan3A_193 = arith.constant 0 : i32
        %scan3A_194 = arith.constant 4 : i32
        %scan3A_195 = arith.addi %scan3A_193, %scan3A_194 : i32
        %scan3A_196 = arith.constant 1 : i32
        %scan3A_197 = scf.for %scan3A_199 = %scan3A_193 to %scan3A_195 step %scan3A_196 iter_args(%scan3A_200 = %scan3A_192) -> (i32)  : i32 {
          %broadcast_in_dim3A_201 = vector.broadcast %scan3A_199 : i32 to vector<16xi32>
          %parallel_loop3A_202 = arith.constant 0 : i32
          %parallel_loop3A_203 = arith.constant 120 : i32
          %parallel_loop3A_204 = arith.constant 1 : i32
          %parallel_loop3A_205 = scf.for %parallel_loop3A_210 = %parallel_loop3A_202 to %parallel_loop3A_203 step %parallel_loop3A_204 iter_args(%parallel_loop3A_211 = %mul3A_6) -> (vector<16xi32>)  : i32 {
            %parallel_loop3A_212 = tpu.vector_load_idx %arg7[%broadcast_in_dim3A_201, %parallel_loop3A_211] : memref<4x1920xf32, #tpu.memory_space<vmem>>[vector<16xi32>, vector<16xi32>], vector<16xf32>,
            %parallel_loop3A_213 = arith.subf %parallel_loop3A_212, %get3A_1 : vector<16xf32>
            %parallel_loop3A_214 = arith.constant 0.346422553 : f32
            %parallel_loop3A_215 = vector.broadcast %parallel_loop3A_214 : f32 to vector<16xf32>
            %parallel_loop3A_216 = arith.mulf %parallel_loop3A_213, %parallel_loop3A_215 : vector<16xf32>
            %parallel_loop3A_217 = math.exp %parallel_loop3A_216 : vector<16xf32>
            %parallel_loop3A_218 = arith.sitofp %parallel_loop3A_211 : vector<16xi32> to vector<16xf32>
            %parallel_loop3A_219 = arith.subf %parallel_loop3A_218, %parallel_loop3A_212 : vector<16xf32>
            %parallel_loop3A_220 = arith.constant -4.000000e+00 : f32
            %parallel_loop3A_221 = vector.broadcast %parallel_loop3A_220 : f32 to vector<16xf32>
            %parallel_loop3A_222 = arith.maximumf %parallel_loop3A_219, %parallel_loop3A_221 : vector<16xf32>
            %parallel_loop3A_223 = arith.constant 1.924000e+03 : f32
            %parallel_loop3A_224 = vector.broadcast %parallel_loop3A_223 : f32 to vector<16xf32>
            %parallel_loop3A_225 = arith.minimumf %parallel_loop3A_222, %parallel_loop3A_224 : vector<16xf32>
            %parallel_loop3A_226 = arith.fptosi %parallel_loop3A_225 : vector<16xf32> to vector<16xi32>
            %parallel_loop3A_227 = arith.sitofp %parallel_loop3A_226 : vector<16xi32> to vector<16xf32>
            %parallel_loop3A_228 = arith.cmpf ogt, %parallel_loop3A_227, %parallel_loop3A_225 : vector<16xf32>
            %parallel_loop3A_229 = arith.constant 1 : i32
            %parallel_loop3A_230 = vector.broadcast %parallel_loop3A_229 : i32 to vector<16xi32>
            %parallel_loop3A_231 = arith.subi %parallel_loop3A_226, %parallel_loop3A_230 : vector<16xi32>
            %parallel_loop3A_232 = arith.select %parallel_loop3A_228, %parallel_loop3A_231, %parallel_loop3A_226 : vector<16xi1>, vector<16xi32>
            %parallel_loop3A_233 = arith.constant 1.000000e+00 : f32
            %parallel_loop3A_234 = vector.broadcast %parallel_loop3A_233 : f32 to vector<16xf32>
            %parallel_loop3A_235 = arith.subf %parallel_loop3A_227, %parallel_loop3A_234 : vector<16xf32>
            %parallel_loop3A_236 = arith.select %parallel_loop3A_228, %parallel_loop3A_235, %parallel_loop3A_227 : vector<16xi1>, vector<16xf32>
            %parallel_loop3A_237 = arith.subf %parallel_loop3A_225, %parallel_loop3A_236 : vector<16xf32>
            %parallel_loop3A_238 = arith.mulf %parallel_loop3A_217, %parallel_loop3A_237 : vector<16xf32>
            %parallel_loop3A_239 = arith.subf %parallel_loop3A_217, %parallel_loop3A_238 : vector<16xf32>
            %parallel_loop3A_240 = arith.constant 0.000000e+00 : f32
            %parallel_loop3A_241 = vector.broadcast %parallel_loop3A_240 : f32 to vector<16xf32>
            %parallel_loop3A_242 = arith.cmpf oge, %parallel_loop3A_236, %parallel_loop3A_241 : vector<16xf32>
            %parallel_loop3A_243 = arith.constant 1.919000e+03 : f32
            %parallel_loop3A_244 = vector.broadcast %parallel_loop3A_243 : f32 to vector<16xf32>
            %parallel_loop3A_245 = arith.cmpf ole, %parallel_loop3A_236, %parallel_loop3A_244 : vector<16xf32>
            %parallel_loop3A_246 = arith.andi %parallel_loop3A_242, %parallel_loop3A_245 : vector<16xi1>
            %parallel_loop3A_247 = arith.constant -1.000000e+00 : f32
            %parallel_loop3A_248 = vector.broadcast %parallel_loop3A_247 : f32 to vector<16xf32>
            %parallel_loop3A_249 = arith.cmpf oge, %parallel_loop3A_236, %parallel_loop3A_248 : vector<16xf32>
            %parallel_loop3A_250 = arith.constant 1.918000e+03 : f32
            %parallel_loop3A_251 = vector.broadcast %parallel_loop3A_250 : f32 to vector<16xf32>
            %parallel_loop3A_252 = arith.cmpf ole, %parallel_loop3A_236, %parallel_loop3A_251 : vector<16xf32>
            %parallel_loop3A_253 = arith.andi %parallel_loop3A_249, %parallel_loop3A_252 : vector<16xi1>
            %parallel_loop3A_254 = arith.constant 0.000000e+00 : f32
            %parallel_loop3A_255 = vector.broadcast %parallel_loop3A_254 : f32 to vector<16xf32>
            %parallel_loop3A_256 = arith.select %parallel_loop3A_246, %parallel_loop3A_239, %parallel_loop3A_255 : vector<16xi1>, vector<16xf32>
            %parallel_loop3A_257 = arith.constant 0.000000e+00 : f32
            %parallel_loop3A_258 = vector.broadcast %parallel_loop3A_257 : f32 to vector<16xf32>
            %parallel_loop3A_259 = arith.select %parallel_loop3A_253, %parallel_loop3A_238, %parallel_loop3A_258 : vector<16xi1>, vector<16xf32>
            %parallel_loop3A_260 = arith.constant 0 : i32
            %parallel_loop3A_261 = vector.broadcast %parallel_loop3A_260 : i32 to vector<16xi32>
            %parallel_loop3A_262 = arith.maxsi %parallel_loop3A_232, %parallel_loop3A_261 : vector<16xi32>
            %parallel_loop3A_263 = arith.constant 1 : i32
            %parallel_loop3A_264 = vector.broadcast %parallel_loop3A_263 : i32 to vector<16xi32>
            %parallel_loop3A_265 = arith.addi %parallel_loop3A_232, %parallel_loop3A_264 : vector<16xi32>
            %parallel_loop3A_266 = arith.constant 0 : i32
            %parallel_loop3A_267 = vector.broadcast %parallel_loop3A_266 : i32 to vector<16xi32>
            %parallel_loop3A_268 = arith.maxsi %parallel_loop3A_265, %parallel_loop3A_267 : vector<16xi32>
            %parallel_loop3A_269 = tpu.vector_load_idx %arg9[%broadcast_in_dim3A_201, %parallel_loop3A_211] : memref<4x1920xf32, #tpu.memory_space<vmem>>[vector<16xi32>, vector<16xi32>], vector<16xf32>,
            %parallel_loop3A_270 = tpu.vector_load_idx %arg11[%broadcast_in_dim3A_201, %parallel_loop3A_211] : memref<4x1920xf32, #tpu.memory_space<vmem>>[vector<16xi32>, vector<16xi32>], vector<16xf32>,
            %parallel_loop3A_271 = tpu.vector_load_idx %arg13[%broadcast_in_dim3A_201, %parallel_loop3A_211] : memref<4x1920xf32, #tpu.memory_space<vmem>>[vector<16xi32>, vector<16xi32>], vector<16xf32>,
            %parallel_loop3A_272 = arith.mulf %parallel_loop3A_269, %parallel_loop3A_256 : vector<16xf32>
            tpu.vector_store_idx %arg21[%parallel_loop3A_262], %parallel_loop3A_272 {add = true} : memref<1936xf32, #tpu.memory_space<vmem>>[vector<16xi32>], vector<16xf32>,
            %parallel_loop3A_273 = arith.mulf %parallel_loop3A_269, %parallel_loop3A_259 : vector<16xf32>
            tpu.vector_store_idx %arg21[%parallel_loop3A_268], %parallel_loop3A_273 {add = true} : memref<1936xf32, #tpu.memory_space<vmem>>[vector<16xi32>], vector<16xf32>,
            %parallel_loop3A_274 = arith.mulf %parallel_loop3A_270, %parallel_loop3A_256 : vector<16xf32>
            tpu.vector_store_idx %arg22[%parallel_loop3A_262], %parallel_loop3A_274 {add = true} : memref<1936xf32, #tpu.memory_space<vmem>>[vector<16xi32>], vector<16xf32>,
            %parallel_loop3A_275 = arith.mulf %parallel_loop3A_270, %parallel_loop3A_259 : vector<16xf32>
            tpu.vector_store_idx %arg22[%parallel_loop3A_268], %parallel_loop3A_275 {add = true} : memref<1936xf32, #tpu.memory_space<vmem>>[vector<16xi32>], vector<16xf32>,
            %parallel_loop3A_276 = arith.mulf %parallel_loop3A_271, %parallel_loop3A_256 : vector<16xf32>
            tpu.vector_store_idx %arg23[%parallel_loop3A_262], %parallel_loop3A_276 {add = true} : memref<1936xf32, #tpu.memory_space<vmem>>[vector<16xi32>], vector<16xf32>,
            %parallel_loop3A_277 = arith.mulf %parallel_loop3A_271, %parallel_loop3A_259 : vector<16xf32>
            tpu.vector_store_idx %arg23[%parallel_loop3A_268], %parallel_loop3A_277 {add = true} : memref<1936xf32, #tpu.memory_space<vmem>>[vector<16xi32>], vector<16xf32>,
            tpu.vector_store_idx %arg24[%parallel_loop3A_262], %parallel_loop3A_256 {add = true} : memref<1936xf32, #tpu.memory_space<vmem>>[vector<16xi32>], vector<16xf32>,
            tpu.vector_store_idx %arg24[%parallel_loop3A_268], %parallel_loop3A_259 {add = true} : memref<1936xf32, #tpu.memory_space<vmem>>[vector<16xi32>], vector<16xf32>,
            %parallel_loop3A_278 = arith.constant 16 : i32
            %parallel_loop3A_279 = vector.broadcast %parallel_loop3A_278 : i32 to vector<16xi32>
            %parallel_loop3A_280 = arith.addi %parallel_loop3A_211, %parallel_loop3A_279 : vector<16xi32>
            %parallel_loop3A_281 = arith.constant 1920 : i32
            %parallel_loop3A_282 = vector.broadcast %parallel_loop3A_281 : i32 to vector<16xi32>
            %parallel_loop3A_283 = arith.cmpi sge, %parallel_loop3A_280, %parallel_loop3A_282 : vector<16xi32>
            %parallel_loop3A_284 = arith.constant 1920 : i32
            %parallel_loop3A_285 = vector.broadcast %parallel_loop3A_284 : i32 to vector<16xi32>
            %parallel_loop3A_286 = arith.subi %parallel_loop3A_280, %parallel_loop3A_285 : vector<16xi32>
            %parallel_loop3A_287 = arith.select %parallel_loop3A_283, %parallel_loop3A_286, %parallel_loop3A_280 : vector<16xi1>, vector<16xi32>
            scf.yield %parallel_loop3A_287 : vector<16xi32>
          } {sc.loop_unroll_factor = 4 : i64, sc.parallel_access}
          %parallel_loop3A_206 = arith.constant 0 : i32
          %parallel_loop3A_207 = arith.constant 120 : i32
          %parallel_loop3A_208 = arith.constant 1 : i32
          scf.for %parallel_loop3A_210 = %parallel_loop3A_206 to %parallel_loop3A_207 step %parallel_loop3A_208  : i32 {
            %parallel_loop3A_211 = arith.constant 16 : i32
            %parallel_loop3A_212 = arith.muli %parallel_loop3A_210, %parallel_loop3A_211 : i32
            %parallel_loop3A_213 = arith.index_cast %parallel_loop3A_212 : i32 to index
            %parallel_loop3A_214 = tpu.vector_load %arg24[%parallel_loop3A_213] {strides = array<i32>} : memref<1936xf32, #tpu.memory_space<vmem>>, vector<16xf32>,
            %parallel_loop3A_215 = arith.constant 9.99999997E-7 : f32
            %parallel_loop3A_216 = vector.broadcast %parallel_loop3A_215 : f32 to vector<16xf32>
            %parallel_loop3A_217 = arith.maximumf %parallel_loop3A_214, %parallel_loop3A_216 : vector<16xf32>
            %parallel_loop3A_218 = arith.constant 1.000000e+00 : f32
            %parallel_loop3A_219 = vector.broadcast %parallel_loop3A_218 : f32 to vector<16xf32>
            %parallel_loop3A_220 = arith.divf %parallel_loop3A_219, %parallel_loop3A_217 : vector<16xf32>
            %parallel_loop3A_221 = arith.index_cast %parallel_loop3A_212 : i32 to index
            %parallel_loop3A_222 = tpu.vector_load %arg21[%parallel_loop3A_221] {strides = array<i32>} : memref<1936xf32, #tpu.memory_space<vmem>>, vector<16xf32>,
            %parallel_loop3A_223 = arith.mulf %parallel_loop3A_222, %parallel_loop3A_220 : vector<16xf32>
            %parallel_loop3A_224 = arith.index_cast %scan3A_199 : i32 to index
            %parallel_loop3A_225 = arith.index_cast %parallel_loop3A_212 : i32 to index
            %parallel_loop3A_226 = tpu.vector_load %arg15[%parallel_loop3A_224, %parallel_loop3A_225] {strides = array<i32>} : memref<4x1920xf32, #tpu.memory_space<vmem>>, vector<16xf32>,
            tpu.vector_store %arg15[%parallel_loop3A_224, %parallel_loop3A_225], %parallel_loop3A_223 {strides = array<i32>} : memref<4x1920xf32, #tpu.memory_space<vmem>>, vector<16xf32>,
            %parallel_loop3A_227 = arith.index_cast %parallel_loop3A_212 : i32 to index
            %parallel_loop3A_228 = tpu.vector_load %arg22[%parallel_loop3A_227] {strides = array<i32>} : memref<1936xf32, #tpu.memory_space<vmem>>, vector<16xf32>,
            %parallel_loop3A_229 = arith.mulf %parallel_loop3A_228, %parallel_loop3A_220 : vector<16xf32>
            %parallel_loop3A_230 = arith.index_cast %scan3A_199 : i32 to index
            %parallel_loop3A_231 = arith.index_cast %parallel_loop3A_212 : i32 to index
            %parallel_loop3A_232 = tpu.vector_load %arg17[%parallel_loop3A_230, %parallel_loop3A_231] {strides = array<i32>} : memref<4x1920xf32, #tpu.memory_space<vmem>>, vector<16xf32>,
            tpu.vector_store %arg17[%parallel_loop3A_230, %parallel_loop3A_231], %parallel_loop3A_229 {strides = array<i32>} : memref<4x1920xf32, #tpu.memory_space<vmem>>, vector<16xf32>,
            %parallel_loop3A_233 = arith.index_cast %parallel_loop3A_212 : i32 to index
            %parallel_loop3A_234 = tpu.vector_load %arg23[%parallel_loop3A_233] {strides = array<i32>} : memref<1936xf32, #tpu.memory_space<vmem>>, vector<16xf32>,
            %parallel_loop3A_235 = arith.mulf %parallel_loop3A_234, %parallel_loop3A_220 : vector<16xf32>
            %parallel_loop3A_236 = arith.index_cast %scan3A_199 : i32 to index
            %parallel_loop3A_237 = arith.index_cast %parallel_loop3A_212 : i32 to index
            %parallel_loop3A_238 = tpu.vector_load %arg19[%parallel_loop3A_236, %parallel_loop3A_237] {strides = array<i32>} : memref<4x1920xf32, #tpu.memory_space<vmem>>, vector<16xf32>,
            tpu.vector_store %arg19[%parallel_loop3A_236, %parallel_loop3A_237], %parallel_loop3A_235 {strides = array<i32>} : memref<4x1920xf32, #tpu.memory_space<vmem>>, vector<16xf32>,
            %parallel_loop3A_239 = arith.index_cast %parallel_loop3A_212 : i32 to index
            %parallel_loop3A_240 = tpu.vector_load %arg21[%parallel_loop3A_239] {strides = array<i32>} : memref<1936xf32, #tpu.memory_space<vmem>>, vector<16xf32>,
            tpu.vector_store %arg21[%parallel_loop3A_239], %broadcast_in_dim3A_2 {strides = array<i32>} : memref<1936xf32, #tpu.memory_space<vmem>>, vector<16xf32>,
            %parallel_loop3A_241 = arith.index_cast %parallel_loop3A_212 : i32 to index
            %parallel_loop3A_242 = tpu.vector_load %arg22[%parallel_loop3A_241] {strides = array<i32>} : memref<1936xf32, #tpu.memory_space<vmem>>, vector<16xf32>,
            tpu.vector_store %arg22[%parallel_loop3A_241], %broadcast_in_dim3A_2 {strides = array<i32>} : memref<1936xf32, #tpu.memory_space<vmem>>, vector<16xf32>,
            %parallel_loop3A_243 = arith.index_cast %parallel_loop3A_212 : i32 to index
            %parallel_loop3A_244 = tpu.vector_load %arg23[%parallel_loop3A_243] {strides = array<i32>} : memref<1936xf32, #tpu.memory_space<vmem>>, vector<16xf32>,
            tpu.vector_store %arg23[%parallel_loop3A_243], %broadcast_in_dim3A_2 {strides = array<i32>} : memref<1936xf32, #tpu.memory_space<vmem>>, vector<16xf32>,
            %parallel_loop3A_245 = arith.index_cast %parallel_loop3A_212 : i32 to index
            %parallel_loop3A_246 = tpu.vector_load %arg24[%parallel_loop3A_245] {strides = array<i32>} : memref<1936xf32, #tpu.memory_space<vmem>>, vector<16xf32>,
            tpu.vector_store %arg24[%parallel_loop3A_245], %broadcast_in_dim3A_2 {strides = array<i32>} : memref<1936xf32, #tpu.memory_space<vmem>>, vector<16xf32>,
          } {sc.loop_unroll_factor = 4 : i64, sc.parallel_access}
          %scan3A_209 = arith.constant 0 : i32
          scf.yield %scan3A_209 : i32
        }
        %scan3A_198 = arith.constant 4 : i32
      } else {
      }
      %mul3A_100 = arith.constant 32 : i32
      %mul3A_101 = arith.muli %mul3A_49, %mul3A_100 : i32
      %add3A_102 = arith.addi %add3A, %mul3A_101 : i32
      %mul3A_103 = arith.constant 4 : i32
      %mul3A_104 = arith.muli %add3A_102, %mul3A_103 : i32
      %ge3A_105 = arith.constant 1080 : i32
      %ge3A_106 = arith.cmpi sge, %mul3A_104, %ge3A_105 : i32
      %jit3A_107 = arith.constant 1 : i32
      %jit3A_108 = arith.constant 0 : i32
      %select_n3A_109 = arith.select %ge3A_106, %jit3A_107, %jit3A_108 : i32
      %mul3A_110 = arith.constant 2 : i32
      %mul3A_111 = arith.muli %select_n3A_109, %mul3A_110 : i32
      %mul3A_112 = arith.constant 1080 : i32
      %mul3A_113 = arith.muli %mul3A_111, %mul3A_112 : i32
      %add3A_114 = arith.addi %mul3A_104, %mul3A_113 : i32
      %lt3A_115 = arith.constant 540 : i32
      %lt3A_116 = arith.cmpi slt, %add3A_102, %lt3A_115 : i32
      %convert_element_type3A_117 = arith.extui %lt3A_116 : i1 to i32
      %cond3A_118 = arith.constant 0 : i32
      %cond3A_119 = arith.cmpi ne, %convert_element_type3A_117, %cond3A_118 : i32
      scf.if %cond3A_119 {
        %dma_start3A = arith.constant 0 : i32
        %dma_start3A_192 = tpu.memref_slice %arg5[%add3A_114, %dma_start3A] : memref<6480x1920xf32, #tpu.memory_space<hbm>> -> memref<4x1920xf32, #tpu.memory_space<hbm>>
        %dma_start3A_193 = arith.constant 0 : i32
        %dma_start3A_194 = tpu.memref_slice %arg5[%add3A_114, %dma_start3A_193] : memref<6480x1920xf32, #tpu.memory_space<hbm>> -> memref<4x1920xf32, #tpu.memory_space<hbm>>
        tpu.enqueue_dma source(%arg15 : memref<4x1920xf32, #tpu.memory_space<vmem>>) target(%dma_start3A_194 : memref<4x1920xf32, #tpu.memory_space<hbm>>) target_semaphore(%arg27 : memref<!tpu.dma_semaphore, #tpu.memory_space<semaphore_mem>>)
        %add3A_195 = arith.constant 1080 : i32
        %add3A_196 = arith.addi %add3A_114, %add3A_195 : i32
        %dma_start3A_197 = arith.constant 0 : i32
        %dma_start3A_198 = tpu.memref_slice %arg5[%add3A_196, %dma_start3A_197] : memref<6480x1920xf32, #tpu.memory_space<hbm>> -> memref<4x1920xf32, #tpu.memory_space<hbm>>
        %dma_start3A_199 = arith.constant 0 : i32
        %dma_start3A_200 = tpu.memref_slice %arg5[%add3A_196, %dma_start3A_199] : memref<6480x1920xf32, #tpu.memory_space<hbm>> -> memref<4x1920xf32, #tpu.memory_space<hbm>>
        tpu.enqueue_dma source(%arg17 : memref<4x1920xf32, #tpu.memory_space<vmem>>) target(%dma_start3A_200 : memref<4x1920xf32, #tpu.memory_space<hbm>>) target_semaphore(%arg27 : memref<!tpu.dma_semaphore, #tpu.memory_space<semaphore_mem>>)
        %add3A_201 = arith.constant 2160 : i32
        %add3A_202 = arith.addi %add3A_114, %add3A_201 : i32
        %dma_start3A_203 = arith.constant 0 : i32
        %dma_start3A_204 = tpu.memref_slice %arg5[%add3A_202, %dma_start3A_203] : memref<6480x1920xf32, #tpu.memory_space<hbm>> -> memref<4x1920xf32, #tpu.memory_space<hbm>>
        %dma_start3A_205 = arith.constant 0 : i32
        %dma_start3A_206 = tpu.memref_slice %arg5[%add3A_202, %dma_start3A_205] : memref<6480x1920xf32, #tpu.memory_space<hbm>> -> memref<4x1920xf32, #tpu.memory_space<hbm>>
        tpu.enqueue_dma source(%arg19 : memref<4x1920xf32, #tpu.memory_space<vmem>>) target(%dma_start3A_206 : memref<4x1920xf32, #tpu.memory_space<hbm>>) target_semaphore(%arg27 : memref<!tpu.dma_semaphore, #tpu.memory_space<semaphore_mem>>)
      } else {
      }
      %add3A_120 = arith.constant 1 : i32
      %add3A_121 = arith.addi %add3A_51, %add3A_120 : i32
      %mul3A_122 = arith.constant 32 : i32
      %mul3A_123 = arith.muli %add3A_121, %mul3A_122 : i32
      %add3A_124 = arith.addi %add3A, %mul3A_123 : i32
      %mul3A_125 = arith.constant 4 : i32
      %mul3A_126 = arith.muli %add3A_124, %mul3A_125 : i32
      %ge3A_127 = arith.constant 1080 : i32
      %ge3A_128 = arith.cmpi sge, %mul3A_126, %ge3A_127 : i32
      %jit3A_129 = arith.constant 1 : i32
      %jit3A_130 = arith.constant 0 : i32
      %select_n3A_131 = arith.select %ge3A_128, %jit3A_129, %jit3A_130 : i32
      %mul3A_132 = arith.constant 2 : i32
      %mul3A_133 = arith.muli %select_n3A_131, %mul3A_132 : i32
      %mul3A_134 = arith.constant 1080 : i32
      %mul3A_135 = arith.muli %mul3A_133, %mul3A_134 : i32
      %add3A_136 = arith.addi %mul3A_126, %mul3A_135 : i32
      %lt3A_137 = arith.constant 540 : i32
      %lt3A_138 = arith.cmpi slt, %add3A_124, %lt3A_137 : i32
      %convert_element_type3A_139 = arith.extui %lt3A_138 : i1 to i32
      %cond3A_140 = arith.constant 0 : i32
      %cond3A_141 = arith.cmpi ne, %convert_element_type3A_139, %cond3A_140 : i32
      scf.if %cond3A_141 {
        %dma_start3A = arith.constant 0 : i32
        %dma_start3A_192 = tpu.memref_slice %arg3[%mul3A_126, %dma_start3A] : memref<2160x1920xf32, #tpu.memory_space<hbm>> -> memref<4x1920xf32, #tpu.memory_space<hbm>>
        %dma_start3A_193 = arith.constant 0 : i32
        %dma_start3A_194 = tpu.memref_slice %arg3[%mul3A_126, %dma_start3A_193] : memref<2160x1920xf32, #tpu.memory_space<hbm>> -> memref<4x1920xf32, #tpu.memory_space<hbm>>
        tpu.enqueue_dma source(%dma_start3A_194 : memref<4x1920xf32, #tpu.memory_space<hbm>>) target(%arg7 : memref<4x1920xf32, #tpu.memory_space<vmem>>) target_semaphore(%arg25 : memref<!tpu.dma_semaphore, #tpu.memory_space<semaphore_mem>>)
        %dma_start3A_195 = arith.constant 0 : i32
        %dma_start3A_196 = tpu.memref_slice %arg2[%add3A_136, %dma_start3A_195] : memref<6480x1920xf32, #tpu.memory_space<hbm>> -> memref<4x1920xf32, #tpu.memory_space<hbm>>
        %dma_start3A_197 = arith.constant 0 : i32
        %dma_start3A_198 = tpu.memref_slice %arg2[%add3A_136, %dma_start3A_197] : memref<6480x1920xf32, #tpu.memory_space<hbm>> -> memref<4x1920xf32, #tpu.memory_space<hbm>>
        tpu.enqueue_dma source(%dma_start3A_198 : memref<4x1920xf32, #tpu.memory_space<hbm>>) target(%arg9 : memref<4x1920xf32, #tpu.memory_space<vmem>>) target_semaphore(%arg25 : memref<!tpu.dma_semaphore, #tpu.memory_space<semaphore_mem>>)
        %add3A_199 = arith.constant 1080 : i32
        %add3A_200 = arith.addi %add3A_136, %add3A_199 : i32
        %dma_start3A_201 = arith.constant 0 : i32
        %dma_start3A_202 = tpu.memref_slice %arg2[%add3A_200, %dma_start3A_201] : memref<6480x1920xf32, #tpu.memory_space<hbm>> -> memref<4x1920xf32, #tpu.memory_space<hbm>>
        %dma_start3A_203 = arith.constant 0 : i32
        %dma_start3A_204 = tpu.memref_slice %arg2[%add3A_200, %dma_start3A_203] : memref<6480x1920xf32, #tpu.memory_space<hbm>> -> memref<4x1920xf32, #tpu.memory_space<hbm>>
        tpu.enqueue_dma source(%dma_start3A_204 : memref<4x1920xf32, #tpu.memory_space<hbm>>) target(%arg11 : memref<4x1920xf32, #tpu.memory_space<vmem>>) target_semaphore(%arg25 : memref<!tpu.dma_semaphore, #tpu.memory_space<semaphore_mem>>)
        %add3A_205 = arith.constant 2160 : i32
        %add3A_206 = arith.addi %add3A_136, %add3A_205 : i32
        %dma_start3A_207 = arith.constant 0 : i32
        %dma_start3A_208 = tpu.memref_slice %arg2[%add3A_206, %dma_start3A_207] : memref<6480x1920xf32, #tpu.memory_space<hbm>> -> memref<4x1920xf32, #tpu.memory_space<hbm>>
        %dma_start3A_209 = arith.constant 0 : i32
        %dma_start3A_210 = tpu.memref_slice %arg2[%add3A_206, %dma_start3A_209] : memref<6480x1920xf32, #tpu.memory_space<hbm>> -> memref<4x1920xf32, #tpu.memory_space<hbm>>
        tpu.enqueue_dma source(%dma_start3A_210 : memref<4x1920xf32, #tpu.memory_space<hbm>>) target(%arg13 : memref<4x1920xf32, #tpu.memory_space<vmem>>) target_semaphore(%arg25 : memref<!tpu.dma_semaphore, #tpu.memory_space<semaphore_mem>>)
      } else {
      }
      %mul3A_142 = arith.constant 32 : i32
      %mul3A_143 = arith.muli %add3A_51, %mul3A_142 : i32
      %add3A_144 = arith.addi %add3A, %mul3A_143 : i32
      %lt3A_145 = arith.constant 540 : i32
      %lt3A_146 = arith.cmpi slt, %add3A_144, %lt3A_145 : i32
      %convert_element_type3A_147 = arith.extui %lt3A_146 : i1 to i32
      %cond3A_148 = arith.constant 0 : i32
      %cond3A_149 = arith.cmpi ne, %convert_element_type3A_147, %cond3A_148 : i32
      scf.if %cond3A_149 {
        %dma_wait3A = arith.constant 0 : i32
        %dma_wait3A_192 = arith.constant 0 : i32
        %dma_wait3A_193 = tpu.memref_slice %arg3[%dma_wait3A, %dma_wait3A_192] : memref<2160x1920xf32, #tpu.memory_space<hbm>> -> memref<4x1920xf32, #tpu.memory_space<hbm>>
        %dma_wait3A_194 = arith.constant 0 : i32
        %dma_wait3A_195 = arith.constant 0 : i32
        %dma_wait3A_196 = tpu.memref_slice %arg3[%dma_wait3A_194, %dma_wait3A_195] : memref<2160x1920xf32, #tpu.memory_space<hbm>> -> memref<4x1920xf32, #tpu.memory_space<hbm>>
        tpu.wait_dma2 semaphore(%arg26 : memref<!tpu.dma_semaphore, #tpu.memory_space<semaphore_mem>>) src(%dma_wait3A_196 : memref<4x1920xf32, #tpu.memory_space<hbm>>) dst(%arg8 : memref<4x1920xf32, #tpu.memory_space<vmem>>)
        %dma_wait3A_197 = arith.constant 0 : i32
        %dma_wait3A_198 = arith.constant 0 : i32
        %dma_wait3A_199 = tpu.memref_slice %arg2[%dma_wait3A_197, %dma_wait3A_198] : memref<6480x1920xf32, #tpu.memory_space<hbm>> -> memref<4x1920xf32, #tpu.memory_space<hbm>>
        %dma_wait3A_200 = arith.constant 0 : i32
        %dma_wait3A_201 = arith.constant 0 : i32
        %dma_wait3A_202 = tpu.memref_slice %arg2[%dma_wait3A_200, %dma_wait3A_201] : memref<6480x1920xf32, #tpu.memory_space<hbm>> -> memref<4x1920xf32, #tpu.memory_space<hbm>>
        tpu.wait_dma2 semaphore(%arg26 : memref<!tpu.dma_semaphore, #tpu.memory_space<semaphore_mem>>) src(%dma_wait3A_202 : memref<4x1920xf32, #tpu.memory_space<hbm>>) dst(%arg10 : memref<4x1920xf32, #tpu.memory_space<vmem>>)
        %dma_wait3A_203 = arith.constant 0 : i32
        %dma_wait3A_204 = arith.constant 0 : i32
        %dma_wait3A_205 = tpu.memref_slice %arg2[%dma_wait3A_203, %dma_wait3A_204] : memref<6480x1920xf32, #tpu.memory_space<hbm>> -> memref<4x1920xf32, #tpu.memory_space<hbm>>
        %dma_wait3A_206 = arith.constant 0 : i32
        %dma_wait3A_207 = arith.constant 0 : i32
        %dma_wait3A_208 = tpu.memref_slice %arg2[%dma_wait3A_206, %dma_wait3A_207] : memref<6480x1920xf32, #tpu.memory_space<hbm>> -> memref<4x1920xf32, #tpu.memory_space<hbm>>
        tpu.wait_dma2 semaphore(%arg26 : memref<!tpu.dma_semaphore, #tpu.memory_space<semaphore_mem>>) src(%dma_wait3A_208 : memref<4x1920xf32, #tpu.memory_space<hbm>>) dst(%arg12 : memref<4x1920xf32, #tpu.memory_space<vmem>>)
        %dma_wait3A_209 = arith.constant 0 : i32
        %dma_wait3A_210 = arith.constant 0 : i32
        %dma_wait3A_211 = tpu.memref_slice %arg2[%dma_wait3A_209, %dma_wait3A_210] : memref<6480x1920xf32, #tpu.memory_space<hbm>> -> memref<4x1920xf32, #tpu.memory_space<hbm>>
        %dma_wait3A_212 = arith.constant 0 : i32
        %dma_wait3A_213 = arith.constant 0 : i32
        %dma_wait3A_214 = tpu.memref_slice %arg2[%dma_wait3A_212, %dma_wait3A_213] : memref<6480x1920xf32, #tpu.memory_space<hbm>> -> memref<4x1920xf32, #tpu.memory_space<hbm>>
        tpu.wait_dma2 semaphore(%arg26 : memref<!tpu.dma_semaphore, #tpu.memory_space<semaphore_mem>>) src(%dma_wait3A_214 : memref<4x1920xf32, #tpu.memory_space<hbm>>) dst(%arg14 : memref<4x1920xf32, #tpu.memory_space<vmem>>)
      } else {
      }
      %sub3A_150 = arith.constant 2 : i32
      %sub3A_151 = arith.subi %add3A_51, %sub3A_150 : i32
      %mul3A_152 = arith.constant 32 : i32
      %mul3A_153 = arith.muli %sub3A_151, %mul3A_152 : i32
      %add3A_154 = arith.addi %add3A, %mul3A_153 : i32
      %ge3A_155 = arith.constant 0 : i32
      %ge3A_156 = arith.cmpi sge, %sub3A_151, %ge3A_155 : i32
      %lt3A_157 = arith.constant 540 : i32
      %lt3A_158 = arith.cmpi slt, %add3A_154, %lt3A_157 : i32
      %and3A_159 = arith.andi %ge3A_156, %lt3A_158 : i1
      %convert_element_type3A_160 = arith.extui %and3A_159 : i1 to i32
      %cond3A_161 = arith.constant 0 : i32
      %cond3A_162 = arith.cmpi ne, %convert_element_type3A_160, %cond3A_161 : i32
      scf.if %cond3A_162 {
        %dma_wait3A = arith.constant 0 : i32
        %dma_wait3A_192 = arith.constant 0 : i32
        %dma_wait3A_193 = tpu.memref_slice %arg5[%dma_wait3A, %dma_wait3A_192] : memref<6480x1920xf32, #tpu.memory_space<hbm>> -> memref<4x1920xf32, #tpu.memory_space<hbm>>
        %dma_wait3A_194 = arith.constant 0 : i32
        %dma_wait3A_195 = arith.constant 0 : i32
        %dma_wait3A_196 = tpu.memref_slice %arg5[%dma_wait3A_194, %dma_wait3A_195] : memref<6480x1920xf32, #tpu.memory_space<hbm>> -> memref<4x1920xf32, #tpu.memory_space<hbm>>
        tpu.wait_dma2 semaphore(%arg28 : memref<!tpu.dma_semaphore, #tpu.memory_space<semaphore_mem>>) src(%arg16 : memref<4x1920xf32, #tpu.memory_space<vmem>>) dst(%dma_wait3A_196 : memref<4x1920xf32, #tpu.memory_space<hbm>>)
        %dma_wait3A_197 = arith.constant 0 : i32
        %dma_wait3A_198 = arith.constant 0 : i32
        %dma_wait3A_199 = tpu.memref_slice %arg5[%dma_wait3A_197, %dma_wait3A_198] : memref<6480x1920xf32, #tpu.memory_space<hbm>> -> memref<4x1920xf32, #tpu.memory_space<hbm>>
        %dma_wait3A_200 = arith.constant 0 : i32
        %dma_wait3A_201 = arith.constant 0 : i32
        %dma_wait3A_202 = tpu.memref_slice %arg5[%dma_wait3A_200, %dma_wait3A_201] : memref<6480x1920xf32, #tpu.memory_space<hbm>> -> memref<4x1920xf32, #tpu.memory_space<hbm>>
        tpu.wait_dma2 semaphore(%arg28 : memref<!tpu.dma_semaphore, #tpu.memory_space<semaphore_mem>>) src(%arg18 : memref<4x1920xf32, #tpu.memory_space<vmem>>) dst(%dma_wait3A_202 : memref<4x1920xf32, #tpu.memory_space<hbm>>)
        %dma_wait3A_203 = arith.constant 0 : i32
        %dma_wait3A_204 = arith.constant 0 : i32
        %dma_wait3A_205 = tpu.memref_slice %arg5[%dma_wait3A_203, %dma_wait3A_204] : memref<6480x1920xf32, #tpu.memory_space<hbm>> -> memref<4x1920xf32, #tpu.memory_space<hbm>>
        %dma_wait3A_206 = arith.constant 0 : i32
        %dma_wait3A_207 = arith.constant 0 : i32
        %dma_wait3A_208 = tpu.memref_slice %arg5[%dma_wait3A_206, %dma_wait3A_207] : memref<6480x1920xf32, #tpu.memory_space<hbm>> -> memref<4x1920xf32, #tpu.memory_space<hbm>>
        tpu.wait_dma2 semaphore(%arg28 : memref<!tpu.dma_semaphore, #tpu.memory_space<semaphore_mem>>) src(%arg20 : memref<4x1920xf32, #tpu.memory_space<vmem>>) dst(%dma_wait3A_208 : memref<4x1920xf32, #tpu.memory_space<hbm>>)
      } else {
      }
      %mul3A_163 = arith.constant 32 : i32
      %mul3A_164 = arith.muli %add3A_51, %mul3A_163 : i32
      %add3A_165 = arith.addi %add3A, %mul3A_164 : i32
      %lt3A_166 = arith.constant 540 : i32
      %lt3A_167 = arith.cmpi slt, %add3A_165, %lt3A_166 : i32
      %convert_element_type3A_168 = arith.extui %lt3A_167 : i1 to i32
      %cond3A_169 = arith.constant 0 : i32
      %cond3A_170 = arith.cmpi ne, %convert_element_type3A_168, %cond3A_169 : i32
      scf.if %cond3A_170 {
        %scan3A_192 = arith.constant 0 : i32
        %scan3A_193 = arith.constant 0 : i32
        %scan3A_194 = arith.constant 4 : i32
        %scan3A_195 = arith.addi %scan3A_193, %scan3A_194 : i32
        %scan3A_196 = arith.constant 1 : i32
        %scan3A_197 = scf.for %scan3A_199 = %scan3A_193 to %scan3A_195 step %scan3A_196 iter_args(%scan3A_200 = %scan3A_192) -> (i32)  : i32 {
          %broadcast_in_dim3A_201 = vector.broadcast %scan3A_199 : i32 to vector<16xi32>
          %parallel_loop3A_202 = arith.constant 0 : i32
          %parallel_loop3A_203 = arith.constant 120 : i32
          %parallel_loop3A_204 = arith.constant 1 : i32
          %parallel_loop3A_205 = scf.for %parallel_loop3A_210 = %parallel_loop3A_202 to %parallel_loop3A_203 step %parallel_loop3A_204 iter_args(%parallel_loop3A_211 = %mul3A_6) -> (vector<16xi32>)  : i32 {
            %parallel_loop3A_212 = tpu.vector_load_idx %arg8[%broadcast_in_dim3A_201, %parallel_loop3A_211] : memref<4x1920xf32, #tpu.memory_space<vmem>>[vector<16xi32>, vector<16xi32>], vector<16xf32>,
            %parallel_loop3A_213 = arith.subf %parallel_loop3A_212, %get3A_1 : vector<16xf32>
            %parallel_loop3A_214 = arith.constant 0.346422553 : f32
            %parallel_loop3A_215 = vector.broadcast %parallel_loop3A_214 : f32 to vector<16xf32>
            %parallel_loop3A_216 = arith.mulf %parallel_loop3A_213, %parallel_loop3A_215 : vector<16xf32>
            %parallel_loop3A_217 = math.exp %parallel_loop3A_216 : vector<16xf32>
            %parallel_loop3A_218 = arith.sitofp %parallel_loop3A_211 : vector<16xi32> to vector<16xf32>
            %parallel_loop3A_219 = arith.subf %parallel_loop3A_218, %parallel_loop3A_212 : vector<16xf32>
            %parallel_loop3A_220 = arith.constant -4.000000e+00 : f32
            %parallel_loop3A_221 = vector.broadcast %parallel_loop3A_220 : f32 to vector<16xf32>
            %parallel_loop3A_222 = arith.maximumf %parallel_loop3A_219, %parallel_loop3A_221 : vector<16xf32>
            %parallel_loop3A_223 = arith.constant 1.924000e+03 : f32
            %parallel_loop3A_224 = vector.broadcast %parallel_loop3A_223 : f32 to vector<16xf32>
            %parallel_loop3A_225 = arith.minimumf %parallel_loop3A_222, %parallel_loop3A_224 : vector<16xf32>
            %parallel_loop3A_226 = arith.fptosi %parallel_loop3A_225 : vector<16xf32> to vector<16xi32>
            %parallel_loop3A_227 = arith.sitofp %parallel_loop3A_226 : vector<16xi32> to vector<16xf32>
            %parallel_loop3A_228 = arith.cmpf ogt, %parallel_loop3A_227, %parallel_loop3A_225 : vector<16xf32>
            %parallel_loop3A_229 = arith.constant 1 : i32
            %parallel_loop3A_230 = vector.broadcast %parallel_loop3A_229 : i32 to vector<16xi32>
            %parallel_loop3A_231 = arith.subi %parallel_loop3A_226, %parallel_loop3A_230 : vector<16xi32>
            %parallel_loop3A_232 = arith.select %parallel_loop3A_228, %parallel_loop3A_231, %parallel_loop3A_226 : vector<16xi1>, vector<16xi32>
            %parallel_loop3A_233 = arith.constant 1.000000e+00 : f32
            %parallel_loop3A_234 = vector.broadcast %parallel_loop3A_233 : f32 to vector<16xf32>
            %parallel_loop3A_235 = arith.subf %parallel_loop3A_227, %parallel_loop3A_234 : vector<16xf32>
            %parallel_loop3A_236 = arith.select %parallel_loop3A_228, %parallel_loop3A_235, %parallel_loop3A_227 : vector<16xi1>, vector<16xf32>
            %parallel_loop3A_237 = arith.subf %parallel_loop3A_225, %parallel_loop3A_236 : vector<16xf32>
            %parallel_loop3A_238 = arith.mulf %parallel_loop3A_217, %parallel_loop3A_237 : vector<16xf32>
            %parallel_loop3A_239 = arith.subf %parallel_loop3A_217, %parallel_loop3A_238 : vector<16xf32>
            %parallel_loop3A_240 = arith.constant 0.000000e+00 : f32
            %parallel_loop3A_241 = vector.broadcast %parallel_loop3A_240 : f32 to vector<16xf32>
            %parallel_loop3A_242 = arith.cmpf oge, %parallel_loop3A_236, %parallel_loop3A_241 : vector<16xf32>
            %parallel_loop3A_243 = arith.constant 1.919000e+03 : f32
            %parallel_loop3A_244 = vector.broadcast %parallel_loop3A_243 : f32 to vector<16xf32>
            %parallel_loop3A_245 = arith.cmpf ole, %parallel_loop3A_236, %parallel_loop3A_244 : vector<16xf32>
            %parallel_loop3A_246 = arith.andi %parallel_loop3A_242, %parallel_loop3A_245 : vector<16xi1>
            %parallel_loop3A_247 = arith.constant -1.000000e+00 : f32
            %parallel_loop3A_248 = vector.broadcast %parallel_loop3A_247 : f32 to vector<16xf32>
            %parallel_loop3A_249 = arith.cmpf oge, %parallel_loop3A_236, %parallel_loop3A_248 : vector<16xf32>
            %parallel_loop3A_250 = arith.constant 1.918000e+03 : f32
            %parallel_loop3A_251 = vector.broadcast %parallel_loop3A_250 : f32 to vector<16xf32>
            %parallel_loop3A_252 = arith.cmpf ole, %parallel_loop3A_236, %parallel_loop3A_251 : vector<16xf32>
            %parallel_loop3A_253 = arith.andi %parallel_loop3A_249, %parallel_loop3A_252 : vector<16xi1>
            %parallel_loop3A_254 = arith.constant 0.000000e+00 : f32
            %parallel_loop3A_255 = vector.broadcast %parallel_loop3A_254 : f32 to vector<16xf32>
            %parallel_loop3A_256 = arith.select %parallel_loop3A_246, %parallel_loop3A_239, %parallel_loop3A_255 : vector<16xi1>, vector<16xf32>
            %parallel_loop3A_257 = arith.constant 0.000000e+00 : f32
            %parallel_loop3A_258 = vector.broadcast %parallel_loop3A_257 : f32 to vector<16xf32>
            %parallel_loop3A_259 = arith.select %parallel_loop3A_253, %parallel_loop3A_238, %parallel_loop3A_258 : vector<16xi1>, vector<16xf32>
            %parallel_loop3A_260 = arith.constant 0 : i32
            %parallel_loop3A_261 = vector.broadcast %parallel_loop3A_260 : i32 to vector<16xi32>
            %parallel_loop3A_262 = arith.maxsi %parallel_loop3A_232, %parallel_loop3A_261 : vector<16xi32>
            %parallel_loop3A_263 = arith.constant 1 : i32
            %parallel_loop3A_264 = vector.broadcast %parallel_loop3A_263 : i32 to vector<16xi32>
            %parallel_loop3A_265 = arith.addi %parallel_loop3A_232, %parallel_loop3A_264 : vector<16xi32>
            %parallel_loop3A_266 = arith.constant 0 : i32
            %parallel_loop3A_267 = vector.broadcast %parallel_loop3A_266 : i32 to vector<16xi32>
            %parallel_loop3A_268 = arith.maxsi %parallel_loop3A_265, %parallel_loop3A_267 : vector<16xi32>
            %parallel_loop3A_269 = tpu.vector_load_idx %arg10[%broadcast_in_dim3A_201, %parallel_loop3A_211] : memref<4x1920xf32, #tpu.memory_space<vmem>>[vector<16xi32>, vector<16xi32>], vector<16xf32>,
            %parallel_loop3A_270 = tpu.vector_load_idx %arg12[%broadcast_in_dim3A_201, %parallel_loop3A_211] : memref<4x1920xf32, #tpu.memory_space<vmem>>[vector<16xi32>, vector<16xi32>], vector<16xf32>,
            %parallel_loop3A_271 = tpu.vector_load_idx %arg14[%broadcast_in_dim3A_201, %parallel_loop3A_211] : memref<4x1920xf32, #tpu.memory_space<vmem>>[vector<16xi32>, vector<16xi32>], vector<16xf32>,
            %parallel_loop3A_272 = arith.mulf %parallel_loop3A_269, %parallel_loop3A_256 : vector<16xf32>
            tpu.vector_store_idx %arg21[%parallel_loop3A_262], %parallel_loop3A_272 {add = true} : memref<1936xf32, #tpu.memory_space<vmem>>[vector<16xi32>], vector<16xf32>,
            %parallel_loop3A_273 = arith.mulf %parallel_loop3A_269, %parallel_loop3A_259 : vector<16xf32>
            tpu.vector_store_idx %arg21[%parallel_loop3A_268], %parallel_loop3A_273 {add = true} : memref<1936xf32, #tpu.memory_space<vmem>>[vector<16xi32>], vector<16xf32>,
            %parallel_loop3A_274 = arith.mulf %parallel_loop3A_270, %parallel_loop3A_256 : vector<16xf32>
            tpu.vector_store_idx %arg22[%parallel_loop3A_262], %parallel_loop3A_274 {add = true} : memref<1936xf32, #tpu.memory_space<vmem>>[vector<16xi32>], vector<16xf32>,
            %parallel_loop3A_275 = arith.mulf %parallel_loop3A_270, %parallel_loop3A_259 : vector<16xf32>
            tpu.vector_store_idx %arg22[%parallel_loop3A_268], %parallel_loop3A_275 {add = true} : memref<1936xf32, #tpu.memory_space<vmem>>[vector<16xi32>], vector<16xf32>,
            %parallel_loop3A_276 = arith.mulf %parallel_loop3A_271, %parallel_loop3A_256 : vector<16xf32>
            tpu.vector_store_idx %arg23[%parallel_loop3A_262], %parallel_loop3A_276 {add = true} : memref<1936xf32, #tpu.memory_space<vmem>>[vector<16xi32>], vector<16xf32>,
            %parallel_loop3A_277 = arith.mulf %parallel_loop3A_271, %parallel_loop3A_259 : vector<16xf32>
            tpu.vector_store_idx %arg23[%parallel_loop3A_268], %parallel_loop3A_277 {add = true} : memref<1936xf32, #tpu.memory_space<vmem>>[vector<16xi32>], vector<16xf32>,
            tpu.vector_store_idx %arg24[%parallel_loop3A_262], %parallel_loop3A_256 {add = true} : memref<1936xf32, #tpu.memory_space<vmem>>[vector<16xi32>], vector<16xf32>,
            tpu.vector_store_idx %arg24[%parallel_loop3A_268], %parallel_loop3A_259 {add = true} : memref<1936xf32, #tpu.memory_space<vmem>>[vector<16xi32>], vector<16xf32>,
            %parallel_loop3A_278 = arith.constant 16 : i32
            %parallel_loop3A_279 = vector.broadcast %parallel_loop3A_278 : i32 to vector<16xi32>
            %parallel_loop3A_280 = arith.addi %parallel_loop3A_211, %parallel_loop3A_279 : vector<16xi32>
            %parallel_loop3A_281 = arith.constant 1920 : i32
            %parallel_loop3A_282 = vector.broadcast %parallel_loop3A_281 : i32 to vector<16xi32>
            %parallel_loop3A_283 = arith.cmpi sge, %parallel_loop3A_280, %parallel_loop3A_282 : vector<16xi32>
            %parallel_loop3A_284 = arith.constant 1920 : i32
            %parallel_loop3A_285 = vector.broadcast %parallel_loop3A_284 : i32 to vector<16xi32>
            %parallel_loop3A_286 = arith.subi %parallel_loop3A_280, %parallel_loop3A_285 : vector<16xi32>
            %parallel_loop3A_287 = arith.select %parallel_loop3A_283, %parallel_loop3A_286, %parallel_loop3A_280 : vector<16xi1>, vector<16xi32>
            scf.yield %parallel_loop3A_287 : vector<16xi32>
          } {sc.loop_unroll_factor = 4 : i64, sc.parallel_access}
          %parallel_loop3A_206 = arith.constant 0 : i32
          %parallel_loop3A_207 = arith.constant 120 : i32
          %parallel_loop3A_208 = arith.constant 1 : i32
          scf.for %parallel_loop3A_210 = %parallel_loop3A_206 to %parallel_loop3A_207 step %parallel_loop3A_208  : i32 {
            %parallel_loop3A_211 = arith.constant 16 : i32
            %parallel_loop3A_212 = arith.muli %parallel_loop3A_210, %parallel_loop3A_211 : i32
            %parallel_loop3A_213 = arith.index_cast %parallel_loop3A_212 : i32 to index
            %parallel_loop3A_214 = tpu.vector_load %arg24[%parallel_loop3A_213] {strides = array<i32>} : memref<1936xf32, #tpu.memory_space<vmem>>, vector<16xf32>,
            %parallel_loop3A_215 = arith.constant 9.99999997E-7 : f32
            %parallel_loop3A_216 = vector.broadcast %parallel_loop3A_215 : f32 to vector<16xf32>
            %parallel_loop3A_217 = arith.maximumf %parallel_loop3A_214, %parallel_loop3A_216 : vector<16xf32>
            %parallel_loop3A_218 = arith.constant 1.000000e+00 : f32
            %parallel_loop3A_219 = vector.broadcast %parallel_loop3A_218 : f32 to vector<16xf32>
            %parallel_loop3A_220 = arith.divf %parallel_loop3A_219, %parallel_loop3A_217 : vector<16xf32>
            %parallel_loop3A_221 = arith.index_cast %parallel_loop3A_212 : i32 to index
            %parallel_loop3A_222 = tpu.vector_load %arg21[%parallel_loop3A_221] {strides = array<i32>} : memref<1936xf32, #tpu.memory_space<vmem>>, vector<16xf32>,
            %parallel_loop3A_223 = arith.mulf %parallel_loop3A_222, %parallel_loop3A_220 : vector<16xf32>
            %parallel_loop3A_224 = arith.index_cast %scan3A_199 : i32 to index
            %parallel_loop3A_225 = arith.index_cast %parallel_loop3A_212 : i32 to index
            %parallel_loop3A_226 = tpu.vector_load %arg16[%parallel_loop3A_224, %parallel_loop3A_225] {strides = array<i32>} : memref<4x1920xf32, #tpu.memory_space<vmem>>, vector<16xf32>,
            tpu.vector_store %arg16[%parallel_loop3A_224, %parallel_loop3A_225], %parallel_loop3A_223 {strides = array<i32>} : memref<4x1920xf32, #tpu.memory_space<vmem>>, vector<16xf32>,
            %parallel_loop3A_227 = arith.index_cast %parallel_loop3A_212 : i32 to index
            %parallel_loop3A_228 = tpu.vector_load %arg22[%parallel_loop3A_227] {strides = array<i32>} : memref<1936xf32, #tpu.memory_space<vmem>>, vector<16xf32>,
            %parallel_loop3A_229 = arith.mulf %parallel_loop3A_228, %parallel_loop3A_220 : vector<16xf32>
            %parallel_loop3A_230 = arith.index_cast %scan3A_199 : i32 to index
            %parallel_loop3A_231 = arith.index_cast %parallel_loop3A_212 : i32 to index
            %parallel_loop3A_232 = tpu.vector_load %arg18[%parallel_loop3A_230, %parallel_loop3A_231] {strides = array<i32>} : memref<4x1920xf32, #tpu.memory_space<vmem>>, vector<16xf32>,
            tpu.vector_store %arg18[%parallel_loop3A_230, %parallel_loop3A_231], %parallel_loop3A_229 {strides = array<i32>} : memref<4x1920xf32, #tpu.memory_space<vmem>>, vector<16xf32>,
            %parallel_loop3A_233 = arith.index_cast %parallel_loop3A_212 : i32 to index
            %parallel_loop3A_234 = tpu.vector_load %arg23[%parallel_loop3A_233] {strides = array<i32>} : memref<1936xf32, #tpu.memory_space<vmem>>, vector<16xf32>,
            %parallel_loop3A_235 = arith.mulf %parallel_loop3A_234, %parallel_loop3A_220 : vector<16xf32>
            %parallel_loop3A_236 = arith.index_cast %scan3A_199 : i32 to index
            %parallel_loop3A_237 = arith.index_cast %parallel_loop3A_212 : i32 to index
            %parallel_loop3A_238 = tpu.vector_load %arg20[%parallel_loop3A_236, %parallel_loop3A_237] {strides = array<i32>} : memref<4x1920xf32, #tpu.memory_space<vmem>>, vector<16xf32>,
            tpu.vector_store %arg20[%parallel_loop3A_236, %parallel_loop3A_237], %parallel_loop3A_235 {strides = array<i32>} : memref<4x1920xf32, #tpu.memory_space<vmem>>, vector<16xf32>,
            %parallel_loop3A_239 = arith.index_cast %parallel_loop3A_212 : i32 to index
            %parallel_loop3A_240 = tpu.vector_load %arg21[%parallel_loop3A_239] {strides = array<i32>} : memref<1936xf32, #tpu.memory_space<vmem>>, vector<16xf32>,
            tpu.vector_store %arg21[%parallel_loop3A_239], %broadcast_in_dim3A_2 {strides = array<i32>} : memref<1936xf32, #tpu.memory_space<vmem>>, vector<16xf32>,
            %parallel_loop3A_241 = arith.index_cast %parallel_loop3A_212 : i32 to index
            %parallel_loop3A_242 = tpu.vector_load %arg22[%parallel_loop3A_241] {strides = array<i32>} : memref<1936xf32, #tpu.memory_space<vmem>>, vector<16xf32>,
            tpu.vector_store %arg22[%parallel_loop3A_241], %broadcast_in_dim3A_2 {strides = array<i32>} : memref<1936xf32, #tpu.memory_space<vmem>>, vector<16xf32>,
            %parallel_loop3A_243 = arith.index_cast %parallel_loop3A_212 : i32 to index
            %parallel_loop3A_244 = tpu.vector_load %arg23[%parallel_loop3A_243] {strides = array<i32>} : memref<1936xf32, #tpu.memory_space<vmem>>, vector<16xf32>,
            tpu.vector_store %arg23[%parallel_loop3A_243], %broadcast_in_dim3A_2 {strides = array<i32>} : memref<1936xf32, #tpu.memory_space<vmem>>, vector<16xf32>,
            %parallel_loop3A_245 = arith.index_cast %parallel_loop3A_212 : i32 to index
            %parallel_loop3A_246 = tpu.vector_load %arg24[%parallel_loop3A_245] {strides = array<i32>} : memref<1936xf32, #tpu.memory_space<vmem>>, vector<16xf32>,
            tpu.vector_store %arg24[%parallel_loop3A_245], %broadcast_in_dim3A_2 {strides = array<i32>} : memref<1936xf32, #tpu.memory_space<vmem>>, vector<16xf32>,
          } {sc.loop_unroll_factor = 4 : i64, sc.parallel_access}
          %scan3A_209 = arith.constant 0 : i32
          scf.yield %scan3A_209 : i32
        }
        %scan3A_198 = arith.constant 4 : i32
      } else {
      }
      %mul3A_171 = arith.constant 32 : i32
      %mul3A_172 = arith.muli %add3A_51, %mul3A_171 : i32
      %add3A_173 = arith.addi %add3A, %mul3A_172 : i32
      %mul3A_174 = arith.constant 4 : i32
      %mul3A_175 = arith.muli %add3A_173, %mul3A_174 : i32
      %ge3A_176 = arith.constant 1080 : i32
      %ge3A_177 = arith.cmpi sge, %mul3A_175, %ge3A_176 : i32
      %jit3A_178 = arith.constant 1 : i32
      %jit3A_179 = arith.constant 0 : i32
      %select_n3A_180 = arith.select %ge3A_177, %jit3A_178, %jit3A_179 : i32
      %mul3A_181 = arith.constant 2 : i32
      %mul3A_182 = arith.muli %select_n3A_180, %mul3A_181 : i32
      %mul3A_183 = arith.constant 1080 : i32
      %mul3A_184 = arith.muli %mul3A_182, %mul3A_183 : i32
      %add3A_185 = arith.addi %mul3A_175, %mul3A_184 : i32
      %lt3A_186 = arith.constant 540 : i32
      %lt3A_187 = arith.cmpi slt, %add3A_173, %lt3A_186 : i32
      %convert_element_type3A_188 = arith.extui %lt3A_187 : i1 to i32
      %cond3A_189 = arith.constant 0 : i32
      %cond3A_190 = arith.cmpi ne, %convert_element_type3A_188, %cond3A_189 : i32
      scf.if %cond3A_190 {
        %dma_start3A = arith.constant 0 : i32
        %dma_start3A_192 = tpu.memref_slice %arg5[%add3A_185, %dma_start3A] : memref<6480x1920xf32, #tpu.memory_space<hbm>> -> memref<4x1920xf32, #tpu.memory_space<hbm>>
        %dma_start3A_193 = arith.constant 0 : i32
        %dma_start3A_194 = tpu.memref_slice %arg5[%add3A_185, %dma_start3A_193] : memref<6480x1920xf32, #tpu.memory_space<hbm>> -> memref<4x1920xf32, #tpu.memory_space<hbm>>
        tpu.enqueue_dma source(%arg16 : memref<4x1920xf32, #tpu.memory_space<vmem>>) target(%dma_start3A_194 : memref<4x1920xf32, #tpu.memory_space<hbm>>) target_semaphore(%arg28 : memref<!tpu.dma_semaphore, #tpu.memory_space<semaphore_mem>>)
        %add3A_195 = arith.constant 1080 : i32
        %add3A_196 = arith.addi %add3A_185, %add3A_195 : i32
        %dma_start3A_197 = arith.constant 0 : i32
        %dma_start3A_198 = tpu.memref_slice %arg5[%add3A_196, %dma_start3A_197] : memref<6480x1920xf32, #tpu.memory_space<hbm>> -> memref<4x1920xf32, #tpu.memory_space<hbm>>
        %dma_start3A_199 = arith.constant 0 : i32
        %dma_start3A_200 = tpu.memref_slice %arg5[%add3A_196, %dma_start3A_199] : memref<6480x1920xf32, #tpu.memory_space<hbm>> -> memref<4x1920xf32, #tpu.memory_space<hbm>>
        tpu.enqueue_dma source(%arg18 : memref<4x1920xf32, #tpu.memory_space<vmem>>) target(%dma_start3A_200 : memref<4x1920xf32, #tpu.memory_space<hbm>>) target_semaphore(%arg28 : memref<!tpu.dma_semaphore, #tpu.memory_space<semaphore_mem>>)
        %add3A_201 = arith.constant 2160 : i32
        %add3A_202 = arith.addi %add3A_185, %add3A_201 : i32
        %dma_start3A_203 = arith.constant 0 : i32
        %dma_start3A_204 = tpu.memref_slice %arg5[%add3A_202, %dma_start3A_203] : memref<6480x1920xf32, #tpu.memory_space<hbm>> -> memref<4x1920xf32, #tpu.memory_space<hbm>>
        %dma_start3A_205 = arith.constant 0 : i32
        %dma_start3A_206 = tpu.memref_slice %arg5[%add3A_202, %dma_start3A_205] : memref<6480x1920xf32, #tpu.memory_space<hbm>> -> memref<4x1920xf32, #tpu.memory_space<hbm>>
        tpu.enqueue_dma source(%arg20 : memref<4x1920xf32, #tpu.memory_space<vmem>>) target(%dma_start3A_206 : memref<4x1920xf32, #tpu.memory_space<hbm>>) target_semaphore(%arg28 : memref<!tpu.dma_semaphore, #tpu.memory_space<semaphore_mem>>)
      } else {
      }
      %scan3A_191 = arith.constant 0 : i32
      scf.yield %scan3A_191 : i32
    }
    %scan3A_28 = arith.constant 9 : i32
    %add3A_29 = arith.constant 512 : i32
    %add3A_30 = arith.addi %add3A, %add3A_29 : i32
    %lt3A_31 = arith.constant 540 : i32
    %lt3A_32 = arith.cmpi slt, %add3A_30, %lt3A_31 : i32
    %and3A = arith.constant true
    %and3A_33 = arith.andi %and3A, %lt3A_32 : i1
    %convert_element_type3A_34 = arith.extui %and3A_33 : i1 to i32
    %cond3A_35 = arith.constant 0 : i32
    %cond3A_36 = arith.cmpi ne, %convert_element_type3A_34, %cond3A_35 : i32
    scf.if %cond3A_36 {
      %dma_wait3A = arith.constant 0 : i32
      %dma_wait3A_46 = arith.constant 0 : i32
      %dma_wait3A_47 = tpu.memref_slice %arg5[%dma_wait3A, %dma_wait3A_46] : memref<6480x1920xf32, #tpu.memory_space<hbm>> -> memref<4x1920xf32, #tpu.memory_space<hbm>>
      %dma_wait3A_48 = arith.constant 0 : i32
      %dma_wait3A_49 = arith.constant 0 : i32
      %dma_wait3A_50 = tpu.memref_slice %arg5[%dma_wait3A_48, %dma_wait3A_49] : memref<6480x1920xf32, #tpu.memory_space<hbm>> -> memref<4x1920xf32, #tpu.memory_space<hbm>>
      tpu.wait_dma2 semaphore(%arg27 : memref<!tpu.dma_semaphore, #tpu.memory_space<semaphore_mem>>) src(%arg15 : memref<4x1920xf32, #tpu.memory_space<vmem>>) dst(%dma_wait3A_50 : memref<4x1920xf32, #tpu.memory_space<hbm>>)
      %dma_wait3A_51 = arith.constant 0 : i32
      %dma_wait3A_52 = arith.constant 0 : i32
      %dma_wait3A_53 = tpu.memref_slice %arg5[%dma_wait3A_51, %dma_wait3A_52] : memref<6480x1920xf32, #tpu.memory_space<hbm>> -> memref<4x1920xf32, #tpu.memory_space<hbm>>
      %dma_wait3A_54 = arith.constant 0 : i32
      %dma_wait3A_55 = arith.constant 0 : i32
      %dma_wait3A_56 = tpu.memref_slice %arg5[%dma_wait3A_54, %dma_wait3A_55] : memref<6480x1920xf32, #tpu.memory_space<hbm>> -> memref<4x1920xf32, #tpu.memory_space<hbm>>
      tpu.wait_dma2 semaphore(%arg27 : memref<!tpu.dma_semaphore, #tpu.memory_space<semaphore_mem>>) src(%arg17 : memref<4x1920xf32, #tpu.memory_space<vmem>>) dst(%dma_wait3A_56 : memref<4x1920xf32, #tpu.memory_space<hbm>>)
      %dma_wait3A_57 = arith.constant 0 : i32
      %dma_wait3A_58 = arith.constant 0 : i32
      %dma_wait3A_59 = tpu.memref_slice %arg5[%dma_wait3A_57, %dma_wait3A_58] : memref<6480x1920xf32, #tpu.memory_space<hbm>> -> memref<4x1920xf32, #tpu.memory_space<hbm>>
      %dma_wait3A_60 = arith.constant 0 : i32
      %dma_wait3A_61 = arith.constant 0 : i32
      %dma_wait3A_62 = tpu.memref_slice %arg5[%dma_wait3A_60, %dma_wait3A_61] : memref<6480x1920xf32, #tpu.memory_space<hbm>> -> memref<4x1920xf32, #tpu.memory_space<hbm>>
      tpu.wait_dma2 semaphore(%arg27 : memref<!tpu.dma_semaphore, #tpu.memory_space<semaphore_mem>>) src(%arg19 : memref<4x1920xf32, #tpu.memory_space<vmem>>) dst(%dma_wait3A_62 : memref<4x1920xf32, #tpu.memory_space<hbm>>)
    } else {
    }
    %add3A_37 = arith.constant 544 : i32
    %add3A_38 = arith.addi %add3A, %add3A_37 : i32
    %lt3A_39 = arith.constant 540 : i32
    %lt3A_40 = arith.cmpi slt, %add3A_38, %lt3A_39 : i32
    %and3A_41 = arith.constant true
    %and3A_42 = arith.andi %and3A_41, %lt3A_40 : i1
    %convert_element_type3A_43 = arith.extui %and3A_42 : i1 to i32
    %cond3A_44 = arith.constant 0 : i32
    %cond3A_45 = arith.cmpi ne, %convert_element_type3A_43, %cond3A_44 : i32
    scf.if %cond3A_45 {
      %dma_wait3A = arith.constant 0 : i32
      %dma_wait3A_46 = arith.constant 0 : i32
      %dma_wait3A_47 = tpu.memref_slice %arg5[%dma_wait3A, %dma_wait3A_46] : memref<6480x1920xf32, #tpu.memory_space<hbm>> -> memref<4x1920xf32, #tpu.memory_space<hbm>>
      %dma_wait3A_48 = arith.constant 0 : i32
      %dma_wait3A_49 = arith.constant 0 : i32
      %dma_wait3A_50 = tpu.memref_slice %arg5[%dma_wait3A_48, %dma_wait3A_49] : memref<6480x1920xf32, #tpu.memory_space<hbm>> -> memref<4x1920xf32, #tpu.memory_space<hbm>>
      tpu.wait_dma2 semaphore(%arg28 : memref<!tpu.dma_semaphore, #tpu.memory_space<semaphore_mem>>) src(%arg16 : memref<4x1920xf32, #tpu.memory_space<vmem>>) dst(%dma_wait3A_50 : memref<4x1920xf32, #tpu.memory_space<hbm>>)
      %dma_wait3A_51 = arith.constant 0 : i32
      %dma_wait3A_52 = arith.constant 0 : i32
      %dma_wait3A_53 = tpu.memref_slice %arg5[%dma_wait3A_51, %dma_wait3A_52] : memref<6480x1920xf32, #tpu.memory_space<hbm>> -> memref<4x1920xf32, #tpu.memory_space<hbm>>
      %dma_wait3A_54 = arith.constant 0 : i32
      %dma_wait3A_55 = arith.constant 0 : i32
      %dma_wait3A_56 = tpu.memref_slice %arg5[%dma_wait3A_54, %dma_wait3A_55] : memref<6480x1920xf32, #tpu.memory_space<hbm>> -> memref<4x1920xf32, #tpu.memory_space<hbm>>
      tpu.wait_dma2 semaphore(%arg28 : memref<!tpu.dma_semaphore, #tpu.memory_space<semaphore_mem>>) src(%arg18 : memref<4x1920xf32, #tpu.memory_space<vmem>>) dst(%dma_wait3A_56 : memref<4x1920xf32, #tpu.memory_space<hbm>>)
      %dma_wait3A_57 = arith.constant 0 : i32
      %dma_wait3A_58 = arith.constant 0 : i32
      %dma_wait3A_59 = tpu.memref_slice %arg5[%dma_wait3A_57, %dma_wait3A_58] : memref<6480x1920xf32, #tpu.memory_space<hbm>> -> memref<4x1920xf32, #tpu.memory_space<hbm>>
      %dma_wait3A_60 = arith.constant 0 : i32
      %dma_wait3A_61 = arith.constant 0 : i32
      %dma_wait3A_62 = tpu.memref_slice %arg5[%dma_wait3A_60, %dma_wait3A_61] : memref<6480x1920xf32, #tpu.memory_space<hbm>> -> memref<4x1920xf32, #tpu.memory_space<hbm>>
      tpu.wait_dma2 semaphore(%arg28 : memref<!tpu.dma_semaphore, #tpu.memory_space<semaphore_mem>>) src(%arg20 : memref<4x1920xf32, #tpu.memory_space<vmem>>) dst(%dma_wait3A_62 : memref<4x1920xf32, #tpu.memory_space<hbm>>)
    } else {
    }
    return
  }
}

module attributes {stable_mosaic.version = 14 : i64} {
  func.func @_min_block(%arg0: i32, %arg1: memref<360x1920xf32, #tpu.memory_space<vmem>>, %arg2: memref<8x128xf32, #tpu.memory_space<vmem>>) attributes {dimension_semantics = [#tpu.dimension_semantics<arbitrary>], iteration_bounds = array<i64: 6>, scalar_prefetch = 0 : i64, scratch_operands = 0 : i64, tpu.core_type = #tpu.core_type<tc>, window_params = [{transform_indices = @transform_0, window_bounds = array<i64: 360, 1920>}, {pipeline_mode = #tpu.pipeline_mode<synchronous>, transform_indices = @transform_1, window_bounds = array<i64: 8, 128>}]} {
    %get3A = arith.constant 0 : index
    %get3A_0 = arith.constant 0 : index
    %get3A_1 = vector.load %arg1[%get3A, %get3A_0] : memref<360x1920xf32, #tpu.memory_space<vmem>>, vector<360x1920xf32>
    %reduce_min3A = vector.shape_cast %get3A_1 : vector<360x1920xf32> to vector<1x360x1920xf32>
    %reduce_min3A_2 = arith.constant dense<0x7F800000> : vector<1xf32>
    %reduce_min3A_3 = vector.multi_reduction <minimumf>, %reduce_min3A, %reduce_min3A_2 [1, 2] : vector<1x360x1920xf32> to vector<1xf32>
    %reduce_min3A_4 = vector.shape_cast %reduce_min3A_3 : vector<1xf32> to vector<1x1x1xf32>
    %reduce_min3A_5 = vector.extract %reduce_min3A_4[0, 0, 0] : f32 from vector<1x1x1xf32>
    %broadcast_in_dim3A = vector.broadcast %reduce_min3A_5 : f32 to vector<8x128xf32>
    %eq3A = arith.constant 0 : i32
    %eq3A_6 = arith.cmpi eq, %arg0, %eq3A : i32
    %convert_element_type3A = arith.extui %eq3A_6 : i1 to i32
    %cond3A = arith.constant 0 : i32
    %cond3A_7 = arith.cmpi ne, %convert_element_type3A, %cond3A : i32
    scf.if %cond3A_7 {
      %swap3A = arith.constant 0 : index
      %swap3A_12 = arith.constant 0 : index
      %swap3A_13 = vector.load %arg2[%swap3A, %swap3A_12] : memref<8x128xf32, #tpu.memory_space<vmem>>, vector<8x128xf32>
      tpu.vector_store %arg2[%swap3A, %swap3A_12], %broadcast_in_dim3A {strides = array<i32>} : memref<8x128xf32, #tpu.memory_space<vmem>>, vector<8x128xf32>,
    } else {
    }
    %ne3A = arith.constant 0 : i32
    %ne3A_8 = arith.cmpi ne, %arg0, %ne3A : i32
    %convert_element_type3A_9 = arith.extui %ne3A_8 : i1 to i32
    %cond3A_10 = arith.constant 0 : i32
    %cond3A_11 = arith.cmpi ne, %convert_element_type3A_9, %cond3A_10 : i32
    scf.if %cond3A_11 {
      %get3A_12 = arith.constant 0 : index
      %get3A_13 = arith.constant 0 : index
      %get3A_14 = vector.load %arg2[%get3A_12, %get3A_13] : memref<8x128xf32, #tpu.memory_space<vmem>>, vector<8x128xf32>
      %min3A = arith.minimumf %get3A_14, %broadcast_in_dim3A : vector<8x128xf32>
      %swap3A = arith.constant 0 : index
      %swap3A_15 = arith.constant 0 : index
      %swap3A_16 = vector.load %arg2[%swap3A, %swap3A_15] : memref<8x128xf32, #tpu.memory_space<vmem>>, vector<8x128xf32>
      tpu.vector_store %arg2[%swap3A, %swap3A_15], %min3A {strides = array<i32>} : memref<8x128xf32, #tpu.memory_space<vmem>>, vector<8x128xf32>,
    } else {
    }
    return
  }
  func.func @transform_0(%arg0: i32) -> (i32, i32) {
    %c0_i32 = arith.constant 0 : i32
    %c0_i32_0 = arith.constant 0 : i32
    return %arg0, %c0_i32 : i32, i32
  }
  func.func @transform_1(%arg0: i32) -> (i32, i32) {
    %c0_i32 = arith.constant 0 : i32
    %c0_i32_0 = arith.constant 0 : i32
    %c0_i32_1 = arith.constant 0 : i32
    return %c0_i32, %c0_i32_0 : i32, i32
  }
}

</mosaic_0001>

<sc_bundles>
// kernel: kernel.4.cloned.1.call-start
scs
__scs_entry_jumppad:
0x0: {  	(pc) =	sbr.rel $0x88, $3  }
0x1: {  	(tag) =	ssettag $0x0;
	lr =	simm.s32 $0x1  }
0x2: {  	[smem:$0x3F9F] =	sst lr;
	_ =	strace $0xD0000000  }
0x3: {  	_ = 	snop  }
0x4: {  	_ = 	snop  }
0x5: {  	_ = 	snop  }
0x6: {  	_ = 	snop  }
0x7: {  	_ = 	snop  }
__scs_overlays_trampoline_lowered:
0x8: {  	[smem:$0x3FAE] =	sst s0  }
0x9: {  	[smem:$0x3FAF] =	sst s1  }
0xa: {  	[smem:$0x3FB0] =	sst s2  }
0xb: {  	[smem:$0x3FB1] =	sst s3  }
0xc: {  	[smem:$0x3FB2] =	sst s4  }
0xd: {  	[smem:$0x3FB3] =	sst s5  }
0xe: {  	[smem:$0x3FB4] =	sst s6  }
0xf: {  	[smem:$0x3FB5] =	sst s7  }
0x10: {  	[smem:$0x3FB6] =	sst s8  }
0x11: {  	[smem:$0x3FB7] =	sst s9;
	s0 =	simm.s32 @!p0 $0x0  }
0x12: {  	s1 =	sld [smem:$0x3F9D];
	s0 =	simm.s32 @p0 $0x1  }
0x13: {  	[smem:$0x3FB8] =	sst s0;
	s0 =	simm.s32 @!p1 $0x0  }
0x14: {  	s2 =	sld [smem:$0x3F9C];
	s0 =	simm.s32 @p1 $0x1  }
0x15: {  	[smem:$0x3FB9] =	sst s0;
	s0 =	simm.s32 @!p2 $0x0  }
0x16: {  	s3 =	sld [smem:$0x3FDB];
	s0 =	simm.s32 @p2 $0x1  }
0x17: {  	s4 =	simm.s32 $0x1BF5;
	[smem:$0x3FBB] =	sst s0  }
0x18: {  	s0 =	sld [smem:$0x3F9E];
	_ =	swait.ge [sflag:s4], $0x0  }
0x19: {  	s7 =	sld [smem:$0x3F9F]  }
0x1a: {  	s8 =	sadd.s32 $0xFFFFE003, lr  }
0x1b: {  	s9 =	sadd.s32 $0xFFFFFEF7, lr;
	s5 =	simm.s32 $0xFFFFFFFF;
	p2 =	slt.u32 s8, $0xFFFFF086  }
0x1c: {  	p1 =	slt.u32 s9, $0xF7A;
	s5 =	simm.s32 @!p2 $0x0  }
0x1d: {  	s5 =	simm.s32 @p1 $0x1;
	p0 =	seq.s32 s7, s2  }
0x1e: {  	s7 =	smul.u32 @!p0 $0xF7A, s2;
	p2 =	seq.s32 @!p0 s5, $0x0  }
0x1f: {  	s9 =	smul.u32 $0xF7A, s1;
	s8 =	simm.s32 @!p0 $0x1BF5;
	p2 =	por !p2, p0  }
0x20: {  	[sflag:s8] =	ssyncset.s32 @!p0 $0xFFFFF086;
	s6 =	sadd.s32 @!p0 s3, s7;
	s7 =	simm.s32 @!p0 $0x108  }
0x21: {  	s3 =	sadd.s32 s3, s9;
	s6 =	sadd.s32 @!p0 $0x88, s6;
	s7 =	simm.s32 @p2 $0x1082  }
0x22: {  	[simem:s7], [sflag:s8] =	dma.local @!p0 [hbm:s6], $0xF7A  }
0x23: {  	s9 =	sor.u32 $0xD0000000, s2;
	s6 =	simm.s32 $0x108;
	_ =	swait.ge @!p0 [sflag:s8], $0x0  }
0x24: {  	s3 =	sadd.s32 $0x88, s3;
	s6 =	simm.s32 @!p1 $0x1082;
	[sflag:s4] =	ssyncset.s32 $0xFFFFF086  }
0x25: {  	[simem:s6], [sflag:s4] =	dma.local [hbm:s3], $0xF7A  }
0x26: {  	[smem:$0x3F9F] =	sst s1;
	(tag) =	ssettag s2;
	_ =	strace s9  }
0x27: {  	s1 =	sld [smem:$0x3FAF]  }
0x28: {  	s2 =	sld [smem:$0x3FB0]  }
0x29: {  	s4 =	sld [smem:$0x3FB2]  }
0x2a: {  	p0 =	seq.s32 s5, $0x0;
	s5 =	sld [smem:$0x3FB3]  }
0x2b: {  	s6 =	sld [smem:$0x3FB4]  }
0x2c: {  	s7 =	sld [smem:$0x3FB5]  }
0x2d: {  	s3 =	simm.s32 $0x108;
	s8 =	sld [smem:$0x3FB6]  }
0x2e: {  	s3 =	simm.s32 @!p0 $0x1082;
	s9 =	sld [smem:$0x3FB7]  }
0x2f: {  	lr =	sadd.s32 s0, s3;
	s0 =	sld [smem:$0x3FAE]  }
0x30: {  	s3 =	sld [smem:$0x3FB1]  }
0x31: {  	[smem:$0x3FBA] =	sst s10  }
0x32: {  	s10 =	sld [smem:$0x3FB8];
	_ =	sdelay $0x3  }
0x33: {  	p0 =	seq.s32 s10, $0x1;
	s10 =	sld [smem:$0x3FBA];
	_ =	sdelay $0x3  }
0x34: {  	[smem:$0x3FBA] =	sst s10  }
0x35: {  	s10 =	sld [smem:$0x3FB9];
	_ =	sdelay $0x3  }
0x36: {  	p1 =	seq.s32 s10, $0x1;
	s10 =	sld [smem:$0x3FBA];
	_ =	sdelay $0x3  }
0x37: {  	[smem:$0x3FBA] =	sst s10  }
0x38: {  	s10 =	sld [smem:$0x3FBB]  }
0x39: {  	_ = 	snop;
	(pc) =	sbr.ind lr, $3  }
0x3a: {  	_ = 	snop  }
0x3b: {  	_ = 	snop  }
0x3c: {  	p2 =	seq.s32 s10, $0x1;
	s10 =	sld [smem:$0x3FBA]  }
0x3d: {  	_ =	shalt  }
0x3e: {  	_ =	shalt  }
0x3f: {  	_ =	shalt  }
0x40: {  	_ =	shalt  }
0x41: {  	_ =	shalt  }
0x42: {  	_ =	shalt  }
0x43: {  	_ =	shalt  }
0x44: {  	_ =	shalt  }
0x45: {  	_ =	shalt  }
0x46: {  	_ =	shalt  }
0x47: {  	_ =	shalt  }
0x48: {  	_ =	shalt  }
0x49: {  	_ =	shalt  }
0x4a: {  	_ =	shalt  }
0x4b: {  	_ =	shalt  }
0x4c: {  	_ =	shalt  }
0x4d: {  	_ =	shalt  }
0x4e: {  	_ =	shalt  }
0x4f: {  	_ =	shalt  }
0x50: {  	_ =	shalt  }
0x51: {  	_ =	shalt  }
0x52: {  	_ =	shalt  }
0x53: {  	_ =	shalt  }
0x54: {  	_ =	shalt  }
0x55: {  	_ =	shalt  }
0x56: {  	_ =	shalt  }
0x57: {  	_ =	shalt  }
0x58: {  	_ =	shalt  }
0x59: {  	_ =	shalt  }
0x5a: {  	_ =	shalt  }
0x5b: {  	_ =	shalt  }
0x5c: {  	_ =	shalt  }
0x5d: {  	_ =	shalt  }
0x5e: {  	_ =	shalt  }
0x5f: {  	_ =	shalt  }
0x60: {  	_ =	shalt  }
0x61: {  	_ =	shalt  }
0x62: {  	_ =	shalt  }
0x63: {  	_ =	shalt  }
0x64: {  	_ =	shalt  }
0x65: {  	_ =	shalt  }
0x66: {  	_ =	shalt  }
0x67: {  	_ =	shalt  }
0x68: {  	_ =	shalt  }
0x69: {  	_ =	shalt  }
0x6a: {  	_ =	shalt  }
0x6b: {  	_ =	shalt  }
0x6c: {  	_ =	shalt  }
0x6d: {  	_ =	shalt  }
0x6e: {  	_ =	shalt  }
0x6f: {  	_ =	shalt  }
0x70: {  	_ =	shalt  }
0x71: {  	_ =	shalt  }
0x72: {  	_ =	shalt  }
0x73: {  	_ =	shalt  }
0x74: {  	_ =	shalt  }
0x75: {  	_ =	shalt  }
0x76: {  	_ =	shalt  }
0x77: {  	_ =	shalt  }
0x78: {  	_ =	shalt  }
0x79: {  	_ =	shalt  }
0x7a: {  	_ =	shalt  }
0x7b: {  	_ =	shalt  }
0x7c: {  	_ =	shalt  }
0x7d: {  	_ =	shalt  }
0x7e: {  	_ =	shalt  }
0x7f: {  	_ =	shalt  }
0x80: {  	_ =	shalt  }
0x81: {  	_ =	shalt  }
0x82: {  	_ =	shalt  }
0x83: {  	_ =	shalt  }
0x84: {  	_ =	shalt  }
0x85: {  	_ =	shalt  }
0x86: {  	_ =	shalt  }
0x87: {  	_ =	shalt  }
.Lfunc_end0:
.L_simem_size_0:
called_computation_lowered:
.L_overlay_start_0:
0x88: {  	s2 =	sld [smem:$0x3FD9]  }
0x89: {  	s3 =	sld [smem:$0x3FFE];
	_ =	sdelay $0x1  }
0x8a: {  	s1 =	srdreg.scid  }
0x8b: {  	s0 =	sand.u32 $0x1, s1  }
0x8c: {  	s17 =	sshll.u32 s0, $0xA;
	s2 =	sadd.s32 s3, s2  }
0x8d: {  	s2 =	sadd.s32 s2, s17  }
0x8e: {  	[smem:$0x3FC6] =	sst s2  }
0x8f: {  	_ = 	snop  }
0x90: {  	s2 =	sld [smem:$0x3FC9]  }
0x91: {  	s18 =	sld [smem:$0x3FC8]  }
0x92: {  	s4 =	sld [smem:$0x3FD0];
	(tm) =	ssettm $0x1  }
0x93: {  	s5 =	sld [smem:$0x3FFB];
	_ =	sdelay $0x3  }
0x94: {  	_ =	strace s5  }
0x95: {  	s5 =	sld [smem:$0x3FFC];
	_ =	sdelay $0x3  }
0x96: {  	_ =	strace s5  }
0x97: {  	s5 =	sld [smem:$0x3FFD];
	_ =	sdelay $0x3  }
0x98: {  	_ =	strace s5  }
0x99: {  	_ =	strace $0x8FFFFFFF  }
0x9a: {  	s19 =	sld [smem:$0x3FDB];
	_ =	sdelay $0x1  }
0x9b: {  	s6 =	simm.s32 $_scs_section_size  }
0x9c: {  	s7 =	simm.s32 $_size__tile_overlayer_lowered;
	s8 =	simm.s32 $_tile_overlayer_lowered  }
0x9d: {  	s22 =	simm.s32 $0x1BFF;
	s21 =	sshll.u32 s8, $0x1;
	s5 =	sadd.s32 s6, s19  }
0x9e: {  	s9 =	simm.s32 $0x0;
	s20 =	sshll.u32 s7, $0x1;
	s7 =	sadd.s32 s21, s5  }
0x9f: {  	[timem:s9], [sflag:s22] =	dma.local [hbm:s7], s20  }
0xa0: {  	_ =	swait.ge [sflag:s22], s20  }
0xa1: {  	s6 =	ssub.s32 $0x0, s20;
	[sflag:s22] =	ssyncset.done $0x0  }
0xa2: {  	[sflag:s22] =	ssyncadd.s32 s6;
	_ =	sdelay $0x1  }
0xa3: {  	s23 =	simm.s32 $0x1B8B  }
0xa4: {  	_ =	swait.ge [sflag:s23], $0x1  }
0xa5: {  	[sflag:s23] =	ssyncset.done $0x0  }
0xa6: {  	s25 =	simm.s32 $0x1B8E;
	s24 =	sld [smem:$0x3FFE];
	[sflag:s23] =	ssyncadd.s32 $0xFFFFFFFF  }
0xa7: {  	s26 =	simm.s32 $execute0_lowered;
	[smem:$0x3FD2] =	sst s25  }
0xa8: {  	s7 =	sshll.u32 s26, $0x1;
	_ =	strace $0x80000046;
	[dreg:$0x1] =	wrdreg $0xFFFFFFFF  }
0xa9: {  	s28 =	simm.s32 $_size_execute0_lowered;
	s5 =	sadd.s32 s5, s7;
	[dreg:$0x0] =	wrdreg $0x0  }
0xaa: {  	s7 =	sshll.u32 s28, $0x1;
	[dreg:$0x2] =	wrdreg s5  }
0xab: {  	[dreg:$0x3] =	wrdreg s7  }
0xac: {  	[dreg:$0x4] =	wrdreg $0xC0  }
0xad: {  	_ =	task [dreg:s9], $0x5FFFF  }
0xae: {  	[dreg:$0x1] =	wrdreg $0xFFFFFFFF  }
0xaf: {  	[dreg:$0x0] =	wrdreg $0x60  }
0xb0: {  	[dreg:$0x2] =	wrdreg s2  }
0xb1: {  	[dreg:$0x3] =	wrdreg s18  }
0xb2: {  	[dreg:$0x4] =	wrdreg s24  }
0xb3: {  	[dreg:$0x5] =	wrdreg s4  }
0xb4: {  	[dreg:$0x6] =	wrdreg $0x9  }
0xb5: {  	_ =	task.clear_ibuf [dreg:s9], $0x7FFFF;
	_ =	strace $0x90000046  }
0xb6: {  	s29 =	simm.s32 $0x9;
	_ =	strace $0x80000048  }
0xb7: {  	_ =	swait.ge [sflag:s29], $0x1  }
0xb8: {  	[sflag:s29] =	ssyncadd.s32 $0xFFFFFFFF  }
0xb9: {  	_ =	strace $0x90000048  }
0xba: {  	_ =	sfence  }
0xbb: {  	s30 =	sld [smem:$0x0];
	_ =	sdelay $0x2  }
0xbc: {  	s31 =	sshll.u32 s1, $0xD;
	s1 =	sshrl.u32 s1, $0x2  }
0xbd: {  	s3 =	sand.u32 $0x4000, s31;
	s1 =	sadd.s32 s1, s30  }
0xbe: {  	s0 =	sor.u32 s3, s0;
	s1 =	sshll.u32 s1, $0x11  }
0xbf: {  	s0 =	sor.u32 s1, s0  }
0xc0: {  	s0 =	sadd.s32 $0x8F2B, s0  }
0xc1: {  	[sflag:s0] =	ssyncadd.remote.s32 $0x1  }
0xc2: {  	_ =	sfence.sel $0xFFFF  }
0xc3: {  	[dreg:$0x0] =	wrdreg $0xFFFFFFFF;
	(pc) =	sbr.abs _section_cstart, $3  }
0xc4: {  	[dreg:$0x1] =	wrdreg $0xFFFFFFFF  }
0xc5: {  	_ =	task.clear_ibuf [dreg:s9], $0x2FFFF;
	_ =	strace $0x9FFFFFFF  }
0xc6: {  	(tm) =	ssettm $0x7FFFFFFF  }
0xc7: {  	_ =	shalt  }
tec
execute0_lowered:
.L_overlay_start_1:
0x0: {  	(tag) =	ssettag $0x1  }
0x1: {  	s6 =	rddreg [dreg:$0x0]  }
0x2: {  	s7 =	rddreg [dreg:$0x1]  }
0x3: {  	s0 =	rddreg [dreg:$0x2]  }
0x4: {  	s1 =	srdreg.scid;
	s5 =	stileid.u32;
	s3 =	simm.s32 $0x0  }
0x5: {  	s30 =	simm.s32 $0x1E80;
	s31 =	simm.s32 $0x5A80;
	s1 =	sand.u32 $0x1, s1  }
0x6: {  	s2 =	sshll.u32 s5, $0x1;
	[smem:$0x7FF] =	sst s3;
	s20 =	smul.u32 $0x3C00, s5  }
0x7: {  	s0 =	sadd.s32 $0x800, s0;
	p0 =	sgt.u32 s5, $0xD;
	s8 =	sor.u32 s1, s2  }
0x8: {  	_ =	strace $0x80000047;
	s9 =	sshll.u32 s1, $0x9;
	[dreg:$0x7] =	wrdreg s0  }
0x9: {  	s4 =	ssub.s32 $0x2, s1;
	s2 =	sshll.u32 s8, $0x2;
	[dreg:$0x6] =	wrdreg s9  }
0xa: {  	s22 =	sshrl.u32 s4, $0x1;
	s3 =	sor.u32 s9, s20;
	[dreg:$0x5] =	wrdreg s8  }
0xb: {  	s29 =	sor.u32 $0x40, s8;
	s8 =	simm.s32 $0x3C80;
	s20 =	simm.s32 $0x7880  }
0xc: {  	s2 =	sadd.s32 $0x438, s2;
	s23 =	ssub.s32 s4, s22;
	s24 =	sshrl.u32 s3, $0x3  }
0xd: {  	s3 =	sadd.s32 $0x3F4800, s3;
	[dreg:$0xc] =	wrdreg s29;
	s22 =	simm.s32 $0x1A480  }
0xe: {  	s4 =	simm.s32 $0x0;
	s21 =	sshrl.u32 s2, $0x3;
	s25 =	sadd.s32 s7, s24  }
0xf: {  	s2 =	sadd.s32 s6, s24;
	s26 =	sshrl.u32 s3, $0x3;
	s0 =	smax.u32 s23, $0x1  }
0x10: {  	s7 =	simm.s32 $0x80;
	s23 =	simm.s32 $0x1AC80;
	s1 =	smul.u32 $0x3C00, s21  }
.Ltmp0:
0x11: {  	s24 =	simm.s32 $0x1B480;
	[dreg:$0x8] =	wrdreg s25;
	(pc) =	sbr.rel .LBB2_1-.Ltmp0, $4  }
0x12: {  	v1 =	vlaneseq.u32;
	s3 =	simm.s32 $0x9680;
	[dreg:$0x9] =	wrdreg s2;
	s1 =	sor.u32 s9, s1  }
0x13: {  	v0 =	vmul.u32 $0x79, v1;
	s28 =	sadd.s32 s6, s26;
	[dreg:$0xd] =	wrdreg s0;
	s1 =	sshrl.u32 s1, $0x3  }
0x14: {  	s21 =	simm.s32 $0xB480;
	[dreg:$0xb] =	wrdreg s28;
	s1 =	sadd.s32 s6, s1  }
0x15: {  	v12 =	vimm.f32 $0.0e+00;
	v60 =	vimm.s32 $0x0;
	[tilespmem:$0x1FFF0] =	vst v0;
	s25 =	simm.s32 $0x1BC80;
	s0 =	simm.s32 $0xD280;
	[dreg:$0xa] =	wrdreg s1  }
.LBB2_19:
0x16: {  	s1 =	simm.s32 @!p0 $0x3  }
0x17: {  	_ =	swait.ge @!p0 [sflag:s1], $0x1E00  }
0x18: {  	[sflag:s1] =	ssyncset.done @!p0 $0x0  }
0x19: {  	[sflag:s1] =	ssyncadd.s32 @!p0 $0xFFFFE200  }
0x1a: {  	_ =	swait.ge @!p0 [sflag:s1], $0x1E00  }
0x1b: {  	[sflag:s1] =	ssyncset.done @!p0 $0x0  }
0x1c: {  	[sflag:s1] =	ssyncadd.s32 @!p0 $0xFFFFE200  }
0x1d: {  	_ =	swait.ge @!p0 [sflag:s1], $0x1E00  }
0x1e: {  	s4 =	rddreg [dreg:$0xe]  }
0x1f: {  	s2 =	rddreg [dreg:$0xd];
	s4 =	sadd.s32 $0x1, s4  }
0x20: {  	p1 =	sne.s32 s4, s2  }
.Ltmp1:
0x21: {  	_ = 	snop;
	(pc) =	sbr.rel @!p1 .LBB2_20-.Ltmp1, $3  }
0x22: {  	_ =	sdelay $0x1  }
0x23: {  	[sflag:s1] =	ssyncset.done @!p0 $0x0  }
0x24: {  	s7 =	simm.s32 $0x80;
	s8 =	simm.s32 $0x3C80;
	[sflag:s1] =	ssyncadd.s32 @!p0 $0xFFFFE200  }
.LBB2_1:
0x25: {  	[dreg:$0xe] =	wrdreg s4  }
0x26: {  	s1 =	simm.s32 $0x0;
	s2 =	rddreg [dreg:$0x7];
	s29 =	simm.s32 $0x5  }
0x27: {  	[tilespmem:s1], [sflag:$0x5] =	stream.linear.gather [hbm4b:s2+s1], $0x10, $0x38;
	[tilespmem:$0x1C480] =	vst v63  }
0x28: {  	_ =	swait.ge [sflag:s29], $0x10  }
0x29: {  	[sflag:s29] =	ssyncset.done $0x0  }
0x2a: {  	s5 =	simm.s32 $0x1A4A0;
	[sflag:s29] =	ssyncadd.s32 $0xFFFFFFF0  }
0x2b: {  	v63 =	vld [tilespmem:$0x0];
	[tilespmem:s5+$0xFFFFFFF0] =	vst v12  }
0x2c: {  	[tilespmem:s5+$0x0] =	vst v12  }
0x2d: {  	[tilespmem:s5+$0x10] =	vst v12  }
0x2e: {  	s1 =	simm.s32 $0x1ACA0;
	[tilespmem:s5+$0xFFFFFFE0] =	vst v12  }
0x2f: {  	[tilespmem:s1+$0xFFFFFFF0] =	vst v12  }
0x30: {  	[tilespmem:s1+$0x0] =	vst v12  }
0x31: {  	[tilespmem:s1+$0x10] =	vst v12  }
0x32: {  	s2 =	simm.s32 $0x1B4A0;
	[tilespmem:s1+$0xFFFFFFE0] =	vst v12  }
0x33: {  	[tilespmem:s2+$0xFFFFFFF0] =	vst v12  }
0x34: {  	[tilespmem:s2+$0x0] =	vst v12  }
0x35: {  	[tilespmem:s2+$0x10] =	vst v12  }
0x36: {  	s4 =	simm.s32 $0x1BCA0;
	[tilespmem:s2+$0xFFFFFFE0] =	vst v12  }
0x37: {  	[tilespmem:s4+$0xFFFFFFF0] =	vst v12  }
0x38: {  	[tilespmem:s4+$0x0] =	vst v12  }
0x39: {  	[tilespmem:s4+$0x10] =	vst v12  }
0x3a: {  	s6 =	simm.s32 $0x1A4E0;
	s5 =	simm.s32 $0x0;
	[tilespmem:s4+$0xFFFFFFE0] =	vst v12  }
.LBB2_2:
0x3b: {  	[tilespmem:s6+$0xFFFFFFF0] =	vst v12;
	s1 =	sadd.s32 $0x40, s1  }
0x3c: {  	s2 =	sadd.s32 $0x40, s2;
	[tilespmem:s1+$0xFFFFFFF0] =	vst v12  }
0x3d: {  	s4 =	sadd.s32 $0x40, s4;
	[tilespmem:s2+$0xFFFFFFF0] =	vst v12  }
0x3e: {  	[tilespmem:s4+$0xFFFFFFF0] =	vst v12  }
0x3f: {  	[tilespmem:s6+$0x0] =	vst v12  }
0x40: {  	[tilespmem:s1+$0x0] =	vst v12  }
0x41: {  	[tilespmem:s2+$0x0] =	vst v12  }
0x42: {  	[tilespmem:s4+$0x0] =	vst v12  }
0x43: {  	[tilespmem:s6+$0x10] =	vst v12  }
0x44: {  	s5 =	sadd.s32 $0x4, s5;
	[tilespmem:s1+$0x10] =	vst v12  }
0x45: {  	p1 =	slt.u32 s5, $0x74;
	[tilespmem:s2+$0x10] =	vst v12  }
.Ltmp2:
0x46: {  	[tilespmem:s4+$0x10] =	vst v12;
	(pc) =	sbr.rel @p1 .LBB2_2-.Ltmp2, $4  }
0x47: {  	[tilespmem:s6+$0xFFFFFFE0] =	vst v12  }
0x48: {  	[tilespmem:s1+$0xFFFFFFE0] =	vst v12  }
0x49: {  	[tilespmem:s2+$0xFFFFFFE0] =	vst v12  }
0x4a: {  	s6 =	sadd.s32 $0x40, s6;
	[tilespmem:s4+$0xFFFFFFE0] =	vst v12  }
0x4b: {  	[tilespmem:$0x1AC00] =	vst v12  }
0x4c: {  	[tilespmem:$0x1B400] =	vst v12  }
0x4d: {  	[tilespmem:$0x1BC00] =	vst v12  }
0x4e: {  	[tilespmem:$0x1C400] =	vst v12;
	s1 =	rddreg [dreg:$0x8];
	s2 =	simm.s32 $0x200;
	s4 =	simm.s32 $0x400  }
0x4f: {  	[tilespmem:s7], [sflag:$0x1] =	stream.strided.gather [hbm4b:s1+s2], $0x1E00, s4, s2, $0x38;
	[tilespmem:$0x1C480] =	vst v63  }
0x50: {  	s26 =	rddreg [dreg:$0x9]  }
0x51: {  	[tilespmem:s8], [sflag:$0x1] =	stream.strided.gather [hbm4b:s26+s2], $0x1E00, s4, s2, $0x38;
	[tilespmem:$0x1C480] =	vst v63  }
.Ltmp3:
0x52: {  	_ = 	snop;
	(pc) =	sbr.rel .LBB2_4-.Ltmp3, $4  }
0x53: {  	s28 =	rddreg [dreg:$0xa]  }
0x54: {  	[tilespmem:s20], [sflag:$0x1] =	stream.strided.gather [hbm4b:s28+s2], $0x1E00, s4, s2, $0x38;
	[tilespmem:$0x1C480] =	vst v63  }
0x55: {  	s29 =	rddreg [dreg:$0xb];
	[tilespmem:$0x1FFE0] =	vst v63;
	s1 =	simm.s32 $0x0  }
0x56: {  	[tilespmem:s21], [sflag:$0x1] =	stream.strided.gather [hbm4b:s29+s2], $0x1E00, s4, s2, $0x38;
	[tilespmem:$0x1C480] =	vst v63  }
.LBB2_18:
0x57: {  	s1 =	rddreg [dreg:$0xf]  }
0x58: {  	s1 =	sadd.s32 $0x1, s1  }
0x59: {  	p1 =	sne.s32 s1, $0x9  }
.Ltmp4:
0x5a: {  	_ = 	snop;
	(pc) =	sbr.rel @!p1 .LBB2_19-.Ltmp4, $1  }
0x5b: {  	_ =	sdelay $0x3  }
.LBB2_4:
0x5c: {  	s2 =	sshll.u32 s1, $0x6;
	s29 =	rddreg [dreg:$0x5]  }
0x5d: {  	s11 =	sor.u32 s2, s29  }
0x5e: {  	s10 =	smov.u32 s1;
	s1 =	sor.u32 $0x20, s11  }
0x5f: {  	p1 =	sgt.u32 s1, $0x21B  }
0x60: {  	s4 =	simm.s32 $0x870;
	[dreg:$0x11] =	wrdreg s2;
	s2 =	sshrl.u32 @!p1 s1, $0x1  }
0x61: {  	s9 =	rddreg [dreg:$0x6];
	p2 =	sgt.u32 s1, $0x10D;
	s2 =	smul.u32 @!p1 $0x3C00, s2  }
0x62: {  	s1 =	sshll.u32 s1, $0x2;
	s4 =	simm.s32 @!p2 $0x0;
	s5 =	simm.s32 @!p1 $0x400  }
0x63: {  	s6 =	simm.s32 @!p1 $0x1E80;
	s7 =	sadd.s32 s1, s4;
	s2 =	sor.u32 @!p1 s9, s2  }
0x64: {  	s4 =	sshrl.u32 @!p1 s7, $0x3;
	s1 =	sshrl.u32 @!p1 s2, $0x3;
	s2 =	rddreg [dreg:$0x1]  }
0x65: {  	s4 =	smul.u32 @!p1 $0x3C00, s4;
	s1 =	sadd.s32 @!p1 s2, s1;
	s2 =	simm.s32 @!p1 $0x200  }
0x66: {  	[tilespmem:s6], [sflag:$0x2] =	stream.strided.gather @!p1 [hbm4b:s1+s2], $0x1E00, s5, s2, $0x38;
	[tilespmem:$0x1C480] =	vst v63  }
0x67: {  	s8 =	rddreg [dreg:$0x0];
	s1 =	sor.u32 @!p1 s9, s4;
	s4 =	sadd.s32 @!p1 $0x438, s7  }
0x68: {  	[dreg:$0x10] =	wrdreg s7;
	s6 =	sshrl.u32 @!p1 s1, $0x3;
	s4 =	sshrl.u32 @!p1 s4, $0x3  }
0x69: {  	s7 =	simm.s32 @!p1 $0x5A80;
	s6 =	sadd.s32 @!p1 s8, s6;
	s4 =	smul.u32 @!p1 $0x3C00, s4  }
0x6a: {  	[tilespmem:s7], [sflag:$0x2] =	stream.strided.gather @!p1 [hbm4b:s6+s2], $0x1E00, s5, s2, $0x38;
	[tilespmem:$0x1C480] =	vst v63  }
0x6b: {  	s4 =	sor.u32 @!p1 s9, s4  }
0x6c: {  	s1 =	sadd.s32 @!p1 $0x3F4800, s1;
	s4 =	sshrl.u32 @!p1 s4, $0x3  }
0x6d: {  	s1 =	sshrl.u32 @!p1 s1, $0x3;
	s6 =	simm.s32 @!p1 $0x9680;
	s4 =	sadd.s32 @!p1 s8, s4  }
0x6e: {  	[tilespmem:s6], [sflag:$0x2] =	stream.strided.gather @!p1 [hbm4b:s4+s2], $0x1E00, s5, s2, $0x38;
	[tilespmem:$0x1C480] =	vst v63  }
0x6f: {  	p3 =	sgt.u32 s11, $0x21B;
	s1 =	sadd.s32 @!p1 s8, s1;
	s4 =	simm.s32 @!p1 $0xD280  }
0x70: {  	[tilespmem:s4], [sflag:$0x2] =	stream.strided.gather @!p1 [hbm4b:s1+s2], $0x1E00, s5, s2, $0x38;
	[tilespmem:$0x1C480] =	vst v63  }
0x71: {  	[dreg:$0x12] =	wrdreg s11;
	s1 =	simm.s32 @!p3 $0x1  }
0x72: {  	_ =	swait.ge @!p3 [sflag:s1], $0x1E00  }
0x73: {  	[sflag:s1] =	ssyncset.done @!p3 $0x0  }
0x74: {  	[sflag:s1] =	ssyncadd.s32 @!p3 $0xFFFFE200  }
0x75: {  	_ =	swait.ge @!p3 [sflag:s1], $0x1E00  }
0x76: {  	[sflag:s1] =	ssyncset.done @!p3 $0x0  }
0x77: {  	[sflag:s1] =	ssyncadd.s32 @!p3 $0xFFFFE200  }
0x78: {  	_ =	swait.ge @!p3 [sflag:s1], $0x1E00  }
0x79: {  	[sflag:s1] =	ssyncset.done @!p3 $0x0  }
0x7a: {  	[sflag:s1] =	ssyncadd.s32 @!p3 $0xFFFFE200  }
0x7b: {  	_ =	swait.ge @!p3 [sflag:s1], $0x1E00  }
0x7c: {  	p2 =	seq.s32 s10, $0x0;
	[sflag:s1] =	ssyncset.done @!p3 $0x0  }
0x7d: {  	[dreg:$0xf] =	wrdreg s10;
	[sflag:s1] =	ssyncadd.s32 @!p3 $0xFFFFE200;
	s1 =	simm.s32 @!p2 $0x3  }
0x7e: {  	_ =	swait.ge @!p2 [sflag:s1], $0x1E00  }
0x7f: {  	[sflag:s1] =	ssyncset.done @!p2 $0x0  }
0x80: {  	[sflag:s1] =	ssyncadd.s32 @!p2 $0xFFFFE200  }
0x81: {  	_ =	swait.ge @!p2 [sflag:s1], $0x1E00  }
.Ltmp5:
0x82: {  	[sflag:s1] =	ssyncset.done @!p2 $0x0;
	(pc) =	sbr.rel @p3 .LBB2_11-.Ltmp5, $4  }
0x83: {  	[sflag:s1] =	ssyncadd.s32 @!p2 $0xFFFFE200  }
0x84: {  	_ =	swait.ge @!p2 [sflag:s1], $0x1E00  }
0x85: {  	[sflag:s1] =	ssyncset.done @!p2 $0x0  }
0x86: {  	s4 =	simm.s32 $0x0;
	[sflag:s1] =	ssyncadd.s32 @!p2 $0xFFFFE200  }
.LBB2_5:
0x87: {  	v4 =	vmov s4  }
0x88: {  	v4 =	vshll.u32 v4, $0x7  }
0x89: {  	v4 =	vand.u32 $0x180, v4  }
0x8a: {  	v59 =	vld [tilespmem:$0x1FFF0];
	v0 =	vbroadcast v4, $0x0;
	_ =	sdelay $0x1  }
0x8b: {  	[tilespmem:$0x1FFD0] =	vst v0  }
0x8c: {  	v1 =	vld [tilespmem:$0x1FFD0];
	_ =	sdelay $0x1  }
0x8d: {  	v5 =	vshll.u32 v59, $0x2  }
0x8e: {  	v6 =	vand.u32 $0x7F, v59;
	v5 =	vand.u32 $0xFFFFFE00, v5  }
0x8f: {  	v5 =	vor.u32 v5, v6  }
0x90: {  	v7 =	vor.u32 v1, v5;
	_ =	sdelay $0x3  }
0x91: {  	s1 =	simm.s32 $0x80  }
0x92: {  	v5 =	vld.idx.msk [tilespmem:v7+s1+$0x0], $0xffff;
	_ =	sdelay $0x4  }
0x93: {  	v6 =	vcvt.s32.f32 v59;
	v8 =	vsub.f32 v5, v63;
	_ =	sdelay $0x1  }
0x94: {  	v5 =	vsub.f32 v6, v5;
	v6 =	vmul.f32 $3.464225530e-01, v8;
	_ =	sdelay $0x1  }
0x95: {  	v5 =	vmax.f32 v5, $-4.000000000e+00;
	v6 =	vmul.f32 $1.442695020e+00, v6  }
0x96: {  	v5 =	vmin.f32 v5, $1.924000000e+03  }
0x97: {  	v8 =	vtrunc.f32 v5;
	(erf) = vpow2.f32 v6  }
0x98: {  	v8 =	vcvt.f32.s32 v8;
	_ =	sdelay $0x1  }
0x99: {  	v6 =	vcvt.s32.f32 v8;
	_ =	sdelay $0x1  }
0x9a: {  	v9 =	vadd.f32 $-1.000000000e+00, v6  }
0x9b: {  	vm0 =	vlt.f32 v5, v6  }
0x9c: {  	v9 =	vsel vm0, v9, v6  }
0x9d: {  	v5 =	vsub.f32 v5, v9  }
0x9e: {  	v6 =	vpop (erf)  }
0x9f: {  	v10 =	vmul.f32 v5, v6;
	v5 =	vadd.s32 $0x10, v59  }
0xa0: {  	v11 =	vadd.s32 $0xFFFFF890, v59;
	vm1 =	vgt.s32 v5, $0x77F  }
0xa1: {  	vm2 =	vge.f32 v9, $0.0e+00;
	v11 =	vsel vm1, v11, v5  }
0xa2: {  	vm3 =	vge.f32 v9, $-1.000000000e+00;
	v12 =	vsub.f32 v6, v10;
	v13 =	vadd.s32 $0x10, v11  }
0xa3: {  	v6 =	vshll.u32 v11, $0x2;
	v14 =	vadd.s32 $0xFFFFF890, v11;
	vm1 =	vgt.s32 v13, $0x77F  }
0xa4: {  	v5 =	vand.u32 $0x7F, v11;
	v6 =	vand.u32 $0xFFFFFE00, v6;
	v13 =	vsel vm1, v14, v13  }
0xa5: {  	vm4 =	vle.f32 v9, $1.918000000e+03;
	v5 =	vor.u32 v6, v5;
	v6 =	vand.u32 $0x7F, v13  }
0xa6: {  	v14 =	vshll.u32 v13, $0x2;
	v15 =	vadd.s32 $0x10, v13;
	v17 =	vadd.s32 $0xFFFFF890, v13  }
0xa7: {  	v16 =	vor.u32 v1, v5;
	v14 =	vand.u32 $0xFFFFFE00, v14;
	vm1 =	vgt.s32 v15, $0x77F  }
0xa8: {  	v11 =	vcvt.s32.f32 v11;
	v5 =	vor.u32 v14, v6;
	v14 =	vsel vm1, v17, v15  }
0xa9: {  	s2 =	simm.s32 $0x3C80;
	v6 =	vand.u32 $0x7F, v14;
	v15 =	vshll.u32 v14, $0x2;
	v17 =	vadd.s32 $0x10, v14  }
0xaa: {  	v19 =	vld.idx.msk [tilespmem:v7+s2+$0x0], $0xffff;
	v18 =	vadd.s32 $0xFFFFF890, v14;
	v15 =	vand.u32 $0xFFFFFE00, v15;
	vm1 =	vgt.s32 v17, $0x77F  }
0xab: {  	v5 =	vor.u32 v1, v5;
	v6 =	vor.u32 v15, v6;
	v17 =	vsel vm1, v18, v17;
	v15 =	vld.idx.msk [tilespmem:v7+s20+$0x0], $0xffff  }
0xac: {  	vm1 =	vle.f32 v9, $1.919000000e+03;
	v24 =	vld.idx.msk [tilespmem:v16+s1+$0x0], $0xffff;
	v18 =	vshll.u32 v17, $0x2;
	v6 =	vor.u32 v1, v6  }
0xad: {  	v7 =	vld.idx.msk [tilespmem:v7+s21+$0x0], $0xffff;
	v20 =	vand.u32 $0x7F, v17;
	vm1 =	vmand vm2, vm1;
	vm2 =	vmand vm3, vm4  }
0xae: {  	v18 =	vand.u32 $0xFFFFFE00, v18;
	v21 =	vnsel vm2, $0x0, v10;
	v10 =	vcvt.s32.f32 v17  }
0xaf: {  	v9 =	vor.u32 v18, v20;
	v20 =	vnsel vm1, $0x0, v12;
	v12 =	vcvt.s32.f32 v14  }
0xb0: {  	v25 =	vmul.f32 v21, v19;
	v22 =	vor.u32 v1, v9;
	v9 =	vcvt.s32.f32 v13  }
0xb1: {  	v13 =	vld.idx.msk [tilespmem:v5+s1+$0x0], $0xffff;
	v23 =	vmul.f32 v20, v19;
	v41 =	vmul.f32 v20, v15;
	v18 =	vsub.f32 v24, v63  }
0xb2: {  	v11 =	vsub.f32 v11, v24;
	v24 =	vsel vm0, $0xFFFFFFFF, v60;
	v31 =	vmul.f32 v20, v7;
	v14 =	vld.idx.msk [tilespmem:v6+s1+$0x0], $0xffff  }
0xb3: {  	v42 =	vmul.f32 v21, v15;
	v40 =	vmul.f32 v21, v7;
	v8 =	vadd.s32 v8, v24  }
0xb4: {  	v18 =	vmul.f32 $3.464225530e-01, v18;
	v11 =	vmax.f32 v11, $-4.000000000e+00;
	v24 =	vadd.s32 $0x1, v8  }
0xb5: {  	vm1 =	vgt.s32 v8, $0x0;
	v7 =	vmin.f32 v11, $1.924000000e+03;
	vm0 =	vgt.s32 v24, $0x0;
	v15 =	vld.idx.msk [tilespmem:v22+s1+$0x0], $0xffff  }
0xb6: {  	v45 =	vnsel vm1, $0x0, v8;
	v9 =	vsub.f32 v9, v13;
	v11 =	vsub.f32 v13, v63  }
0xb7: {  	v13 =	vmul.f32 $1.442695020e+00, v18;
	v18 =	vsub.f32 v14, v63;
	v12 =	vsub.f32 v12, v14  }
0xb8: {  	v14 =	vtrunc.f32 v7;
	v9 =	vmax.f32 v9, $-4.000000000e+00;
	v11 =	vmul.f32 $3.464225530e-01, v11  }
0xb9: {  	v9 =	vmin.f32 v9, $1.924000000e+03;
	v18 =	vmul.f32 $3.464225530e-01, v18;
	v12 =	vmax.f32 v12, $-4.000000000e+00  }
0xba: {  	v11 =	vmul.f32 $1.442695020e+00, v11;
	v19 =	vsub.f32 v15, v63;
	v10 =	vsub.f32 v10, v15  }
0xbb: {  	v26 =	vtrunc.f32 v9;
	v12 =	vmin.f32 v12, $1.924000000e+03;
	v15 =	vmul.f32 $1.442695020e+00, v18  }
0xbc: {  	v18 =	vmul.f32 $3.464225530e-01, v19;
	v10 =	vmax.f32 v10, $-4.000000000e+00;
	v19 =	vtrunc.f32 v12  }
0xbd: {  	v10 =	vmin.f32 v10, $1.924000000e+03;
	(erf) = vpow2.f32 v15;
	v19 =	vcvt.f32.s32 v19  }
0xbe: {  	v0 =	vnsel vm0, $0x0, v24;
	v15 =	vmul.f32 $1.442695020e+00, v18;
	v18 =	vtrunc.f32 v10  }
0xbf: {  	(erf) = vpow2.f32 v11;
	v11 =	vcvt.f32.s32 v26  }
0xc0: {  	(erf) = vpow2.f32 v13;
	v13 =	vcvt.f32.s32 v14  }
0xc1: {  	v14 =	vcvt.s32.f32 v19;
	(erf) = vpow2.f32 v15  }
0xc2: {  	v49 =	vadd.s32 $0x10, v17;
	[tilespmem:v45+s22+$0x0] =	vst.idx.add.f32.msk $0xffff, v23;
	v15 =	vcvt.f32.s32 v18;
	v18 =	vcvt.s32.f32 v11  }
0xc3: {  	[tilespmem:v0+s22+$0x0] =	vst.idx.add.f32.msk $0xffff, v25;
	v25 =	vadd.s32 $0xFFFFF890, v17;
	v8 =	vcvt.s32.f32 v13;
	vm1 =	vlt.f32 v12, v14  }
0xc4: {  	v26 =	vadd.f32 $-1.000000000e+00, v14;
	v24 =	vcvt.s32.f32 v15;
	vm2 =	vlt.f32 v9, v18  }
0xc5: {  	v28 =	vadd.f32 $-1.000000000e+00, v18;
	v27 =	vadd.f32 $-1.000000000e+00, v8;
	vm3 =	vlt.f32 v7, v8  }
0xc6: {  	v14 =	vsel vm1, v26, v14;
	vm0 =	vlt.f32 v10, v24;
	v29 =	vadd.f32 $-1.000000000e+00, v24  }
0xc7: {  	v18 =	vsel vm2, v28, v18;
	v12 =	vsub.f32 v12, v14;
	vm4 =	vle.f32 v14, $1.919000000e+03  }
0xc8: {  	vm5 =	vge.f32 v14, $-1.000000000e+00;
	v8 =	vsel vm3, v27, v8;
	v9 =	vsub.f32 v9, v18  }
0xc9: {  	v27 =	vsel vm1, $0xFFFFFFFF, v60;
	vm1 =	vge.f32 v14, $0.0e+00;
	vm6 =	vge.f32 v18, $0.0e+00  }
0xca: {  	vm7 =	vle.f32 v18, $1.919000000e+03;
	vm8 =	vle.f32 v18, $1.918000000e+03;
	v24 =	vsel vm0, v29, v24  }
0xcb: {  	v7 =	vsub.f32 v7, v8;
	vm9 =	vge.f32 v8, $0.0e+00;
	vm10 =	vle.f32 v8, $1.919000000e+03  }
0xcc: {  	vm11 =	vge.f32 v8, $-1.000000000e+00;
	vm12 =	vle.f32 v8, $1.918000000e+03;
	v32 =	vadd.s32 v19, v27  }
0xcd: {  	v30 =	vpop (erf);
	vm1 =	vmand vm1, vm4;
	vm4 =	vmand vm6, vm7;
	v10 =	vsub.f32 v10, v24  }
0xce: {  	v12 =	vmul.f32 v12, v30;
	vm13 =	vle.f32 v24, $1.919000000e+03;
	vm14 =	vge.f32 v24, $-1.000000000e+00  }
0xcf: {  	v26 =	vpop (erf);
	vm15 =	vle.f32 v24, $1.918000000e+03;
	vm12 =	vmand vm11, vm12;
	v43 =	vadd.s32 $0x1, v32  }
0xd0: {  	v33 =	vmul.f32 v9, v26;
	v9 =	vsel vm2, $0xFFFFFFFF, v60;
	vm2 =	vle.f32 v14, $1.918000000e+03  }
0xd1: {  	v28 =	vpop (erf);
	v14 =	vsel vm3, $0xFFFFFFFF, v60;
	vm3 =	vge.f32 v18, $-1.000000000e+00;
	v18 =	vsel vm0, $0xFFFFFFFF, v60  }
0xd2: {  	vm0 =	vge.f32 v24, $0.0e+00;
	vm15 =	vmand vm14, vm15;
	v35 =	vmul.f32 v7, v28  }
0xd3: {  	v27 =	vld.idx.msk [tilespmem:v6+s2+$0x0], $0xffff;
	vm2 =	vmand vm5, vm2;
	v24 =	vadd.s32 v11, v9;
	vm3 =	vmand vm3, vm8  }
0xd4: {  	v29 =	vpop (erf);
	v14 =	vadd.s32 v13, v14;
	vm5 =	vmand vm9, vm10;
	v11 =	vadd.s32 v15, v18  }
0xd5: {  	v46 =	vld.idx.msk [tilespmem:v5+s2+$0x0], $0xffff;
	vm0 =	vmand vm0, vm13;
	v34 =	vmul.f32 v10, v29;
	v7 =	vsub.f32 v26, v33  }
0xd6: {  	v47 =	vld.idx.msk [tilespmem:v5+s20+$0x0], $0xffff;
	v10 =	vsub.f32 v30, v12;
	v18 =	vnsel vm2, $0x0, v12;
	v15 =	vadd.s32 $0x1, v11  }
0xd7: {  	v48 =	vld.idx.msk [tilespmem:v5+s21+$0x0], $0xffff;
	vm2 =	vgt.s32 v43, $0x0;
	v26 =	vsub.f32 v28, v35;
	v8 =	vnsel vm12, $0x0, v35  }
0xd8: {  	v35 =	vadd.s32 $0x1, v24;
	v39 =	vmul.f32 v18, v27;
	v28 =	vsub.f32 v29, v34  }
0xd9: {  	v13 =	vld.idx.msk [tilespmem:v6+s20+$0x0], $0xffff;
	v9 =	vnsel vm4, $0x0, v7;
	v19 =	vnsel vm1, $0x0, v10;
	v10 =	vnsel vm3, $0x0, v33  }
0xda: {  	v5 =	vnsel vm15, $0x0, v34;
	vm3 =	vgt.s32 v32, $0x0;
	vm1 =	vgt.s32 v35, $0x0  }
0xdb: {  	vm4 =	vgt.s32 v49, $0x77F;
	v38 =	vmul.f32 v19, v27;
	v30 =	vmul.f32 v9, v46  }
0xdc: {  	v12 =	vld.idx.msk [tilespmem:v16+s2+$0x0], $0xffff;
	v7 =	vnsel vm5, $0x0, v26;
	v26 =	vmul.f32 v9, v47;
	v23 =	vmul.f32 v9, v48  }
0xdd: {  	v29 =	vld.idx.msk [tilespmem:v6+s21+$0x0], $0xffff;
	v27 =	vmul.f32 v10, v47;
	v61 =	vsel vm4, v25, v49;
	v25 =	vmul.f32 v10, v48  }
0xde: {  	v6 =	vnsel vm0, $0x0, v28;
	v28 =	vadd.s32 $0x1, v14;
	v36 =	vmul.f32 v19, v13  }
0xdf: {  	[tilespmem:v45+s23+$0x0] =	vst.idx.add.f32.msk $0xffff, v41;
	v37 =	vmul.f32 v18, v13;
	vm0 =	vgt.s32 v24, $0x0;
	v62 =	vand.u32 $0x7F, v61  }
0xe0: {  	[tilespmem:v0+s23+$0x0] =	vst.idx.add.f32.msk $0xffff, v42;
	v63 =	vshll.u32 v61, $0x2;
	v2 =	vadd.s32 $0x10, v61;
	v52 =	vadd.s32 $0xFFFFF890, v61  }
0xe1: {  	[tilespmem:v45+s24+$0x0] =	vst.idx.add.f32.msk $0xffff, v31;
	v44 =	vmul.f32 v7, v12;
	v51 =	vand.u32 $0xFFFFFE00, v63;
	vm4 =	vgt.s32 v2, $0x77F  }
0xe2: {  	v17 =	vld.idx.msk [tilespmem:v16+s21+$0x0], $0xffff;
	v31 =	vor.u32 v51, v62;
	v33 =	vmul.f32 v19, v29;
	v34 =	vmul.f32 v18, v29  }
0xe3: {  	[tilespmem:v0+s24+$0x0] =	vst.idx.add.f32.msk $0xffff, v40;
	v47 =	vsel vm4, v52, v2;
	v29 =	vmul.f32 v10, v46;
	v46 =	vcvt.s32.f32 v61  }
0xe4: {  	[tilespmem:v45+s25+$0x0] =	vst.idx.add.f32.msk $0xffff, v20;
	v53 =	vand.u32 $0x7F, v47;
	v54 =	vshll.u32 v47, $0x2;
	v55 =	vadd.s32 $0x10, v47  }
0xe5: {  	[tilespmem:v0+s25+$0x0] =	vst.idx.add.f32.msk $0xffff, v21;
	v60 =	vadd.s32 $0xFFFFF890, v47;
	v41 =	vand.u32 $0xFFFFFE00, v54;
	vm4 =	vgt.s32 v55, $0x77F  }
0xe6: {  	v20 =	vld.idx.msk [tilespmem:v22+s2+$0x0], $0xffff;
	v58 =	vor.u32 v1, v31;
	v31 =	vor.u32 v41, v53;
	v48 =	vsel vm4, v60, v55  }
0xe7: {  	v21 =	vld.idx.msk [tilespmem:v22+s20+$0x0], $0xffff;
	v61 =	vand.u32 $0x7F, v48;
	v62 =	vshll.u32 v48, $0x2;
	v42 =	vadd.s32 $0x10, v48  }
0xe8: {  	v22 =	vld.idx.msk [tilespmem:v22+s21+$0x0], $0xffff;
	v63 =	vadd.s32 $0xFFFFF890, v48;
	v41 =	vand.u32 $0xFFFFFE00, v62;
	vm4 =	vgt.s32 v42, $0x77F  }
0xe9: {  	s26 =	simm.s32 $0x4;
	v13 =	vld.idx.msk [tilespmem:v16+s20+$0x0], $0xffff;
	v59 =	vor.u32 v1, v31;
	v40 =	vor.u32 v41, v61;
	v31 =	vsel vm4, v63, v42  }
.LBB2_6:
0xea: {  	v16 =	vld [tilespmem:$0x1FFD0];
	_ =	sdelay $0x1  }
0xeb: {  	v42 =	vshll.u32 v31, $0x2  }
0xec: {  	v57 =	vand.u32 $0xFFFFFE00, v42;
	v42 =	vld.idx.msk [tilespmem:v58+s1+$0x0], $0xffff  }
0xed: {  	v4 =	vld [tilespmem:$0x1FFE0]  }
0xee: {  	v61 =	vcvt.s32.f32 v48;
	v48 =	vld.idx.msk [tilespmem:v58+s2+$0x0], $0xffff;
	v45 =	vor.u32 v16, v40  }
0xef: {  	v1 =	vld.idx.msk [tilespmem:v58+s20+$0x0], $0xffff  }
0xf0: {  	v2 =	vld.idx.msk [tilespmem:v59+s1+$0x0], $0xffff;
	v0 =	vmul.f32 v6, v22  }
0xf1: {  	v51 =	vmul.f32 v6, v20;
	v52 =	vmul.f32 v5, v20;
	v20 =	vsub.f32 v46, v42;
	v46 =	vld.idx.msk [tilespmem:v59+s2+$0x0], $0xffff  }
0xf2: {  	v41 =	vand.u32 $0x7F, v31;
	v53 =	vmul.f32 v7, v17;
	[tilespmem:$0x1FFC0] =	vst v0;
	v0 =	vsub.f32 v42, v4;
	v42 =	vld.idx.msk [tilespmem:v59+s20+$0x0], $0xffff  }
0xf3: {  	v54 =	vmul.f32 v8, v17;
	v32 =	vnsel vm3, $0x0, v32;
	v40 =	vor.u32 v57, v41;
	v17 =	vld.idx.msk [tilespmem:v45+s1+$0x0], $0xffff  }
0xf4: {  	v24 =	vnsel vm0, $0x0, v24;
	v63 =	vor.u32 v16, v40;
	v40 =	vld.idx.msk [tilespmem:v45+s2+$0x0], $0xffff  }
0xf5: {  	v41 =	vld.idx.msk [tilespmem:v45+s20+$0x0], $0xffff  }
0xf6: {  	v60 =	vcvt.s32.f32 v47;
	v57 =	vmul.f32 v8, v12;
	v12 =	vmov v48;
	v48 =	vld.idx.msk [tilespmem:v45+s21+$0x0], $0xffff  }
0xf7: {  	v55 =	vmul.f32 v7, v13;
	v56 =	vmul.f32 v8, v13;
	v43 =	vnsel vm2, $0x0, v43;
	v45 =	vld.idx.msk [tilespmem:v59+s21+$0x0], $0xffff  }
0xf8: {  	v47 =	vmul.f32 v6, v21;
	v35 =	vnsel vm1, $0x0, v35;
	v20 =	vmax.f32 v20, $-4.000000000e+00;
	[tilespmem:v32+s22+$0x0] =	vst.idx.add.f32.msk $0xffff, v38  }
0xf9: {  	v62 =	vcvt.s32.f32 v31;
	v13 =	vmovc v1;
	v1 =	vmin.f32 v20, $1.924000000e+03;
	v20 =	vsub.f32 v2, v4;
	[tilespmem:v24+s22+$0x0] =	vst.idx.add.f32.msk $0xffff, v30  }
0xfa: {  	vm5 =	vgt.s32 v28, $0x0;
	v50 =	vmul.f32 v5, v21;
	v49 =	vmul.f32 v5, v22;
	v21 =	vld.idx.msk [tilespmem:v63+s1+$0x0], $0xffff  }
0xfb: {  	v22 =	vmul.f32 $3.464225530e-01, v0;
	v2 =	vsub.f32 v60, v2;
	v0 =	vmul.f32 $3.464225530e-01, v20;
	v20 =	vld.idx.msk [tilespmem:v63+s2+$0x0], $0xffff  }
0xfc: {  	vm6 =	vgt.s32 v14, $0x0;
	vm4 =	vgt.s32 v15, $0x0;
	vm7 =	vgt.s32 v11, $0x0;
	[tilespmem:v43+s22+$0x0] =	vst.idx.add.f32.msk $0xffff, v39  }
0xfd: {  	v60 =	vmul.f32 $1.442695020e+00, v22;
	v3 =	vtrunc.f32 v1;
	v2 =	vmax.f32 v2, $-4.000000000e+00;
	[tilespmem:v35+s22+$0x0] =	vst.idx.add.f32.msk $0xffff, v29  }
0xfe: {  	v3 =	vcvt.f32.s32 v3;
	v2 =	vmin.f32 v2, $1.924000000e+03;
	[tilespmem:v32+s23+$0x0] =	vst.idx.add.f32.msk $0xffff, v36;
	v22 =	vsub.f32 v17, v4  }
0xff: {  	v0 =	vmul.f32 $1.442695020e+00, v0;
	[tilespmem:v43+s23+$0x0] =	vst.idx.add.f32.msk $0xffff, v37;
	v37 =	vnsel vm7, $0x0, v11;
	v61 =	vsub.f32 v61, v17  }
0x100: {  	[tilespmem:v32+s24+$0x0] =	vst.idx.add.f32.msk $0xffff, v33;
	v59 =	vsub.f32 v21, v4;
	v4 =	vtrunc.f32 v2;
	v22 =	vmul.f32 $3.464225530e-01, v22  }
0x101: {  	v17 =	vld.idx.msk [tilespmem:v58+s21+$0x0], $0xffff;
	v58 =	vmax.f32 v61, $-4.000000000e+00;
	v61 =	vsub.f32 v62, v21;
	v4 =	vcvt.f32.s32 v4  }
0x102: {  	v21 =	vld.idx.msk [tilespmem:v63+s20+$0x0], $0xffff;
	v62 =	vmin.f32 v58, $1.924000000e+03;
	v59 =	vmul.f32 $3.464225530e-01, v59;
	v58 =	vmul.f32 $1.442695020e+00, v22  }
0x103: {  	v61 =	vmax.f32 v61, $-4.000000000e+00;
	v22 =	vld.idx.msk [tilespmem:v63+s21+$0x0], $0xffff;
	v63 =	vtrunc.f32 v62;
	v33 =	vcvt.s32.f32 v4  }
0x104: {  	[tilespmem:v24+s23+$0x0] =	vst.idx.add.f32.msk $0xffff, v26;
	v61 =	vmin.f32 v61, $1.924000000e+03;
	v38 =	vmul.f32 $1.442695020e+00, v59;
	v39 =	vcvt.f32.s32 v63  }
0x105: {  	[tilespmem:v35+s23+$0x0] =	vst.idx.add.f32.msk $0xffff, v27;
	(erf) = vpow2.f32 v58;
	v59 =	vtrunc.f32 v61;
	v58 =	vnsel vm4, $0x0, v15  }
0x106: {  	[tilespmem:v24+s24+$0x0] =	vst.idx.add.f32.msk $0xffff, v23;
	vm3 =	vlt.f32 v2, v33;
	v63 =	vadd.f32 $-1.000000000e+00, v33;
	(erf) = vpow2.f32 v0  }
0x107: {  	[tilespmem:v43+s24+$0x0] =	vst.idx.add.f32.msk $0xffff, v34;
	v0 =	vnsel vm5, $0x0, v28;
	v15 =	vcvt.f32.s32 v59;
	v11 =	vcvt.s32.f32 v39  }
0x108: {  	[tilespmem:v35+s24+$0x0] =	vst.idx.add.f32.msk $0xffff, v25;
	v28 =	vnsel vm6, $0x0, v14;
	v14 =	vcvt.s32.f32 v3;
	(erf) = vpow2.f32 v60  }
0x109: {  	[tilespmem:v32+s25+$0x0] =	vst.idx.add.f32.msk $0xffff, v19;
	v60 =	vimm.s32 $0x0;
	(erf) = vpow2.f32 v38;
	v19 =	vcvt.s32.f32 v15  }
0x10a: {  	[tilespmem:v43+s25+$0x0] =	vst.idx.add.f32.msk $0xffff, v18;
	vm2 =	vlt.f32 v62, v11;
	v18 =	vadd.f32 $-1.000000000e+00, v14;
	vm1 =	vlt.f32 v1, v14  }
0x10b: {  	[tilespmem:v24+s25+$0x0] =	vst.idx.add.f32.msk $0xffff, v9;
	v32 =	vadd.f32 $-1.000000000e+00, v11;
	v9 =	vsel vm1, $0xFFFFFFFF, v60;
	vm0 =	vlt.f32 v61, v19  }
0x10c: {  	v43 =	vadd.f32 $-1.000000000e+00, v19;
	v14 =	vsel vm1, v18, v14;
	v18 =	vsel vm3, v63, v33  }
0x10d: {  	[tilespmem:v37+s22+$0x0] =	vst.idx.add.f32.msk $0xffff, v51;
	v11 =	vsel vm2, v32, v11;
	v63 =	vsel vm2, $0xFFFFFFFF, v60;
	v2 =	vsub.f32 v2, v18  }
0x10e: {  	[tilespmem:v58+s22+$0x0] =	vst.idx.add.f32.msk $0xffff, v52;
	v52 =	vadd.s32 $0x10, v31;
	v29 =	vsub.f32 v62, v11;
	v1 =	vsub.f32 v1, v14  }
0x10f: {  	vm2 =	vge.f32 v11, $0.0e+00;
	vm4 =	vle.f32 v11, $1.919000000e+03;
	vm5 =	vge.f32 v11, $-1.000000000e+00  }
0x110: {  	[tilespmem:v35+s25+$0x0] =	vst.idx.add.f32.msk $0xffff, v10;
	vm6 =	vge.f32 v18, $0.0e+00;
	vm7 =	vle.f32 v18, $1.919000000e+03;
	vm1 =	vge.f32 v18, $-1.000000000e+00  }
0x111: {  	v51 =	vld [tilespmem:$0x1FFC0];
	vm8 =	vle.f32 v18, $1.918000000e+03;
	vm9 =	vge.f32 v14, $0.0e+00;
	vm10 =	vle.f32 v14, $1.919000000e+03  }
0x112: {  	[tilespmem:v28+s22+$0x0] =	vst.idx.add.f32.msk $0xffff, v44;
	vm11 =	vge.f32 v14, $-1.000000000e+00;
	v10 =	vsel vm0, $0xFFFFFFFF, v60;
	v32 =	vadd.s32 v39, v63  }
0x113: {  	vm12 =	vle.f32 v14, $1.918000000e+03;
	v14 =	vadd.s32 v3, v9;
	[tilespmem:v37+s23+$0x0] =	vst.idx.add.f32.msk $0xffff, v47;
	v19 =	vsel vm0, v43, v19  }
0x114: {  	v43 =	vsel vm3, $0xFFFFFFFF, v60;
	vm3 =	vle.f32 v11, $1.918000000e+03;
	[tilespmem:v0+s22+$0x0] =	vst.idx.add.f32.msk $0xffff, v57;
	vm2 =	vmand vm2, vm4  }
0x115: {  	vm4 =	vmand vm6, vm7;
	vm1 =	vmand vm1, vm8;
	vm12 =	vmand vm11, vm12;
	[tilespmem:v58+s23+$0x0] =	vst.idx.add.f32.msk $0xffff, v50  }
0x116: {  	v11 =	vadd.s32 v15, v10;
	v62 =	vsub.f32 v61, v19;
	vm0 =	vge.f32 v19, $0.0e+00;
	[tilespmem:v28+s23+$0x0] =	vst.idx.add.f32.msk $0xffff, v55  }
0x117: {  	vm13 =	vle.f32 v19, $1.919000000e+03;
	vm14 =	vge.f32 v19, $-1.000000000e+00;
	vm15 =	vle.f32 v19, $1.918000000e+03;
	[tilespmem:v37+s24+$0x0] =	vst.idx.add.f32.msk $0xffff, v51  }
0x118: {  	vm3 =	vmand vm5, vm3;
	v24 =	vadd.s32 v4, v43;
	vm5 =	vmand vm9, vm10;
	v59 =	vpop (erf);
	[tilespmem:v0+s23+$0x0] =	vst.idx.add.f32.msk $0xffff, v56  }
0x119: {  	v43 =	vadd.s32 $0x1, v32;
	v15 =	vadd.s32 $0x1, v11;
	vm0 =	vmand vm0, vm13;
	[tilespmem:v58+s24+$0x0] =	vst.idx.add.f32.msk $0xffff, v49;
	v30 =	vpop (erf)  }
0x11a: {  	vm15 =	vmand vm14, vm15;
	v35 =	vadd.s32 $0x1, v24;
	v29 =	vmul.f32 v29, v59;
	[tilespmem:v28+s24+$0x0] =	vst.idx.add.f32.msk $0xffff, v53;
	v38 =	vpop (erf)  }
0x11b: {  	v53 =	vadd.s32 $0xFFFFF890, v31;
	v2 =	vmul.f32 v2, v30;
	[tilespmem:v0+s24+$0x0] =	vst.idx.add.f32.msk $0xffff, v54;
	v1 =	vmul.f32 v1, v38  }
0x11c: {  	v26 =	vpop (erf);
	[tilespmem:v28+s25+$0x0] =	vst.idx.add.f32.msk $0xffff, v7;
	v18 =	vnsel vm3, $0x0, v29;
	v28 =	vadd.s32 $0x1, v14;
	vm3 =	vgt.s32 v32, $0x0  }
0x11d: {  	v27 =	vmul.f32 v62, v26;
	v23 =	vsub.f32 v30, v2;
	v30 =	vsub.f32 v59, v29  }
0x11e: {  	[tilespmem:v37+s25+$0x0] =	vst.idx.add.f32.msk $0xffff, v6;
	v10 =	vnsel vm1, $0x0, v2;
	v39 =	vmul.f32 v18, v40;
	vm1 =	vgt.s32 v35, $0x0  }
0x11f: {  	v37 =	vmul.f32 v18, v41;
	v34 =	vmul.f32 v18, v48;
	v25 =	vsub.f32 v38, v1  }
0x120: {  	[tilespmem:v0+s25+$0x0] =	vst.idx.add.f32.msk $0xffff, v8;
	v8 =	vnsel vm12, $0x0, v1;
	v29 =	vmul.f32 v10, v46;
	v26 =	vsub.f32 v26, v27  }
0x121: {  	v9 =	vnsel vm4, $0x0, v23;
	v19 =	vnsel vm2, $0x0, v30;
	v47 =	vnsel vm15, $0x0, v27  }
0x122: {  	vm2 =	vgt.s32 v43, $0x0;
	v27 =	vmul.f32 v10, v42;
	v38 =	vmul.f32 v19, v40  }
0x123: {  	vm4 =	vgt.s32 v52, $0x77F;
	v36 =	vmul.f32 v19, v41;
	v33 =	vmul.f32 v19, v48  }
0x124: {  	v7 =	vnsel vm5, $0x0, v25;
	v30 =	vmul.f32 v9, v46;
	v23 =	vmul.f32 v9, v45  }
0x125: {  	v0 =	vsel vm4, v53, v52;
	v25 =	vmul.f32 v10, v45;
	v44 =	vnsel vm0, $0x0, v26  }
0x126: {  	vm0 =	vgt.s32 v24, $0x0;
	v26 =	vmul.f32 v9, v42;
	v54 =	vand.u32 $0x7F, v0  }
0x127: {  	v2 =	vshll.u32 v0, $0x2;
	v3 =	vadd.s32 $0x10, v0;
	v4 =	vadd.s32 $0xFFFFF890, v0  }
0x128: {  	[tilespmem:v58+s25+$0x0] =	vst.idx.add.f32.msk $0xffff, v5;
	v5 =	vmovc v47;
	v46 =	vcvt.s32.f32 v0;
	v2 =	vand.u32 $0xFFFFFE00, v2;
	vm4 =	vgt.s32 v3, $0x77F  }
0x129: {  	s26 =	sadd.s32 $0x4, s26;
	v6 =	vmovc v44;
	v44 =	vmul.f32 v7, v12;
	v1 =	vor.u32 v2, v54;
	v47 =	vsel vm4, v4, v3  }
0x12a: {  	p3 =	slt.u32 s26, $0x74;
	v55 =	vand.u32 $0x7F, v47;
	v61 =	vshll.u32 v47, $0x2;
	v3 =	vadd.s32 $0x10, v47  }
.Ltmp6:
0x12b: {  	v4 =	vadd.s32 $0xFFFFF890, v47;
	v2 =	vand.u32 $0xFFFFFE00, v61;
	vm4 =	vgt.s32 v3, $0x77F;
	(pc) =	sbr.rel @p3 .LBB2_6-.Ltmp6, $4  }
0x12c: {  	v58 =	vor.u32 v16, v1;
	v0 =	vor.u32 v2, v55;
	v48 =	vsel vm4, v4, v3  }
0x12d: {  	v62 =	vand.u32 $0x7F, v48;
	v63 =	vshll.u32 v48, $0x2;
	v3 =	vadd.s32 $0x10, v48  }
0x12e: {  	v4 =	vadd.s32 $0xFFFFF890, v48;
	v2 =	vand.u32 $0xFFFFFE00, v63;
	vm4 =	vgt.s32 v3, $0x77F  }
0x12f: {  	v59 =	vor.u32 v16, v0;
	v40 =	vor.u32 v2, v62;
	v31 =	vsel vm4, v4, v3  }
0x130: {  	_ =	sdelay $0x2  }
0x131: {  	v0 =	vld [tilespmem:$0x1FFD0]  }
0x132: {  	v1 =	vld.idx.msk [tilespmem:v58+s1+$0x0], $0xffff  }
0x133: {  	v31 =	vld.idx.msk [tilespmem:v58+s2+$0x0], $0xffff  }
0x134: {  	v4 =	vld.idx.msk [tilespmem:v58+s20+$0x0], $0xffff  }
0x135: {  	v2 =	vld.idx.msk [tilespmem:v59+s1+$0x0], $0xffff;
	v63 =	vnsel vm3, $0x0, v32  }
0x136: {  	v43 =	vnsel vm2, $0x0, v43;
	v42 =	vld.idx.msk [tilespmem:v59+s2+$0x0], $0xffff  }
0x137: {  	v41 =	vld.idx.msk [tilespmem:v59+s20+$0x0], $0xffff  }
0x138: {  	v32 =	vld.idx.msk [tilespmem:v58+s21+$0x0], $0xffff  }
0x139: {  	v0 =	vor.u32 v0, v40;
	v40 =	vld.idx.msk [tilespmem:v59+s21+$0x0], $0xffff  }
0x13a: {  	[tilespmem:v63+s22+$0x0] =	vst.idx.add.f32.msk $0xffff, v38  }
0x13b: {  	[tilespmem:v43+s22+$0x0] =	vst.idx.add.f32.msk $0xffff, v39  }
0x13c: {  	[tilespmem:v63+s23+$0x0] =	vst.idx.add.f32.msk $0xffff, v36  }
0x13d: {  	[tilespmem:v43+s23+$0x0] =	vst.idx.add.f32.msk $0xffff, v37  }
0x13e: {  	[tilespmem:v63+s24+$0x0] =	vst.idx.add.f32.msk $0xffff, v33  }
0x13f: {  	v3 =	vld.idx.msk [tilespmem:v0+s1+$0x0], $0xffff  }
0x140: {  	v49 =	vld.idx.msk [tilespmem:v0+s2+$0x0], $0xffff  }
0x141: {  	v24 =	vnsel vm0, $0x0, v24;
	vm9 =	vgt.s32 v14, $0x0;
	v45 =	vld.idx.msk [tilespmem:v0+s20+$0x0], $0xffff  }
0x142: {  	vm11 =	vgt.s32 v11, $0x0;
	v14 =	vnsel vm9, $0x0, v14;
	[tilespmem:v43+s24+$0x0] =	vst.idx.add.f32.msk $0xffff, v34  }
0x143: {  	v12 =	vmul.f32 v8, v12;
	v11 =	vnsel vm11, $0x0, v11;
	[tilespmem:v63+s25+$0x0] =	vst.idx.add.f32.msk $0xffff, v19  }
0x144: {  	v35 =	vnsel vm1, $0x0, v35;
	v51 =	vmul.f32 v6, v21;
	v52 =	vmul.f32 v5, v20;
	v63 =	vld [tilespmem:$0x1FFE0]  }
0x145: {  	v54 =	vmul.f32 v6, v22;
	v55 =	vmul.f32 v5, v21;
	[tilespmem:v43+s25+$0x0] =	vst.idx.add.f32.msk $0xffff, v18  }
0x146: {  	vm8 =	vgt.s32 v28, $0x0;
	v39 =	vcvt.s32.f32 v48;
	v48 =	vmul.f32 v6, v20;
	[tilespmem:v24+s22+$0x0] =	vst.idx.add.f32.msk $0xffff, v30  }
0x147: {  	v58 =	vmul.f32 v5, v22;
	v38 =	vcvt.s32.f32 v47;
	v53 =	vsub.f32 v46, v1;
	[tilespmem:v14+s22+$0x0] =	vst.idx.add.f32.msk $0xffff, v44  }
0x148: {  	v61 =	vnsel vm8, $0x0, v28;
	v47 =	vmul.f32 v7, v13;
	v13 =	vmul.f32 v8, v13;
	[tilespmem:v11+s22+$0x0] =	vst.idx.add.f32.msk $0xffff, v48  }
0x149: {  	v36 =	vmul.f32 v7, v17;
	v56 =	vmax.f32 v53, $-4.000000000e+00;
	[tilespmem:v35+s22+$0x0] =	vst.idx.add.f32.msk $0xffff, v29;
	v57 =	vsub.f32 v3, v63  }
0x14a: {  	v17 =	vmul.f32 v8, v17;
	v19 =	vmin.f32 v56, $1.924000000e+03;
	[tilespmem:v24+s23+$0x0] =	vst.idx.add.f32.msk $0xffff, v26;
	v3 =	vsub.f32 v39, v3  }
0x14b: {  	v62 =	vtrunc.f32 v19;
	[tilespmem:v35+s23+$0x0] =	vst.idx.add.f32.msk $0xffff, v27;
	v59 =	vsub.f32 v2, v63;
	v21 =	vmul.f32 $3.464225530e-01, v57  }
0x14c: {  	[tilespmem:v24+s24+$0x0] =	vst.idx.add.f32.msk $0xffff, v23;
	v23 =	vcvt.f32.s32 v62;
	v2 =	vsub.f32 v38, v2;
	v3 =	vmax.f32 v3, $-4.000000000e+00  }
0x14d: {  	[tilespmem:v61+s22+$0x0] =	vst.idx.add.f32.msk $0xffff, v12;
	v16 =	vmul.f32 $3.464225530e-01, v59;
	v3 =	vmin.f32 v3, $1.924000000e+03;
	v21 =	vmul.f32 $1.442695020e+00, v21  }
0x14e: {  	v1 =	vsub.f32 v1, v63;
	[tilespmem:v35+s24+$0x0] =	vst.idx.add.f32.msk $0xffff, v25;
	v2 =	vmax.f32 v2, $-4.000000000e+00;
	v30 =	vtrunc.f32 v3  }
0x14f: {  	[tilespmem:v24+s25+$0x0] =	vst.idx.add.f32.msk $0xffff, v9;
	v2 =	vmin.f32 v2, $1.924000000e+03;
	v9 =	vmul.f32 $1.442695020e+00, v16;
	(erf) = vpow2.f32 v21  }
0x150: {  	[tilespmem:v35+s25+$0x0] =	vst.idx.add.f32.msk $0xffff, v10;
	v10 =	vtrunc.f32 v2;
	v34 =	vcvt.f32.s32 v30  }
0x151: {  	[tilespmem:v14+s23+$0x0] =	vst.idx.add.f32.msk $0xffff, v47;
	v1 =	vmul.f32 $3.464225530e-01, v1;
	v10 =	vcvt.f32.s32 v10  }
0x152: {  	vm10 =	vgt.s32 v15, $0x0;
	[tilespmem:v61+s23+$0x0] =	vst.idx.add.f32.msk $0xffff, v13;
	v16 =	vcvt.s32.f32 v34;
	(erf) = vpow2.f32 v9  }
0x153: {  	v13 =	vnsel vm10, $0x0, v15;
	[tilespmem:v14+s24+$0x0] =	vst.idx.add.f32.msk $0xffff, v36;
	v9 =	vcvt.s32.f32 v23;
	v12 =	vcvt.s32.f32 v10  }
0x154: {  	[tilespmem:v61+s24+$0x0] =	vst.idx.add.f32.msk $0xffff, v17;
	v1 =	vmul.f32 $1.442695020e+00, v1;
	v35 =	vadd.f32 $-1.000000000e+00, v16;
	vm12 =	vlt.f32 v3, v16  }
0x155: {  	[tilespmem:v14+s25+$0x0] =	vst.idx.add.f32.msk $0xffff, v7;
	v15 =	vadd.f32 $-1.000000000e+00, v9;
	vm13 =	vlt.f32 v2, v12;
	v38 =	vadd.f32 $-1.000000000e+00, v12  }
0x156: {  	[tilespmem:v61+s25+$0x0] =	vst.idx.add.f32.msk $0xffff, v8;
	vm0 =	vlt.f32 v19, v9;
	v8 =	vsel vm12, $0xFFFFFFFF, v60;
	v16 =	vsel vm12, v35, v16  }
0x157: {  	v50 =	vld.idx.msk [tilespmem:v0+s21+$0x0], $0xffff;
	v7 =	vsel vm0, v15, v9;
	v9 =	vsel vm13, v38, v12;
	v3 =	vsub.f32 v3, v16  }
0x158: {  	[tilespmem:v13+s22+$0x0] =	vst.idx.add.f32.msk $0xffff, v52;
	(erf) = vpow2.f32 v1;
	v8 =	vadd.s32 v34, v8;
	v2 =	vsub.f32 v2, v9;
	v39 =	vpop (erf)  }
0x159: {  	[tilespmem:v11+s23+$0x0] =	vst.idx.add.f32.msk $0xffff, v51;
	vm14 =	vge.f32 v16, $0.0e+00;
	vm15 =	vle.f32 v16, $1.919000000e+03;
	v3 =	vmul.f32 v3, v39  }
0x15a: {  	[tilespmem:v13+s23+$0x0] =	vst.idx.add.f32.msk $0xffff, v55;
	v12 =	vadd.s32 $0x1, v8;
	vm4 =	vgt.s32 v8, $0x0;
	vm5 =	vge.f32 v16, $-1.000000000e+00  }
0x15b: {  	[tilespmem:v11+s24+$0x0] =	vst.idx.add.f32.msk $0xffff, v54;
	vm6 =	vgt.s32 v12, $0x0;
	v8 =	vnsel vm4, $0x0, v8;
	v1 =	vsub.f32 v39, v3  }
0x15c: {  	[tilespmem:v13+s24+$0x0] =	vst.idx.add.f32.msk $0xffff, v58;
	vm8 =	vle.f32 v16, $1.918000000e+03;
	vm2 =	vmand vm14, vm15;
	v43 =	vnsel vm6, $0x0, v12;
	v14 =	vpop (erf)  }
0x15d: {  	[tilespmem:v11+s25+$0x0] =	vst.idx.add.f32.msk $0xffff, v6;
	vm9 =	vmand vm5, vm8;
	v2 =	vmul.f32 v2, v14;
	v1 =	vnsel vm2, $0x0, v1  }
0x15e: {  	[tilespmem:v13+s25+$0x0] =	vst.idx.add.f32.msk $0xffff, v5;
	v11 =	vsel vm13, $0xFFFFFFFF, v60;
	v3 =	vnsel vm9, $0x0, v3;
	v15 =	vmul.f32 v1, v49  }
0x15f: {  	v10 =	vadd.s32 v10, v11;
	v6 =	vsub.f32 v14, v2;
	v14 =	vmul.f32 v3, v49  }
0x160: {  	vm10 =	vge.f32 v9, $0.0e+00;
	v11 =	vmul.f32 v3, v45;
	v5 =	vmul.f32 v1, v45;
	[tilespmem:v8+s22+$0x0] =	vst.idx.add.f32.msk $0xffff, v15  }
0x161: {  	vm11 =	vle.f32 v9, $1.919000000e+03;
	vm12 =	vge.f32 v9, $-1.000000000e+00;
	v13 =	vadd.s32 $0x1, v10;
	[tilespmem:v43+s22+$0x0] =	vst.idx.add.f32.msk $0xffff, v14  }
0x162: {  	vm13 =	vgt.s32 v10, $0x0;
	vm14 =	vgt.s32 v13, $0x0;
	v14 =	vmul.f32 v1, v50;
	[tilespmem:v8+s23+$0x0] =	vst.idx.add.f32.msk $0xffff, v5  }
0x163: {  	v10 =	vnsel vm13, $0x0, v10;
	v12 =	vsub.f32 v19, v7;
	v5 =	vmul.f32 v3, v50;
	[tilespmem:v43+s23+$0x0] =	vst.idx.add.f32.msk $0xffff, v11  }
0x164: {  	vm15 =	vle.f32 v9, $1.918000000e+03;
	vm1 =	vmand vm10, vm11;
	v9 =	vnsel vm14, $0x0, v13;
	v11 =	vpop (erf);
	[tilespmem:v8+s24+$0x0] =	vst.idx.add.f32.msk $0xffff, v14  }
0x165: {  	vm8 =	vmand vm12, vm15;
	v6 =	vnsel vm1, $0x0, v6;
	v12 =	vmul.f32 v12, v11;
	[tilespmem:v43+s24+$0x0] =	vst.idx.add.f32.msk $0xffff, v5  }
0x166: {  	v2 =	vnsel vm8, $0x0, v2;
	v5 =	vmul.f32 v6, v42;
	[tilespmem:v8+s25+$0x0] =	vst.idx.add.f32.msk $0xffff, v1  }
0x167: {  	vm10 =	vle.f32 v7, $1.919000000e+03;
	v44 =	vsub.f32 v11, v12;
	v11 =	vmul.f32 v2, v42;
	[tilespmem:v43+s25+$0x0] =	vst.idx.add.f32.msk $0xffff, v3  }
0x168: {  	vm11 =	vge.f32 v7, $-1.000000000e+00;
	v45 =	vmul.f32 v6, v41;
	v8 =	vsel vm0, $0xFFFFFFFF, v60;
	[tilespmem:v10+s22+$0x0] =	vst.idx.add.f32.msk $0xffff, v5  }
0x169: {  	vm9 =	vge.f32 v7, $0.0e+00;
	v3 =	vadd.s32 v23, v8;
	v5 =	vmul.f32 v2, v41;
	[tilespmem:v9+s22+$0x0] =	vst.idx.add.f32.msk $0xffff, v11  }
0x16a: {  	v8 =	vadd.s32 $0x1, v3;
	v11 =	vmul.f32 v6, v40;
	vm12 =	vgt.s32 v3, $0x0;
	[tilespmem:v10+s23+$0x0] =	vst.idx.add.f32.msk $0xffff, v45  }
0x16b: {  	v46 =	vmul.f32 v2, v40;
	vm13 =	vgt.s32 v8, $0x0;
	v3 =	vnsel vm12, $0x0, v3;
	[tilespmem:v9+s23+$0x0] =	vst.idx.add.f32.msk $0xffff, v5  }
0x16c: {  	vm14 =	vle.f32 v7, $1.918000000e+03;
	vm0 =	vmand vm9, vm10;
	v5 =	vnsel vm13, $0x0, v8;
	[tilespmem:v10+s24+$0x0] =	vst.idx.add.f32.msk $0xffff, v11  }
0x16d: {  	vm15 =	vmand vm11, vm14;
	v1 =	vnsel vm0, $0x0, v44;
	[tilespmem:v9+s24+$0x0] =	vst.idx.add.f32.msk $0xffff, v46  }
0x16e: {  	v47 =	vnsel vm15, $0x0, v12;
	v7 =	vmul.f32 v1, v31;
	[tilespmem:v10+s25+$0x0] =	vst.idx.add.f32.msk $0xffff, v6  }
0x16f: {  	v6 =	vmul.f32 v47, v31;
	[tilespmem:v9+s25+$0x0] =	vst.idx.add.f32.msk $0xffff, v2  }
0x170: {  	v48 =	vmul.f32 v1, v4;
	[tilespmem:v3+s22+$0x0] =	vst.idx.add.f32.msk $0xffff, v7  }
0x171: {  	v4 =	vmul.f32 v47, v4;
	[tilespmem:v5+s22+$0x0] =	vst.idx.add.f32.msk $0xffff, v6  }
0x172: {  	v6 =	vmul.f32 v1, v32;
	[tilespmem:v3+s23+$0x0] =	vst.idx.add.f32.msk $0xffff, v48  }
0x173: {  	v49 =	vmul.f32 v47, v32;
	[tilespmem:v5+s23+$0x0] =	vst.idx.add.f32.msk $0xffff, v4  }
0x174: {  	[tilespmem:v3+s24+$0x0] =	vst.idx.add.f32.msk $0xffff, v6  }
0x175: {  	s5 =	simm.s32 $0x0;
	[tilespmem:v5+s24+$0x0] =	vst.idx.add.f32.msk $0xffff, v49  }
0x176: {  	s18 =	sand.u32 $0x40, s5;
	[tilespmem:v3+s25+$0x0] =	vst.idx.add.f32.msk $0xffff, v1  }
0x177: {  	s6 =	sand.u32 $0x780, s5;
	s7 =	sor.u32 $0x30, s18;
	[tilespmem:v5+s25+$0x0] =	vst.idx.add.f32.msk $0xffff, v47  }
0x178: {  	s19 =	sor.u32 s6, s7;
	[dreg:$0x13] =	wrdreg s4  }
0x179: {  	v0 =	vld [tilespmem:s19+$0x1BC80];
	_ =	sdelay $0x2  }
0x17a: {  	s8 =	sor.u32 $0x10, s18  }
0x17b: {  	s9 =	sor.u32 $0x20, s18;
	s1 =	sor.u32 s6, s8  }
0x17c: {  	s28 =	sor.u32 s6, s9;
	v1 =	vld [tilespmem:s1+$0x1BC80];
	v0 =	vmax.f32 v0, $9.999999970e-07  }
0x17d: {  	v50 =	vld [tilespmem:s28+$0x1BC80];
	(erf) = vrcp.f32 v0;
	_ =	sdelay $0x3  }
0x17e: {  	v1 =	vmax.f32 v1, $9.999999970e-07  }
0x17f: {  	v2 =	vld [tilespmem:s19+$0x1A480];
	v0 =	vmax.f32 v50, $9.999999970e-07;
	(erf) = vrcp.f32 v1  }
0x180: {  	(erf) = vrcp.f32 v0;
	_ =	sdelay $0x1  }
0x181: {  	s29 =	simm.s32 $0x0  }
0x182: {  	s26 =	sshll.u32 s4, $0x7;
	s5 =	sand.u32 $0x1E00, s5;
	v4 =	vld [tilespmem:s29+$0x1BC80];
	v51 =	vpop (erf)  }
0x183: {  	s13 =	sor.u32 s26, s5;
	v52 =	vld [tilespmem:s1+$0x1A480];
	v2 =	vmul.f32 v51, v2  }
0x184: {  	s11 =	sor.u32 s7, s13;
	v3 =	vld [tilespmem:s28+$0x1A480]  }
0x185: {  	[tilespmem:s11+$0xF080] =	vst v2  }
0x186: {  	v2 =	vld [tilespmem:s19+$0x1AC80]  }
0x187: {  	v4 =	vmax.f32 v4, $9.999999970e-07;
	v5 =	vpop (erf)  }
0x188: {  	v1 =	vmul.f32 v5, v52;
	v7 =	vpop (erf);
	(erf) = vrcp.f32 v4  }
0x189: {  	s15 =	simm.s32 $0x40;
	s12 =	sor.u32 s8, s13;
	v3 =	vmul.f32 v7, v3  }
0x18a: {  	s10 =	sor.u32 s9, s13;
	s7 =	sand.u32 $0x40, s15;
	v6 =	vld [tilespmem:s29+$0x1A480];
	[tilespmem:s12+$0xF080] =	vst v1  }
0x18b: {  	s16 =	sand.u32 $0x780, s15;
	s14 =	sor.u32 $0x30, s7;
	v54 =	vld [tilespmem:s1+$0x1AC80];
	[tilespmem:s10+$0xF080] =	vst v3;
	v53 =	vmul.f32 v2, v51  }
0x18c: {  	s8 =	sor.u32 s16, s14;
	v3 =	vld [tilespmem:s28+$0x1AC80]  }
0x18d: {  	s15 =	sor.u32 $0x10, s7;
	v4 =	vld [tilespmem:s8+$0x1BC80];
	[tilespmem:s11+$0x12C80] =	vst v53  }
0x18e: {  	s17 =	sor.u32 $0x20, s7;
	s5 =	sor.u32 s16, s15;
	v1 =	vld [tilespmem:s19+$0x1B480]  }
0x18f: {  	s9 =	sor.u32 s16, s17;
	v8 =	vld [tilespmem:s5+$0x1BC80]  }
0x190: {  	v9 =	vld [tilespmem:s9+$0x1BC80];
	v2 =	vmul.f32 v54, v5  }
0x191: {  	v3 =	vmul.f32 v3, v7;
	v55 =	vpop (erf)  }
0x192: {  	v56 =	vmax.f32 v4, $9.999999970e-07;
	[tilespmem:s12+$0x12C80] =	vst v2;
	v4 =	vmul.f32 v55, v6  }
0x193: {  	s2 =	sor.u32 s18, s13;
	[tilespmem:s10+$0x12C80] =	vst v3;
	v3 =	vld [tilespmem:s1+$0x1B480];
	v0 =	vmul.f32 v1, v51  }
0x194: {  	(erf) = vrcp.f32 v56;
	v6 =	vmax.f32 v8, $9.999999970e-07;
	[tilespmem:s2+$0xF080] =	vst v4  }
0x195: {  	v12 =	vimm.f32 $0.0e+00;
	v57 =	vmax.f32 v9, $9.999999970e-07;
	(erf) = vrcp.f32 v6;
	[tilespmem:s11+$0x16880] =	vst v0  }
0x196: {  	(erf) = vrcp.f32 v57;
	[tilespmem:s19+$0x1BC80] =	vst v12  }
0x197: {  	[tilespmem:s19+$0x1A480] =	vst v12  }
0x198: {  	v58 =	vld [tilespmem:s29+$0x1AC80];
	v59 =	vmul.f32 v3, v5;
	[tilespmem:s19+$0x1AC80] =	vst v12  }
0x199: {  	v3 =	vld [tilespmem:s8+$0x1A480];
	[tilespmem:s19+$0x1B480] =	vst v12  }
0x19a: {  	v5 =	vld [tilespmem:s5+$0x1A480];
	[tilespmem:s12+$0x16880] =	vst v59  }
0x19b: {  	v61 =	vld [tilespmem:s9+$0x1A480];
	[tilespmem:s1+$0x1A480] =	vst v12  }
0x19c: {  	s4 =	simm.s32 $0x100;
	v8 =	vld [tilespmem:s28+$0x1B480];
	[tilespmem:s1+$0x1AC80] =	vst v12  }
0x19d: {  	s13 =	simm.s32 $0x40;
	s18 =	sand.u32 $0x1E00, s4;
	v6 =	vpop (erf);
	v0 =	vmul.f32 v58, v55;
	[tilespmem:s1+$0x1B480] =	vst v12  }
0x19e: {  	v62 =	vld [tilespmem:s13+$0x1BC80];
	s19 =	sor.u32 s26, s18;
	[tilespmem:s1+$0x1BC80] =	vst v12;
	v4 =	vpop (erf);
	v3 =	vmul.f32 v6, v3  }
0x19f: {  	s12 =	sor.u32 s14, s19;
	[tilespmem:s2+$0x12C80] =	vst v0;
	v9 =	vmul.f32 v4, v5;
	v5 =	vpop (erf)  }
0x1a0: {  	s16 =	sor.u32 s15, s19;
	v2 =	vmul.f32 v5, v61;
	[tilespmem:s12+$0xF080] =	vst v3;
	v3 =	vld [tilespmem:s29+$0x1B480]  }
0x1a1: {  	v7 =	vmul.f32 v8, v7;
	s6 =	sor.u32 s17, s19;
	[tilespmem:s16+$0xF080] =	vst v9;
	v11 =	vld [tilespmem:s8+$0x1AC80]  }
0x1a2: {  	[tilespmem:s6+$0xF080] =	vst v2;
	v9 =	vld [tilespmem:s5+$0x1AC80]  }
0x1a3: {  	[tilespmem:s10+$0x16880] =	vst v7;
	v0 =	vmax.f32 v62, $9.999999970e-07;
	v10 =	vld [tilespmem:s9+$0x1AC80]  }
0x1a4: {  	[tilespmem:s28+$0x1A480] =	vst v12;
	(erf) = vrcp.f32 v0  }
0x1a5: {  	[tilespmem:s28+$0x1AC80] =	vst v12  }
0x1a6: {  	v7 =	vld [tilespmem:s13+$0x1A480];
	s17 =	simm.s32 $0x4;
	s14 =	sor.u32 s7, s19;
	s1 =	simm.s32 $0x80;
	[tilespmem:s28+$0x1B480] =	vst v12;
	v8 =	vmul.f32 v3, v55;
	v11 =	vmul.f32 v11, v6  }
.LBB2_8:
0x1a7: {  	s7 =	sand.u32 $0x40, s1;
	v0 =	vmul.f32 v9, v4;
	[tilespmem:s28+$0x1BC80] =	vst v12;
	s28 =	smov.u32 s9  }
0x1a8: {  	s9 =	sand.u32 $0x780, s1;
	s17 =	sadd.s32 $0x4, s17;
	s15 =	sor.u32 $0x30, s7;
	v1 =	vmul.f32 v10, v5;
	[tilespmem:s12+$0x12C80] =	vst v11  }
0x1a9: {  	s10 =	sor.u32 $0x10, s7;
	p3 =	slt.u32 s17, $0x74;
	s19 =	sor.u32 s9, s15;
	[tilespmem:s16+$0x12C80] =	vst v0;
	v0 =	vld [tilespmem:s8+$0x1B480]  }
0x1aa: {  	s18 =	sor.u32 $0x20, s7;
	s11 =	sor.u32 s9, s10;
	v2 =	vld [tilespmem:s19+$0x1BC80];
	[tilespmem:s6+$0x12C80] =	vst v1  }
0x1ab: {  	s9 =	sor.u32 s9, s18;
	v1 =	vld [tilespmem:s11+$0x1BC80];
	[tilespmem:s2+$0x16880] =	vst v8;
	s2 =	smov.u32 s14  }
0x1ac: {  	v3 =	vld [tilespmem:s9+$0x1BC80];
	[tilespmem:s29+$0x1A480] =	vst v12  }
0x1ad: {  	v8 =	vld [tilespmem:s11+$0x1A480];
	v11 =	vpop (erf);
	[tilespmem:s29+$0x1AC80] =	vst v12  }
0x1ae: {  	v9 =	vld [tilespmem:s9+$0x1A480];
	v7 =	vmul.f32 v11, v7;
	v0 =	vmul.f32 v0, v6;
	[tilespmem:s29+$0x1B480] =	vst v12  }
0x1af: {  	v2 =	vmax.f32 v2, $9.999999970e-07;
	v6 =	vld [tilespmem:s5+$0x1B480];
	[tilespmem:s29+$0x1BC80] =	vst v12;
	s29 =	smov.u32 s13  }
0x1b0: {  	v1 =	vmax.f32 v1, $9.999999970e-07;
	(erf) = vrcp.f32 v2;
	v2 =	vld [tilespmem:s28+$0x1B480];
	[tilespmem:s12+$0x16880] =	vst v0  }
0x1b1: {  	v0 =	vmax.f32 v3, $9.999999970e-07;
	(erf) = vrcp.f32 v1;
	[tilespmem:s8+$0x1BC80] =	vst v12  }
0x1b2: {  	(erf) = vrcp.f32 v0;
	[tilespmem:s2+$0xF080] =	vst v7  }
0x1b3: {  	v0 =	vld [tilespmem:s29+$0x1AC80];
	[tilespmem:s8+$0x1A480] =	vst v12  }
0x1b4: {  	v1 =	vmul.f32 v6, v4;
	[tilespmem:s8+$0x1AC80] =	vst v12  }
0x1b5: {  	v3 =	vld [tilespmem:s19+$0x1A480];
	v2 =	vmul.f32 v2, v5;
	[tilespmem:s8+$0x1B480] =	vst v12;
	s8 =	smov.u32 s19  }
0x1b6: {  	[tilespmem:s16+$0x16880] =	vst v1  }
0x1b7: {  	[tilespmem:s5+$0x1A480] =	vst v12  }
0x1b8: {  	s4 =	sadd.s32 $0x100, s4;
	v0 =	vmul.f32 v0, v11;
	[tilespmem:s5+$0x1AC80] =	vst v12  }
0x1b9: {  	s13 =	sshra.s32 s4, $0x2;
	s12 =	sand.u32 $0x1E00, s4;
	v6 =	vpop (erf);
	[tilespmem:s5+$0x1B480] =	vst v12  }
0x1ba: {  	s19 =	sor.u32 s26, s12;
	v1 =	vld [tilespmem:s13+$0x1BC80];
	v3 =	vmul.f32 v6, v3;
	v4 =	vpop (erf);
	[tilespmem:s2+$0x12C80] =	vst v0  }
0x1bb: {  	s14 =	sor.u32 s7, s19;
	s16 =	sor.u32 s10, s19;
	s12 =	sor.u32 s15, s19;
	v7 =	vld [tilespmem:s13+$0x1A480];
	v0 =	vmul.f32 v4, v8;
	v5 =	vpop (erf);
	[tilespmem:s5+$0x1BC80] =	vst v12  }
0x1bc: {  	s7 =	sor.u32 s18, s19;
	s5 =	smov.u32 s11;
	v8 =	vmul.f32 v5, v9;
	[tilespmem:s12+$0xF080] =	vst v3;
	v3 =	vld [tilespmem:s29+$0x1B480]  }
0x1bd: {  	[tilespmem:s16+$0xF080] =	vst v0;
	v0 =	vld [tilespmem:s8+$0x1AC80]  }
.Ltmp7:
0x1be: {  	v9 =	vld [tilespmem:s5+$0x1AC80];
	[tilespmem:s7+$0xF080] =	vst v8;
	(pc) =	sbr.rel @p3 .LBB2_8-.Ltmp7, $4  }
0x1bf: {  	v1 =	vmax.f32 v1, $9.999999970e-07;
	v10 =	vld [tilespmem:s9+$0x1AC80];
	[tilespmem:s6+$0x16880] =	vst v2;
	s6 =	smov.u32 s7  }
0x1c0: {  	(erf) = vrcp.f32 v1;
	[tilespmem:s28+$0x1A480] =	vst v12  }
0x1c1: {  	v8 =	vmul.f32 v3, v11;
	[tilespmem:s28+$0x1AC80] =	vst v12  }
0x1c2: {  	s1 =	sadd.s32 $0x40, s1;
	v11 =	vmul.f32 v0, v6;
	[tilespmem:s28+$0x1B480] =	vst v12  }
0x1c3: {  	[tilespmem:s28+$0x1BC80] =	vst v12  }
0x1c4: {  	[tilespmem:s12+$0x12C80] =	vst v11  }
0x1c5: {  	[tilespmem:s2+$0x16880] =	vst v8;
	v54 =	vld [tilespmem:s8+$0x1B480]  }
0x1c6: {  	[tilespmem:s29+$0x1A480] =	vst v12  }
0x1c7: {  	[tilespmem:s29+$0x1AC80] =	vst v12  }
0x1c8: {  	v0 =	vmul.f32 v9, v4;
	[tilespmem:s29+$0x1B480] =	vst v12  }
0x1c9: {  	v1 =	vmul.f32 v10, v5;
	[tilespmem:s29+$0x1BC80] =	vst v12  }
0x1ca: {  	[tilespmem:s16+$0x12C80] =	vst v0;
	v55 =	vpop (erf);
	v0 =	vmul.f32 v54, v6  }
0x1cb: {  	[tilespmem:s6+$0x12C80] =	vst v1;
	v3 =	vld [tilespmem:s5+$0x1B480];
	v2 =	vmul.f32 v55, v7  }
0x1cc: {  	[tilespmem:s12+$0x16880] =	vst v0  }
0x1cd: {  	[tilespmem:s14+$0xF080] =	vst v2  }
0x1ce: {  	[tilespmem:s8+$0x1BC80] =	vst v12;
	v56 =	vld [tilespmem:s13+$0x1AC80]  }
0x1cf: {  	[tilespmem:s8+$0x1A480] =	vst v12  }
0x1d0: {  	v57 =	vmul.f32 v3, v4;
	[tilespmem:s8+$0x1AC80] =	vst v12  }
0x1d1: {  	v58 =	vld [tilespmem:s9+$0x1B480];
	[tilespmem:s8+$0x1B480] =	vst v12  }
0x1d2: {  	[tilespmem:s16+$0x16880] =	vst v57  }
0x1d3: {  	[tilespmem:s5+$0x1A480] =	vst v12;
	v0 =	vmul.f32 v56, v55  }
0x1d4: {  	[tilespmem:s5+$0x1AC80] =	vst v12  }
0x1d5: {  	[tilespmem:s14+$0x12C80] =	vst v0  }
0x1d6: {  	v59 =	vmul.f32 v58, v5;
	[tilespmem:s5+$0x1B480] =	vst v12;
	v61 =	vld [tilespmem:s13+$0x1B480]  }
0x1d7: {  	[tilespmem:s5+$0x1BC80] =	vst v12  }
0x1d8: {  	[tilespmem:s6+$0x16880] =	vst v59  }
0x1d9: {  	[tilespmem:s9+$0x1A480] =	vst v12  }
0x1da: {  	[tilespmem:s9+$0x1AC80] =	vst v12  }
0x1db: {  	[tilespmem:s9+$0x1B480] =	vst v12;
	v62 =	vmul.f32 v61, v55  }
0x1dc: {  	[tilespmem:s9+$0x1BC80] =	vst v12  }
0x1dd: {  	[tilespmem:s14+$0x16880] =	vst v62  }
0x1de: {  	[tilespmem:s13+$0x1A480] =	vst v12  }
0x1df: {  	[tilespmem:s13+$0x1AC80] =	vst v12  }
0x1e0: {  	s4 =	rddreg [dreg:$0x13]  }
0x1e1: {  	s4 =	sadd.s32 $0x1, s4  }
0x1e2: {  	p3 =	sne.s32 s4, $0x4  }
.Ltmp8:
0x1e3: {  	_ = 	snop;
	(pc) =	sbr.rel @p3 .LBB2_5-.Ltmp8, $3  }
0x1e4: {  	_ =	sdelay $0x1  }
0x1e5: {  	[tilespmem:s13+$0x1B480] =	vst v12  }
0x1e6: {  	[tilespmem:s13+$0x1BC80] =	vst v12  }
0x1e7: {  	s2 =	rddreg [dreg:$0x12]  }
0x1e8: {  	s1 =	simm.s32 $0x870;
	p3 =	sgt.u32 s2, $0x10D  }
0x1e9: {  	s2 =	sshll.u32 s2, $0x2;
	s1 =	simm.s32 @!p3 $0x0  }
0x1ea: {  	s1 =	sadd.s32 s2, s1  }
0x1eb: {  	s2 =	sshrl.u32 s1, $0x3;
	s1 =	sadd.s32 $0x438, s1  }
0x1ec: {  	s2 =	smul.u32 $0x3C00, s2;
	s1 =	sshrl.u32 s1, $0x3  }
0x1ed: {  	s6 =	rddreg [dreg:$0x6];
	s1 =	smul.u32 $0x3C00, s1  }
0x1ee: {  	s5 =	rddreg [dreg:$0x3];
	s7 =	simm.s32 $0x200;
	s2 =	sor.u32 s6, s2  }
0x1ef: {  	s8 =	simm.s32 $0x400;
	s4 =	sshrl.u32 s2, $0x3;
	s1 =	sor.u32 s6, s1  }
0x1f0: {  	s9 =	simm.s32 $0xF080;
	s4 =	sadd.s32 s5, s4;
	s1 =	sshrl.u32 s1, $0x3  }
0x1f1: {  	[hbm4b:s4+s7] =	stream.strided.scatter [tilespmem:s9], [sflag:$0x3], $0x1E00, s8, s7, $0x38;
	[tilespmem:$0x1C480] =	vst v63  }
0x1f2: {  	s26 =	simm.s32 $0x12C80;
	s28 =	sadd.s32 $0x3F4800, s2;
	s1 =	sadd.s32 s5, s1  }
0x1f3: {  	[hbm4b:s1+s7] =	stream.strided.scatter [tilespmem:s26], [sflag:$0x3], $0x1E00, s8, s7, $0x38;
	[tilespmem:$0x1C480] =	vst v63  }
0x1f4: {  	s1 =	sshrl.u32 s28, $0x3  }
0x1f5: {  	s29 =	simm.s32 $0x16880;
	s1 =	sadd.s32 s5, s1  }
0x1f6: {  	[hbm4b:s1+s7] =	stream.strided.scatter [tilespmem:s29], [sflag:$0x3], $0x1E00, s8, s7, $0x38;
	[tilespmem:$0x1C480] =	vst v63  }
.LBB2_11:
0x1f7: {  	s1 =	rddreg [dreg:$0xc]  }
0x1f8: {  	s2 =	rddreg [dreg:$0x11]  }
0x1f9: {  	s1 =	sadd.s32 s1, s2  }
0x1fa: {  	p3 =	sgt.u32 s1, $0x21B  }
0x1fb: {  	s9 =	rddreg [dreg:$0x6];
	s2 =	sshrl.u32 @!p3 s1, $0x1  }
0x1fc: {  	p4 =	sgt.u32 @!p3 s1, $0x10D;
	s4 =	simm.s32 @!p3 $0x870;
	s2 =	smul.u32 @!p3 $0x3C00, s2  }
0x1fd: {  	s1 =	sshll.u32 @!p3 s1, $0x2;
	s6 =	simm.s32 @!p3 $0x400;
	p4 =	por !p4, p3  }
0x1fe: {  	s7 =	simm.s32 @!p3 $0x80;
	s4 =	simm.s32 @p4 $0x0;
	s2 =	sor.u32 @!p3 s9, s2  }
0x1ff: {  	s1 =	sadd.s32 @!p3 s1, s4;
	s4 =	rddreg [dreg:$0x1];
	s2 =	sshrl.u32 @!p3 s2, $0x3  }
0x200: {  	s5 =	sshrl.u32 @!p3 s1, $0x3;
	s1 =	sadd.s32 @!p3 $0x438, s1;
	s2 =	sadd.s32 @!p3 s4, s2  }
0x201: {  	s4 =	simm.s32 @!p3 $0x200;
	s5 =	smul.u32 @!p3 $0x3C00, s5;
	s1 =	sshrl.u32 @!p3 s1, $0x3  }
0x202: {  	[tilespmem:s7], [sflag:$0x1] =	stream.strided.gather @!p3 [hbm4b:s2+s4], $0x1E00, s6, s4, $0x38;
	[tilespmem:$0x1C480] =	vst v63  }
0x203: {  	s1 =	smul.u32 @!p3 $0x3C00, s1  }
0x204: {  	s2 =	sor.u32 @!p3 s9, s5  }
0x205: {  	s8 =	rddreg [dreg:$0x0];
	s5 =	sshrl.u32 @!p3 s2, $0x3;
	s1 =	sor.u32 @!p3 s9, s1  }
0x206: {  	s7 =	simm.s32 @!p3 $0x3C80;
	s5 =	sadd.s32 @!p3 s8, s5;
	s1 =	sshrl.u32 @!p3 s1, $0x3  }
0x207: {  	[tilespmem:s7], [sflag:$0x1] =	stream.strided.gather @!p3 [hbm4b:s5+s4], $0x1E00, s6, s4, $0x38;
	[tilespmem:$0x1C480] =	vst v63  }
0x208: {  	s1 =	sadd.s32 @!p3 s8, s1;
	s5 =	simm.s32 @!p3 $0x7880  }
0x209: {  	[tilespmem:s5], [sflag:$0x1] =	stream.strided.gather @!p3 [hbm4b:s1+s4], $0x1E00, s6, s4, $0x38;
	[tilespmem:$0x1C480] =	vst v63  }
0x20a: {  	s1 =	sadd.s32 @!p3 $0x3F4800, s2  }
0x20b: {  	s1 =	sshrl.u32 @!p3 s1, $0x3  }
0x20c: {  	s2 =	simm.s32 @!p3 $0xB480;
	s1 =	sadd.s32 @!p3 s8, s1  }
0x20d: {  	[tilespmem:s2], [sflag:$0x1] =	stream.strided.gather @!p3 [hbm4b:s1+s4], $0x1E00, s6, s4, $0x38;
	[tilespmem:$0x1C480] =	vst v63  }
0x20e: {  	s1 =	simm.s32 @!p1 $0x2  }
0x20f: {  	_ =	swait.ge @!p1 [sflag:s1], $0x1E00  }
0x210: {  	[sflag:s1] =	ssyncset.done @!p1 $0x0  }
0x211: {  	[sflag:s1] =	ssyncadd.s32 @!p1 $0xFFFFE200  }
0x212: {  	_ =	swait.ge @!p1 [sflag:s1], $0x1E00  }
0x213: {  	[sflag:s1] =	ssyncset.done @!p1 $0x0  }
0x214: {  	[sflag:s1] =	ssyncadd.s32 @!p1 $0xFFFFE200  }
0x215: {  	_ =	swait.ge @!p1 [sflag:s1], $0x1E00  }
0x216: {  	[sflag:s1] =	ssyncset.done @!p1 $0x0  }
0x217: {  	[sflag:s1] =	ssyncadd.s32 @!p1 $0xFFFFE200  }
0x218: {  	_ =	swait.ge @!p1 [sflag:s1], $0x1E00  }
0x219: {  	[sflag:s1] =	ssyncset.done @!p1 $0x0  }
0x21a: {  	[sflag:s1] =	ssyncadd.s32 @!p1 $0xFFFFE200;
	s1 =	simm.s32 @!p2 $0x4  }
0x21b: {  	_ =	swait.ge @!p2 [sflag:s1], $0x1E00  }
0x21c: {  	[sflag:s1] =	ssyncset.done @!p2 $0x0  }
0x21d: {  	[sflag:s1] =	ssyncadd.s32 @!p2 $0xFFFFE200  }
0x21e: {  	_ =	swait.ge @!p2 [sflag:s1], $0x1E00  }
.Ltmp9:
0x21f: {  	[sflag:s1] =	ssyncset.done @!p2 $0x0;
	(pc) =	sbr.rel @p1 .LBB2_18-.Ltmp9, $4  }
0x220: {  	[sflag:s1] =	ssyncadd.s32 @!p2 $0xFFFFE200  }
0x221: {  	_ =	swait.ge @!p2 [sflag:s1], $0x1E00  }
0x222: {  	[sflag:s1] =	ssyncset.done @!p2 $0x0  }
0x223: {  	[sflag:s1] =	ssyncadd.s32 @!p2 $0xFFFFE200;
	s1 =	simm.s32 $0x0  }
.LBB2_12:
0x224: {  	v0 =	vmov s1  }
0x225: {  	v0 =	vshll.u32 v0, $0x7  }
0x226: {  	v0 =	vand.u32 $0x180, v0  }
0x227: {  	v4 =	vld [tilespmem:$0x1FFF0];
	v0 =	vbroadcast v0, $0x0;
	_ =	sdelay $0x1  }
0x228: {  	[tilespmem:$0x1FFB0] =	vst v0  }
0x229: {  	v44 =	vld [tilespmem:$0x1FFB0];
	_ =	sdelay $0x1  }
0x22a: {  	v35 =	vshll.u32 v4, $0x2  }
0x22b: {  	v1 =	vand.u32 $0x7F, v4;
	v0 =	vand.u32 $0xFFFFFE00, v35  }
0x22c: {  	v0 =	vor.u32 v0, v1  }
0x22d: {  	v0 =	vor.u32 v44, v0;
	_ =	sdelay $0x4  }
0x22e: {  	v36 =	vld.idx.msk [tilespmem:v0+s30+$0x0], $0xffff;
	_ =	sdelay $0x4  }
0x22f: {  	v2 =	vcvt.s32.f32 v4;
	v3 =	vsub.f32 v36, v63;
	_ =	sdelay $0x1  }
0x230: {  	v1 =	vsub.f32 v2, v36;
	v37 =	vmul.f32 $3.464225530e-01, v3;
	_ =	sdelay $0x1  }
0x231: {  	v1 =	vmax.f32 v1, $-4.000000000e+00;
	v2 =	vmul.f32 $1.442695020e+00, v37  }
0x232: {  	v1 =	vmin.f32 v1, $1.924000000e+03  }
0x233: {  	v3 =	vtrunc.f32 v1;
	(erf) = vpow2.f32 v2  }
0x234: {  	v38 =	vcvt.f32.s32 v3;
	_ =	sdelay $0x1  }
0x235: {  	v6 =	vadd.s32 $0x10, v4;
	v3 =	vcvt.s32.f32 v38  }
0x236: {  	v7 =	vadd.s32 $0xFFFFF890, v4;
	vm1 =	vgt.s32 v6, $0x77F  }
0x237: {  	v7 =	vsel vm1, v7, v6;
	v5 =	vadd.f32 $-1.000000000e+00, v3  }
0x238: {  	v9 =	vadd.s32 $0x10, v7;
	vm0 =	vlt.f32 v1, v3  }
0x239: {  	v10 =	vadd.s32 $0xFFFFF890, v7;
	vm1 =	vgt.s32 v9, $0x77F;
	v3 =	vsel vm0, v5, v3  }
0x23a: {  	v6 =	vshll.u32 v7, $0x2;
	v9 =	vsel vm1, v10, v9;
	v1 =	vsub.f32 v1, v3  }
0x23b: {  	v6 =	vand.u32 $0xFFFFFE00, v6;
	v10 =	vshll.u32 v9, $0x2;
	v11 =	vadd.s32 $0x10, v9;
	v5 =	vpop (erf)  }
0x23c: {  	v12 =	vadd.s32 $0xFFFFF890, v9;
	v10 =	vand.u32 $0xFFFFFE00, v10;
	v1 =	vmul.f32 v1, v5  }
0x23d: {  	vm1 =	vgt.s32 v11, $0x77F;
	vm2 =	vge.f32 v3, $0.0e+00;
	vm3 =	vge.f32 v3, $-1.000000000e+00  }
0x23e: {  	vm4 =	vle.f32 v3, $1.918000000e+03;
	v8 =	vsub.f32 v5, v1;
	v5 =	vand.u32 $0x7F, v7  }
0x23f: {  	v7 =	vcvt.s32.f32 v7;
	v5 =	vor.u32 v6, v5;
	v6 =	vand.u32 $0x7F, v9  }
0x240: {  	v16 =	vor.u32 v44, v5;
	v5 =	vor.u32 v10, v6;
	v10 =	vsel vm1, v12, v11  }
0x241: {  	v6 =	vand.u32 $0x7F, v10;
	v11 =	vshll.u32 v10, $0x2;
	v12 =	vadd.s32 $0x10, v10  }
0x242: {  	v13 =	vadd.s32 $0xFFFFF890, v10;
	v11 =	vand.u32 $0xFFFFFE00, v11;
	vm1 =	vgt.s32 v12, $0x77F  }
0x243: {  	v14 =	vld.idx.msk [tilespmem:v0+s31+$0x0], $0xffff;
	v5 =	vor.u32 v44, v5;
	v6 =	vor.u32 v11, v6;
	v17 =	vsel vm1, v13, v12  }
0x244: {  	v11 =	vld.idx.msk [tilespmem:v0+s3+$0x0], $0xffff;
	vm1 =	vle.f32 v3, $1.919000000e+03;
	v12 =	vshll.u32 v17, $0x2;
	v6 =	vor.u32 v44, v6  }
0x245: {  	v0 =	vld.idx.msk [tilespmem:v0+s0+$0x0], $0xffff;
	v13 =	vand.u32 $0x7F, v17;
	vm1 =	vmand vm2, vm1;
	vm2 =	vmand vm3, vm4  }
0x246: {  	v45 =	vcvt.s32.f32 v17;
	v12 =	vand.u32 $0xFFFFFE00, v12;
	v15 =	vld.idx.msk [tilespmem:v16+s30+$0x0], $0xffff;
	v20 =	vnsel vm1, $0x0, v8  }
0x247: {  	v8 =	vcvt.s32.f32 v10;
	v21 =	vnsel vm2, $0x0, v1;
	v3 =	vor.u32 v12, v13  }
0x248: {  	v23 =	vmul.f32 v20, v14;
	v25 =	vmul.f32 v21, v14;
	v22 =	vor.u32 v44, v3  }
0x249: {  	v13 =	vsel vm0, $0xFFFFFFFF, v60;
	v3 =	vcvt.s32.f32 v9;
	v9 =	vld.idx.msk [tilespmem:v5+s30+$0x0], $0xffff;
	v41 =	vmul.f32 v20, v11  }
0x24a: {  	v2 =	vadd.s32 v38, v13;
	v31 =	vmul.f32 v20, v0;
	v42 =	vmul.f32 v21, v11;
	v10 =	vld.idx.msk [tilespmem:v6+s30+$0x0], $0xffff  }
0x24b: {  	v13 =	vadd.s32 $0x1, v2;
	v12 =	vsub.f32 v15, v63;
	v7 =	vsub.f32 v7, v15  }
0x24c: {  	v40 =	vmul.f32 v21, v0;
	vm1 =	vgt.s32 v2, $0x0;
	vm0 =	vgt.s32 v13, $0x0  }
0x24d: {  	v2 =	vnsel vm1, $0x0, v2;
	v11 =	vld.idx.msk [tilespmem:v22+s30+$0x0], $0xffff;
	v12 =	vmul.f32 $3.464225530e-01, v12;
	v7 =	vmax.f32 v7, $-4.000000000e+00  }
0x24e: {  	v3 =	vsub.f32 v3, v9;
	v46 =	vmin.f32 v7, $1.924000000e+03;
	v7 =	vsub.f32 v9, v63  }
0x24f: {  	v9 =	vmul.f32 $1.442695020e+00, v12;
	v12 =	vsub.f32 v10, v63;
	v8 =	vsub.f32 v8, v10  }
0x250: {  	v10 =	vtrunc.f32 v46;
	v3 =	vmax.f32 v3, $-4.000000000e+00;
	v7 =	vmul.f32 $3.464225530e-01, v7  }
0x251: {  	v3 =	vmin.f32 v3, $1.924000000e+03;
	v12 =	vmul.f32 $3.464225530e-01, v12;
	v8 =	vmax.f32 v8, $-4.000000000e+00  }
0x252: {  	v15 =	vtrunc.f32 v3;
	v14 =	vsub.f32 v11, v63;
	v1 =	vsub.f32 v45, v11  }
0x253: {  	v8 =	vmin.f32 v8, $1.924000000e+03;
	v7 =	vmul.f32 $1.442695020e+00, v7;
	v11 =	vmul.f32 $1.442695020e+00, v12  }
0x254: {  	v12 =	vmul.f32 $3.464225530e-01, v14;
	v1 =	vmax.f32 v1, $-4.000000000e+00;
	v14 =	vtrunc.f32 v8  }
0x255: {  	v1 =	vmin.f32 v1, $1.924000000e+03;
	(erf) = vpow2.f32 v11;
	v14 =	vcvt.f32.s32 v14  }
0x256: {  	v4 =	vnsel vm0, $0x0, v13;
	v11 =	vmul.f32 $1.442695020e+00, v12;
	v12 =	vtrunc.f32 v1  }
0x257: {  	(erf) = vpow2.f32 v7;
	v7 =	vcvt.f32.s32 v15  }
0x258: {  	(erf) = vpow2.f32 v9;
	v9 =	vcvt.f32.s32 v10  }
0x259: {  	v10 =	vcvt.f32.s32 v12;
	(erf) = vpow2.f32 v11  }
0x25a: {  	v50 =	vadd.s32 $0x10, v17;
	[tilespmem:v2+s22+$0x0] =	vst.idx.add.f32.msk $0xffff, v23;
	v11 =	vcvt.s32.f32 v14;
	v13 =	vcvt.s32.f32 v7  }
0x25b: {  	[tilespmem:v4+s22+$0x0] =	vst.idx.add.f32.msk $0xffff, v25;
	v25 =	vadd.s32 $0xFFFFF890, v17;
	v12 =	vcvt.s32.f32 v9;
	v15 =	vcvt.s32.f32 v10  }
0x25c: {  	vm1 =	vlt.f32 v8, v11;
	v18 =	vadd.f32 $-1.000000000e+00, v11;
	v24 =	vadd.f32 $-1.000000000e+00, v13  }
0x25d: {  	vm2 =	vlt.f32 v3, v13;
	v19 =	vadd.f32 $-1.000000000e+00, v12;
	v26 =	vadd.f32 $-1.000000000e+00, v15  }
0x25e: {  	vm0 =	vlt.f32 v1, v15;
	vm3 =	vlt.f32 v46, v12;
	v13 =	vsel vm2, v24, v13  }
0x25f: {  	v11 =	vsel vm1, v18, v11;
	v12 =	vsel vm3, v19, v12;
	v15 =	vsel vm0, v26, v15  }
0x260: {  	v3 =	vsub.f32 v3, v13;
	v8 =	vsub.f32 v8, v11;
	v19 =	vsel vm1, $0xFFFFFFFF, v60  }
0x261: {  	vm1 =	vge.f32 v11, $0.0e+00;
	vm4 =	vle.f32 v11, $1.919000000e+03;
	vm5 =	vge.f32 v11, $-1.000000000e+00  }
0x262: {  	vm6 =	vge.f32 v13, $0.0e+00;
	vm7 =	vle.f32 v13, $1.919000000e+03;
	vm8 =	vle.f32 v13, $1.918000000e+03  }
0x263: {  	v1 =	vsub.f32 v1, v15;
	v0 =	vsub.f32 v46, v12;
	vm9 =	vge.f32 v12, $0.0e+00  }
0x264: {  	vm10 =	vle.f32 v12, $1.919000000e+03;
	vm11 =	vge.f32 v12, $-1.000000000e+00;
	vm12 =	vle.f32 v12, $1.918000000e+03  }
0x265: {  	v27 =	vpop (erf);
	vm13 =	vle.f32 v15, $1.919000000e+03;
	vm14 =	vge.f32 v15, $-1.000000000e+00;
	vm15 =	vle.f32 v15, $1.918000000e+03  }
0x266: {  	v32 =	vadd.s32 v14, v19;
	vm1 =	vmand vm1, vm4;
	vm4 =	vmand vm6, vm7;
	v18 =	vpop (erf)  }
0x267: {  	v8 =	vmul.f32 v8, v27;
	vm12 =	vmand vm11, vm12;
	v24 =	vpop (erf);
	v3 =	vmul.f32 v3, v18  }
0x268: {  	vm15 =	vmand vm14, vm15;
	v43 =	vadd.s32 $0x1, v32;
	v26 =	vpop (erf);
	v0 =	vmul.f32 v0, v24  }
0x269: {  	v27 =	vsub.f32 v27, v8;
	v1 =	vmul.f32 v1, v26;
	v18 =	vsub.f32 v18, v3  }
0x26a: {  	v29 =	vld.idx.msk [tilespmem:v6+s31+$0x0], $0xffff;
	v28 =	vsub.f32 v24, v0;
	v24 =	vsel vm2, $0xFFFFFFFF, v60;
	vm2 =	vle.f32 v11, $1.918000000e+03  }
0x26b: {  	v30 =	vld.idx.msk [tilespmem:v6+s3+$0x0], $0xffff;
	v11 =	vsel vm3, $0xFFFFFFFF, v60;
	vm3 =	vge.f32 v13, $-1.000000000e+00;
	v13 =	vsel vm0, $0xFFFFFFFF, v60  }
0x26c: {  	vm0 =	vge.f32 v15, $0.0e+00;
	v19 =	vnsel vm1, $0x0, v27;
	v26 =	vsub.f32 v26, v1  }
0x26d: {  	vm2 =	vmand vm5, vm2;
	v24 =	vadd.s32 v7, v24;
	vm3 =	vmand vm3, vm8  }
0x26e: {  	v14 =	vadd.s32 v9, v11;
	vm5 =	vmand vm9, vm10;
	v11 =	vadd.s32 v10, v13  }
0x26f: {  	v47 =	vld.idx.msk [tilespmem:v5+s0+$0x0], $0xffff;
	vm0 =	vmand vm0, vm13;
	v9 =	vnsel vm4, $0x0, v18;
	v38 =	vmul.f32 v19, v29  }
0x270: {  	v12 =	vld.idx.msk [tilespmem:v16+s31+$0x0], $0xffff;
	v36 =	vmul.f32 v19, v30;
	vm4 =	vgt.s32 v50, $0x77F;
	v18 =	vnsel vm2, $0x0, v8  }
0x271: {  	v27 =	vld.idx.msk [tilespmem:v5+s31+$0x0], $0xffff;
	v7 =	vnsel vm5, $0x0, v28;
	v10 =	vnsel vm3, $0x0, v3;
	v8 =	vnsel vm12, $0x0, v0  }
0x272: {  	v3 =	vld.idx.msk [tilespmem:v5+s3+$0x0], $0xffff;
	v35 =	vadd.s32 $0x1, v24;
	v5 =	vnsel vm15, $0x0, v1;
	v15 =	vadd.s32 $0x1, v11  }
0x273: {  	v28 =	vadd.s32 $0x1, v14;
	vm2 =	vgt.s32 v43, $0x0;
	vm3 =	vgt.s32 v32, $0x0  }
0x274: {  	v13 =	vld.idx.msk [tilespmem:v6+s0+$0x0], $0xffff;
	v23 =	vmul.f32 v9, v47;
	v1 =	vsel vm4, v25, v50;
	v6 =	vnsel vm0, $0x0, v26  }
0x275: {  	v39 =	vmul.f32 v18, v29;
	vm1 =	vgt.s32 v35, $0x0;
	v37 =	vmul.f32 v18, v30  }
0x276: {  	vm0 =	vgt.s32 v24, $0x0;
	v49 =	vmul.f32 v7, v12;
	v25 =	vmul.f32 v10, v47  }
0x277: {  	[tilespmem:v2+s23+$0x0] =	vst.idx.add.f32.msk $0xffff, v41;
	v51 =	vand.u32 $0x7F, v1;
	v52 =	vadd.s32 $0x10, v1;
	v53 =	vadd.s32 $0xFFFFF890, v1  }
0x278: {  	[tilespmem:v4+s23+$0x0] =	vst.idx.add.f32.msk $0xffff, v42;
	v46 =	vcvt.s32.f32 v1;
	vm4 =	vgt.s32 v52, $0x77F;
	v30 =	vmul.f32 v9, v27  }
0x279: {  	v17 =	vld.idx.msk [tilespmem:v16+s0+$0x0], $0xffff;
	v29 =	vmul.f32 v10, v27;
	v47 =	vsel vm4, v53, v52;
	v33 =	vmul.f32 v19, v13  }
0x27a: {  	[tilespmem:v2+s24+$0x0] =	vst.idx.add.f32.msk $0xffff, v31;
	v26 =	vmul.f32 v9, v3;
	v27 =	vmul.f32 v10, v3;
	v3 =	vshll.u32 v1, $0x2  }
0x27b: {  	[tilespmem:v4+s24+$0x0] =	vst.idx.add.f32.msk $0xffff, v40;
	v34 =	vmul.f32 v18, v13;
	v54 =	vand.u32 $0x7F, v47;
	v3 =	vand.u32 $0xFFFFFE00, v3  }
0x27c: {  	[tilespmem:v2+s25+$0x0] =	vst.idx.add.f32.msk $0xffff, v20;
	v31 =	vadd.s32 $0x10, v47;
	v0 =	vor.u32 v3, v51;
	v3 =	vshll.u32 v47, $0x2  }
0x27d: {  	[tilespmem:v4+s25+$0x0] =	vst.idx.add.f32.msk $0xffff, v21;
	vm4 =	vgt.s32 v31, $0x77F;
	v55 =	vand.u32 $0xFFFFFE00, v3;
	v3 =	vadd.s32 $0xFFFFF890, v47  }
0x27e: {  	v20 =	vld.idx.msk [tilespmem:v22+s31+$0x0], $0xffff;
	v58 =	vor.u32 v44, v0;
	v60 =	vor.u32 v55, v54;
	v48 =	vsel vm4, v3, v31  }
0x27f: {  	v21 =	vld.idx.msk [tilespmem:v22+s3+$0x0], $0xffff;
	v61 =	vand.u32 $0x7F, v48;
	v62 =	vshll.u32 v48, $0x2;
	v3 =	vadd.s32 $0x10, v48  }
0x280: {  	v22 =	vld.idx.msk [tilespmem:v22+s0+$0x0], $0xffff;
	v31 =	vadd.s32 $0xFFFFF890, v48;
	v2 =	vand.u32 $0xFFFFFE00, v62;
	vm4 =	vgt.s32 v3, $0x77F  }
0x281: {  	s14 =	simm.s32 $0x4;
	v13 =	vld.idx.msk [tilespmem:v16+s3+$0x0], $0xffff;
	v59 =	vor.u32 v44, v60;
	v40 =	vor.u32 v2, v61;
	v31 =	vsel vm4, v31, v3  }
.LBB2_13:
0x282: {  	v44 =	vld [tilespmem:$0x1FFB0];
	_ =	sdelay $0x3  }
0x283: {  	v3 =	vld.idx.msk [tilespmem:v58+s30+$0x0], $0xffff  }
0x284: {  	v1 =	vshll.u32 v31, $0x2;
	v4 =	vmul.f32 v6, v21;
	v2 =	vor.u32 v44, v40  }
0x285: {  	v0 =	vand.u32 $0x7F, v31;
	v45 =	vcvt.s32.f32 v48;
	v48 =	vld.idx.msk [tilespmem:v58+s31+$0x0], $0xffff;
	v1 =	vand.u32 $0xFFFFFE00, v1  }
0x286: {  	v60 =	vld.idx.msk [tilespmem:v58+s3+$0x0], $0xffff;
	v0 =	vor.u32 v1, v0;
	[tilespmem:$0x1FF90] =	vst v4;
	v4 =	vmul.f32 v6, v22  }
0x287: {  	v61 =	vld.idx.msk [tilespmem:v59+s30+$0x0], $0xffff;
	v0 =	vor.u32 v44, v0  }
0x288: {  	v42 =	vcvt.s32.f32 v47;
	[tilespmem:$0x1FFA0] =	vst v4;
	v4 =	vsub.f32 v3, v63;
	v3 =	vsub.f32 v46, v3;
	v46 =	vld.idx.msk [tilespmem:v59+s31+$0x0], $0xffff  }
0x289: {  	v53 =	vmul.f32 v7, v17;
	v54 =	vmul.f32 v8, v17;
	v17 =	vld.idx.msk [tilespmem:v2+s30+$0x0], $0xffff  }
0x28a: {  	v55 =	vmul.f32 v7, v13;
	v57 =	vmul.f32 v8, v12;
	v40 =	vld.idx.msk [tilespmem:v2+s31+$0x0], $0xffff  }
0x28b: {  	v56 =	vmul.f32 v8, v13;
	v51 =	vmul.f32 v6, v20;
	v41 =	vld.idx.msk [tilespmem:v2+s3+$0x0], $0xffff  }
0x28c: {  	v52 =	vmul.f32 v5, v20;
	v50 =	vmul.f32 v5, v21;
	v20 =	vld.idx.msk [tilespmem:v0+s30+$0x0], $0xffff  }
0x28d: {  	v47 =	vmul.f32 v5, v22;
	v43 =	vnsel vm2, $0x0, v43;
	v12 =	vmovc v48;
	v22 =	vsub.f32 v61, v63;
	v48 =	vld.idx.msk [tilespmem:v2+s0+$0x0], $0xffff  }
0x28e: {  	v21 =	vmul.f32 $3.464225530e-01, v4;
	v2 =	vnsel vm3, $0x0, v32;
	v32 =	vsub.f32 v42, v61;
	v42 =	vld.idx.msk [tilespmem:v59+s3+$0x0], $0xffff  }
0x28f: {  	v24 =	vnsel vm0, $0x0, v24;
	v1 =	vcvt.s32.f32 v31;
	v61 =	vsub.f32 v45, v17;
	v45 =	vld.idx.msk [tilespmem:v59+s0+$0x0], $0xffff  }
0x290: {  	v13 =	vmovc v60;
	v22 =	vmul.f32 $3.464225530e-01, v22;
	v60 =	vmul.f32 $1.442695020e+00, v21;
	v21 =	vsub.f32 v17, v63;
	v17 =	vld.idx.msk [tilespmem:v58+s0+$0x0], $0xffff  }
0x291: {  	v35 =	vnsel vm1, $0x0, v35;
	v59 =	vsub.f32 v20, v63;
	v1 =	vsub.f32 v1, v20;
	v20 =	vld.idx.msk [tilespmem:v0+s31+$0x0], $0xffff  }
0x292: {  	v16 =	vmov v63;
	v63 =	vmul.f32 $1.442695020e+00, v22;
	v22 =	vld.idx.msk [tilespmem:v0+s0+$0x0], $0xffff  }
0x293: {  	[tilespmem:v2+s22+$0x0] =	vst.idx.add.f32.msk $0xffff, v38  }
0x294: {  	vm5 =	vgt.s32 v28, $0x0;
	v3 =	vmax.f32 v3, $-4.000000000e+00;
	v32 =	vmax.f32 v32, $-4.000000000e+00;
	[tilespmem:v24+s22+$0x0] =	vst.idx.add.f32.msk $0xffff, v30  }
0x295: {  	vm6 =	vgt.s32 v14, $0x0;
	v3 =	vmin.f32 v3, $1.924000000e+03;
	v32 =	vmin.f32 v32, $1.924000000e+03;
	[tilespmem:v43+s22+$0x0] =	vst.idx.add.f32.msk $0xffff, v39  }
0x296: {  	vm4 =	vgt.s32 v15, $0x0;
	v62 =	vtrunc.f32 v3;
	v4 =	vtrunc.f32 v32;
	[tilespmem:v35+s22+$0x0] =	vst.idx.add.f32.msk $0xffff, v29  }
0x297: {  	vm7 =	vgt.s32 v11, $0x0;
	v4 =	vcvt.f32.s32 v4;
	v58 =	vmul.f32 $3.464225530e-01, v21;
	[tilespmem:v2+s23+$0x0] =	vst.idx.add.f32.msk $0xffff, v36  }
0x298: {  	v21 =	vmax.f32 v61, $-4.000000000e+00;
	v59 =	vmul.f32 $3.464225530e-01, v59;
	v1 =	vmax.f32 v1, $-4.000000000e+00;
	[tilespmem:v24+s23+$0x0] =	vst.idx.add.f32.msk $0xffff, v26  }
0x299: {  	v36 =	vnsel vm6, $0x0, v14;
	v14 =	vcvt.f32.s32 v62;
	v61 =	vmin.f32 v21, $1.924000000e+03;
	v21 =	vld.idx.msk [tilespmem:v0+s3+$0x0], $0xffff  }
0x29a: {  	v1 =	vmin.f32 v1, $1.924000000e+03;
	[tilespmem:v43+s23+$0x0] =	vst.idx.add.f32.msk $0xffff, v37;
	v58 =	vmul.f32 $1.442695020e+00, v58;
	v0 =	vtrunc.f32 v61  }
0x29b: {  	v28 =	vnsel vm5, $0x0, v28;
	[tilespmem:v35+s23+$0x0] =	vst.idx.add.f32.msk $0xffff, v27;
	v38 =	vmul.f32 $1.442695020e+00, v59;
	v59 =	vtrunc.f32 v1  }
0x29c: {  	v37 =	vnsel vm7, $0x0, v11;
	[tilespmem:v2+s24+$0x0] =	vst.idx.add.f32.msk $0xffff, v33;
	v33 =	vcvt.s32.f32 v14;
	v0 =	vcvt.f32.s32 v0  }
0x29d: {  	[tilespmem:v43+s24+$0x0] =	vst.idx.add.f32.msk $0xffff, v34;
	v34 =	vcvt.s32.f32 v4;
	(erf) = vpow2.f32 v58;
	v58 =	vnsel vm4, $0x0, v15  }
0x29e: {  	v15 =	vcvt.f32.s32 v59;
	[tilespmem:v2+s25+$0x0] =	vst.idx.add.f32.msk $0xffff, v19;
	vm1 =	vlt.f32 v3, v33;
	(erf) = vpow2.f32 v63  }
0x29f: {  	v11 =	vcvt.s32.f32 v0;
	[tilespmem:v43+s25+$0x0] =	vst.idx.add.f32.msk $0xffff, v18;
	v18 =	vadd.f32 $-1.000000000e+00, v33;
	vm3 =	vlt.f32 v32, v34  }
0x2a0: {  	[tilespmem:v24+s24+$0x0] =	vst.idx.add.f32.msk $0xffff, v23;
	v59 =	vadd.f32 $-1.000000000e+00, v34;
	(erf) = vpow2.f32 v60;
	v60 =	vimm.s32 $0x0  }
0x2a1: {  	[tilespmem:v35+s24+$0x0] =	vst.idx.add.f32.msk $0xffff, v25;
	v62 =	vcvt.s32.f32 v15;
	(erf) = vpow2.f32 v38;
	vm2 =	vlt.f32 v61, v11  }
0x2a2: {  	[tilespmem:v24+s25+$0x0] =	vst.idx.add.f32.msk $0xffff, v9;
	v19 =	vadd.f32 $-1.000000000e+00, v11;
	v18 =	vsel vm1, v18, v33;
	v29 =	vsel vm3, v59, v34  }
0x2a3: {  	[tilespmem:v35+s25+$0x0] =	vst.idx.add.f32.msk $0xffff, v10;
	v27 =	vsel vm3, $0xFFFFFFFF, v60;
	v9 =	vsel vm1, $0xFFFFFFFF, v60;
	vm0 =	vlt.f32 v1, v62  }
0x2a4: {  	[tilespmem:v36+s22+$0x0] =	vst.idx.add.f32.msk $0xffff, v49;
	v30 =	vadd.f32 $-1.000000000e+00, v62;
	v3 =	vsub.f32 v3, v18;
	v43 =	vsel vm2, $0xFFFFFFFF, v60  }
0x2a5: {  	[tilespmem:v28+s22+$0x0] =	vst.idx.add.f32.msk $0xffff, v57;
	vm6 =	vge.f32 v29, $0.0e+00;
	vm7 =	vle.f32 v29, $1.919000000e+03;
	vm1 =	vge.f32 v29, $-1.000000000e+00  }
0x2a6: {  	[tilespmem:v37+s22+$0x0] =	vst.idx.add.f32.msk $0xffff, v51;
	vm8 =	vle.f32 v29, $1.918000000e+03;
	vm9 =	vge.f32 v18, $0.0e+00;
	vm10 =	vle.f32 v18, $1.919000000e+03  }
0x2a7: {  	[tilespmem:v36+s23+$0x0] =	vst.idx.add.f32.msk $0xffff, v55;
	vm11 =	vge.f32 v18, $-1.000000000e+00;
	vm12 =	vle.f32 v18, $1.918000000e+03;
	v24 =	vadd.s32 v4, v27  }
0x2a8: {  	v49 =	vld [tilespmem:$0x1FF90];
	v14 =	vadd.s32 v14, v9;
	v11 =	vsel vm2, v19, v11;
	v19 =	vsub.f32 v32, v29  }
0x2a9: {  	[tilespmem:v28+s23+$0x0] =	vst.idx.add.f32.msk $0xffff, v56;
	v10 =	vsel vm0, $0xFFFFFFFF, v60;
	v32 =	vadd.s32 v0, v43;
	vm1 =	vmand vm1, vm8  }
0x2aa: {  	vm12 =	vmand vm11, vm12;
	[tilespmem:v58+s22+$0x0] =	vst.idx.add.f32.msk $0xffff, v52;
	v35 =	vadd.s32 $0x1, v24;
	v52 =	vadd.s32 $0x10, v31  }
0x2ab: {  	[tilespmem:v36+s24+$0x0] =	vst.idx.add.f32.msk $0xffff, v53;
	v53 =	vadd.s32 $0xFFFFF890, v31;
	v2 =	vsel vm0, v30, v62;
	v30 =	vsub.f32 v61, v11  }
0x2ac: {  	vm2 =	vge.f32 v11, $0.0e+00;
	vm4 =	vle.f32 v11, $1.919000000e+03;
	vm5 =	vge.f32 v11, $-1.000000000e+00  }
0x2ad: {  	v51 =	vld [tilespmem:$0x1FFA0];
	vm3 =	vle.f32 v11, $1.918000000e+03;
	v11 =	vadd.s32 v15, v10;
	v43 =	vadd.s32 $0x1, v32  }
0x2ae: {  	[tilespmem:v28+s24+$0x0] =	vst.idx.add.f32.msk $0xffff, v54;
	v1 =	vsub.f32 v1, v2;
	vm0 =	vge.f32 v2, $0.0e+00;
	vm13 =	vle.f32 v2, $1.919000000e+03  }
0x2af: {  	[tilespmem:v37+s23+$0x0] =	vst.idx.add.f32.msk $0xffff, v49;
	vm14 =	vge.f32 v2, $-1.000000000e+00;
	vm15 =	vle.f32 v2, $1.918000000e+03;
	vm2 =	vmand vm2, vm4  }
0x2b0: {  	vm3 =	vmand vm5, vm3;
	vm4 =	vmand vm6, vm7;
	vm5 =	vmand vm9, vm10;
	[tilespmem:v36+s25+$0x0] =	vst.idx.add.f32.msk $0xffff, v7;
	v39 =	vpop (erf)  }
0x2b1: {  	v15 =	vadd.s32 $0x1, v11;
	[tilespmem:v58+s23+$0x0] =	vst.idx.add.f32.msk $0xffff, v50;
	vm0 =	vmand vm0, vm13;
	v62 =	vpop (erf);
	v30 =	vmul.f32 v30, v39  }
0x2b2: {  	vm15 =	vmand vm14, vm15;
	[tilespmem:v28+s25+$0x0] =	vst.idx.add.f32.msk $0xffff, v8;
	v28 =	vadd.s32 $0x1, v14;
	v59 =	vpop (erf);
	v61 =	vmul.f32 v19, v62  }
0x2b3: {  	[tilespmem:v37+s24+$0x0] =	vst.idx.add.f32.msk $0xffff, v51;
	v26 =	vpop (erf);
	v3 =	vmul.f32 v3, v59;
	v23 =	vsub.f32 v39, v30;
	v18 =	vnsel vm3, $0x0, v30  }
0x2b4: {  	[tilespmem:v58+s24+$0x0] =	vst.idx.add.f32.msk $0xffff, v47;
	vm3 =	vgt.s32 v32, $0x0;
	v1 =	vmul.f32 v1, v26;
	v19 =	vsub.f32 v62, v61  }
0x2b5: {  	[tilespmem:v37+s25+$0x0] =	vst.idx.add.f32.msk $0xffff, v6;
	v10 =	vnsel vm1, $0x0, v61;
	v39 =	vmul.f32 v18, v40;
	vm1 =	vgt.s32 v35, $0x0  }
0x2b6: {  	v37 =	vmul.f32 v18, v41;
	v34 =	vmul.f32 v18, v48;
	v25 =	vsub.f32 v59, v3  }
0x2b7: {  	v8 =	vnsel vm12, $0x0, v3;
	v29 =	vmul.f32 v10, v46;
	v27 =	vmul.f32 v10, v42  }
0x2b8: {  	v26 =	vsub.f32 v26, v1;
	v9 =	vnsel vm4, $0x0, v19;
	v19 =	vnsel vm2, $0x0, v23  }
0x2b9: {  	v1 =	vnsel vm15, $0x0, v1;
	vm2 =	vgt.s32 v43, $0x0;
	v38 =	vmul.f32 v19, v40  }
0x2ba: {  	vm4 =	vgt.s32 v52, $0x77F;
	v36 =	vmul.f32 v19, v41;
	v33 =	vmul.f32 v19, v48  }
0x2bb: {  	v7 =	vnsel vm5, $0x0, v25;
	v30 =	vmul.f32 v9, v46;
	v23 =	vmul.f32 v9, v45  }
0x2bc: {  	v0 =	vsel vm4, v53, v52;
	v25 =	vmul.f32 v10, v45;
	v62 =	vnsel vm0, $0x0, v26  }
0x2bd: {  	vm0 =	vgt.s32 v24, $0x0;
	v26 =	vmul.f32 v9, v42;
	v49 =	vmul.f32 v7, v12  }
0x2be: {  	v54 =	vand.u32 $0x7F, v0;
	v2 =	vshll.u32 v0, $0x2;
	v3 =	vadd.s32 $0x10, v0  }
0x2bf: {  	[tilespmem:v58+s25+$0x0] =	vst.idx.add.f32.msk $0xffff, v5;
	v4 =	vadd.s32 $0xFFFFF890, v0;
	v2 =	vand.u32 $0xFFFFFE00, v2;
	vm4 =	vgt.s32 v3, $0x77F  }
0x2c0: {  	s14 =	sadd.s32 $0x4, s14;
	v5 =	vmovc v1;
	v46 =	vcvt.s32.f32 v0;
	v1 =	vor.u32 v2, v54;
	v47 =	vsel vm4, v4, v3  }
0x2c1: {  	p1 =	slt.u32 s14, $0x74;
	v55 =	vand.u32 $0x7F, v47;
	v59 =	vshll.u32 v47, $0x2;
	v3 =	vadd.s32 $0x10, v47  }
.Ltmp10:
0x2c2: {  	v4 =	vadd.s32 $0xFFFFF890, v47;
	v2 =	vand.u32 $0xFFFFFE00, v59;
	vm4 =	vgt.s32 v3, $0x77F;
	(pc) =	sbr.rel @p1 .LBB2_13-.Ltmp10, $4  }
0x2c3: {  	v58 =	vor.u32 v44, v1;
	v0 =	vor.u32 v2, v55;
	v48 =	vsel vm4, v4, v3  }
0x2c4: {  	v6 =	vmovc v62;
	v61 =	vand.u32 $0x7F, v48;
	v62 =	vshll.u32 v48, $0x2;
	v3 =	vadd.s32 $0x10, v48  }
0x2c5: {  	v4 =	vadd.s32 $0xFFFFF890, v48;
	v2 =	vand.u32 $0xFFFFFE00, v62;
	vm4 =	vgt.s32 v3, $0x77F  }
0x2c6: {  	v63 =	vmovc v16;
	v59 =	vor.u32 v44, v0;
	v40 =	vor.u32 v2, v61;
	v31 =	vsel vm4, v4, v3  }
0x2c7: {  	_ =	sdelay $0x2  }
0x2c8: {  	v0 =	vld [tilespmem:$0x1FFB0]  }
0x2c9: {  	v1 =	vld.idx.msk [tilespmem:v58+s30+$0x0], $0xffff  }
0x2ca: {  	v31 =	vld.idx.msk [tilespmem:v58+s31+$0x0], $0xffff  }
0x2cb: {  	v4 =	vld.idx.msk [tilespmem:v58+s3+$0x0], $0xffff  }
0x2cc: {  	v2 =	vld.idx.msk [tilespmem:v59+s30+$0x0], $0xffff;
	v57 =	vnsel vm3, $0x0, v32  }
0x2cd: {  	v42 =	vld.idx.msk [tilespmem:v59+s31+$0x0], $0xffff;
	v24 =	vnsel vm0, $0x0, v24  }
0x2ce: {  	v43 =	vnsel vm2, $0x0, v43;
	v41 =	vld.idx.msk [tilespmem:v59+s3+$0x0], $0xffff  }
0x2cf: {  	v32 =	vld.idx.msk [tilespmem:v58+s0+$0x0], $0xffff;
	v35 =	vnsel vm1, $0x0, v35;
	vm9 =	vgt.s32 v14, $0x0  }
0x2d0: {  	vm11 =	vgt.s32 v11, $0x0;
	v14 =	vnsel vm9, $0x0, v14;
	v0 =	vor.u32 v0, v40;
	v40 =	vld.idx.msk [tilespmem:v59+s0+$0x0], $0xffff  }
0x2d1: {  	v11 =	vnsel vm11, $0x0, v11;
	[tilespmem:v57+s22+$0x0] =	vst.idx.add.f32.msk $0xffff, v38  }
0x2d2: {  	[tilespmem:v24+s22+$0x0] =	vst.idx.add.f32.msk $0xffff, v30  }
0x2d3: {  	[tilespmem:v43+s22+$0x0] =	vst.idx.add.f32.msk $0xffff, v39  }
0x2d4: {  	v62 =	vcvt.s32.f32 v48;
	v48 =	vmul.f32 v6, v20;
	[tilespmem:v35+s22+$0x0] =	vst.idx.add.f32.msk $0xffff, v29  }
0x2d5: {  	[tilespmem:v14+s22+$0x0] =	vst.idx.add.f32.msk $0xffff, v49  }
0x2d6: {  	[tilespmem:v11+s22+$0x0] =	vst.idx.add.f32.msk $0xffff, v48  }
0x2d7: {  	[tilespmem:v57+s23+$0x0] =	vst.idx.add.f32.msk $0xffff, v36  }
0x2d8: {  	[tilespmem:v24+s23+$0x0] =	vst.idx.add.f32.msk $0xffff, v26  }
0x2d9: {  	v61 =	vcvt.s32.f32 v47;
	v47 =	vmul.f32 v7, v13;
	[tilespmem:v43+s23+$0x0] =	vst.idx.add.f32.msk $0xffff, v37  }
0x2da: {  	v12 =	vmul.f32 v8, v12;
	v13 =	vmul.f32 v8, v13;
	v3 =	vld.idx.msk [tilespmem:v0+s30+$0x0], $0xffff  }
0x2db: {  	v51 =	vmul.f32 v6, v21;
	v52 =	vmul.f32 v5, v20;
	[tilespmem:v35+s23+$0x0] =	vst.idx.add.f32.msk $0xffff, v27  }
0x2dc: {  	v54 =	vmul.f32 v6, v22;
	v55 =	vmul.f32 v5, v21;
	[tilespmem:v57+s24+$0x0] =	vst.idx.add.f32.msk $0xffff, v33  }
0x2dd: {  	v58 =	vmul.f32 v5, v22;
	v53 =	vsub.f32 v46, v1;
	[tilespmem:v24+s24+$0x0] =	vst.idx.add.f32.msk $0xffff, v23  }
0x2de: {  	v1 =	vsub.f32 v1, v63;
	v59 =	vsub.f32 v2, v63;
	[tilespmem:v43+s24+$0x0] =	vst.idx.add.f32.msk $0xffff, v34  }
0x2df: {  	vm8 =	vgt.s32 v28, $0x0;
	v2 =	vsub.f32 v61, v2;
	[tilespmem:v57+s25+$0x0] =	vst.idx.add.f32.msk $0xffff, v19;
	v57 =	vsub.f32 v3, v63  }
0x2e0: {  	v61 =	vnsel vm8, $0x0, v28;
	v36 =	vmul.f32 v7, v17;
	v17 =	vmul.f32 v8, v17;
	v44 =	vld.idx.msk [tilespmem:v0+s31+$0x0], $0xffff  }
0x2e1: {  	v2 =	vmax.f32 v2, $-4.000000000e+00;
	[tilespmem:v35+s24+$0x0] =	vst.idx.add.f32.msk $0xffff, v25;
	v3 =	vsub.f32 v62, v3;
	v21 =	vmul.f32 $3.464225530e-01, v57  }
0x2e2: {  	v56 =	vmax.f32 v53, $-4.000000000e+00;
	v1 =	vmul.f32 $3.464225530e-01, v1;
	v2 =	vmin.f32 v2, $1.924000000e+03;
	[tilespmem:v24+s25+$0x0] =	vst.idx.add.f32.msk $0xffff, v9  }
0x2e3: {  	[tilespmem:v35+s25+$0x0] =	vst.idx.add.f32.msk $0xffff, v10;
	v10 =	vtrunc.f32 v2;
	v3 =	vmax.f32 v3, $-4.000000000e+00;
	v21 =	vmul.f32 $1.442695020e+00, v21  }
0x2e4: {  	v16 =	vmul.f32 $3.464225530e-01, v59;
	v45 =	vld.idx.msk [tilespmem:v0+s3+$0x0], $0xffff;
	v10 =	vcvt.f32.s32 v10;
	v3 =	vmin.f32 v3, $1.924000000e+03  }
0x2e5: {  	[tilespmem:v61+s22+$0x0] =	vst.idx.add.f32.msk $0xffff, v12;
	v19 =	vmin.f32 v56, $1.924000000e+03;
	v30 =	vtrunc.f32 v3;
	(erf) = vpow2.f32 v21  }
0x2e6: {  	[tilespmem:v14+s23+$0x0] =	vst.idx.add.f32.msk $0xffff, v47;
	v62 =	vtrunc.f32 v19;
	v34 =	vcvt.f32.s32 v30  }
0x2e7: {  	v9 =	vmul.f32 $1.442695020e+00, v16;
	[tilespmem:v43+s25+$0x0] =	vst.idx.add.f32.msk $0xffff, v18;
	v23 =	vcvt.f32.s32 v62  }
0x2e8: {  	vm10 =	vgt.s32 v15, $0x0;
	[tilespmem:v61+s23+$0x0] =	vst.idx.add.f32.msk $0xffff, v13;
	v12 =	vcvt.s32.f32 v10;
	v16 =	vcvt.s32.f32 v34  }
0x2e9: {  	v13 =	vnsel vm10, $0x0, v15;
	[tilespmem:v14+s24+$0x0] =	vst.idx.add.f32.msk $0xffff, v36;
	(erf) = vpow2.f32 v9;
	v9 =	vcvt.s32.f32 v23  }
0x2ea: {  	v1 =	vmul.f32 $1.442695020e+00, v1;
	[tilespmem:v61+s24+$0x0] =	vst.idx.add.f32.msk $0xffff, v17;
	vm13 =	vlt.f32 v2, v12;
	v35 =	vadd.f32 $-1.000000000e+00, v16  }
0x2eb: {  	[tilespmem:v14+s25+$0x0] =	vst.idx.add.f32.msk $0xffff, v7;
	v38 =	vadd.f32 $-1.000000000e+00, v12;
	vm12 =	vlt.f32 v3, v16;
	v15 =	vadd.f32 $-1.000000000e+00, v9  }
0x2ec: {  	[tilespmem:v61+s25+$0x0] =	vst.idx.add.f32.msk $0xffff, v8;
	vm0 =	vlt.f32 v19, v9;
	v8 =	vsel vm12, $0xFFFFFFFF, v60;
	v16 =	vsel vm12, v35, v16  }
0x2ed: {  	v50 =	vld.idx.msk [tilespmem:v0+s0+$0x0], $0xffff;
	v7 =	vsel vm0, v15, v9;
	v9 =	vsel vm13, v38, v12;
	v3 =	vsub.f32 v3, v16  }
0x2ee: {  	[tilespmem:v13+s22+$0x0] =	vst.idx.add.f32.msk $0xffff, v52;
	(erf) = vpow2.f32 v1;
	v8 =	vadd.s32 v34, v8;
	v2 =	vsub.f32 v2, v9;
	v39 =	vpop (erf)  }
0x2ef: {  	[tilespmem:v11+s23+$0x0] =	vst.idx.add.f32.msk $0xffff, v51;
	vm14 =	vge.f32 v16, $0.0e+00;
	vm15 =	vle.f32 v16, $1.919000000e+03;
	v3 =	vmul.f32 v3, v39  }
0x2f0: {  	[tilespmem:v13+s23+$0x0] =	vst.idx.add.f32.msk $0xffff, v55;
	v12 =	vadd.s32 $0x1, v8;
	vm4 =	vgt.s32 v8, $0x0;
	vm5 =	vge.f32 v16, $-1.000000000e+00  }
0x2f1: {  	[tilespmem:v11+s24+$0x0] =	vst.idx.add.f32.msk $0xffff, v54;
	vm6 =	vgt.s32 v12, $0x0;
	v8 =	vnsel vm4, $0x0, v8;
	v1 =	vsub.f32 v39, v3  }
0x2f2: {  	[tilespmem:v13+s24+$0x0] =	vst.idx.add.f32.msk $0xffff, v58;
	vm8 =	vle.f32 v16, $1.918000000e+03;
	vm2 =	vmand vm14, vm15;
	v43 =	vnsel vm6, $0x0, v12;
	v14 =	vpop (erf)  }
0x2f3: {  	[tilespmem:v11+s25+$0x0] =	vst.idx.add.f32.msk $0xffff, v6;
	vm9 =	vmand vm5, vm8;
	v2 =	vmul.f32 v2, v14;
	v1 =	vnsel vm2, $0x0, v1  }
0x2f4: {  	v11 =	vsel vm13, $0xFFFFFFFF, v60;
	[tilespmem:v13+s25+$0x0] =	vst.idx.add.f32.msk $0xffff, v5;
	v3 =	vnsel vm9, $0x0, v3;
	v15 =	vmul.f32 v1, v44  }
0x2f5: {  	v10 =	vadd.s32 v10, v11;
	v6 =	vsub.f32 v14, v2;
	v14 =	vmul.f32 v3, v44  }
0x2f6: {  	v13 =	vadd.s32 $0x1, v10;
	v11 =	vmul.f32 v3, v45;
	v5 =	vmul.f32 v1, v45;
	[tilespmem:v8+s22+$0x0] =	vst.idx.add.f32.msk $0xffff, v15  }
0x2f7: {  	vm13 =	vgt.s32 v10, $0x0;
	vm10 =	vge.f32 v9, $0.0e+00;
	vm11 =	vle.f32 v9, $1.919000000e+03;
	[tilespmem:v43+s22+$0x0] =	vst.idx.add.f32.msk $0xffff, v14  }
0x2f8: {  	vm12 =	vge.f32 v9, $-1.000000000e+00;
	v10 =	vnsel vm13, $0x0, v10;
	v14 =	vmul.f32 v1, v50;
	[tilespmem:v8+s23+$0x0] =	vst.idx.add.f32.msk $0xffff, v5  }
0x2f9: {  	vm14 =	vgt.s32 v13, $0x0;
	v12 =	vsub.f32 v19, v7;
	v5 =	vmul.f32 v3, v50;
	[tilespmem:v43+s23+$0x0] =	vst.idx.add.f32.msk $0xffff, v11  }
0x2fa: {  	vm15 =	vle.f32 v9, $1.918000000e+03;
	vm1 =	vmand vm10, vm11;
	v9 =	vnsel vm14, $0x0, v13;
	v11 =	vpop (erf);
	[tilespmem:v8+s24+$0x0] =	vst.idx.add.f32.msk $0xffff, v14  }
0x2fb: {  	vm8 =	vmand vm12, vm15;
	v6 =	vnsel vm1, $0x0, v6;
	v12 =	vmul.f32 v12, v11;
	[tilespmem:v43+s24+$0x0] =	vst.idx.add.f32.msk $0xffff, v5  }
0x2fc: {  	v2 =	vnsel vm8, $0x0, v2;
	v5 =	vmul.f32 v6, v42;
	[tilespmem:v8+s25+$0x0] =	vst.idx.add.f32.msk $0xffff, v1  }
0x2fd: {  	vm10 =	vle.f32 v7, $1.919000000e+03;
	v44 =	vsub.f32 v11, v12;
	v11 =	vmul.f32 v2, v42;
	[tilespmem:v43+s25+$0x0] =	vst.idx.add.f32.msk $0xffff, v3  }
0x2fe: {  	vm11 =	vge.f32 v7, $-1.000000000e+00;
	v45 =	vmul.f32 v6, v41;
	v8 =	vsel vm0, $0xFFFFFFFF, v60;
	[tilespmem:v10+s22+$0x0] =	vst.idx.add.f32.msk $0xffff, v5  }
0x2ff: {  	vm9 =	vge.f32 v7, $0.0e+00;
	v3 =	vadd.s32 v23, v8;
	v5 =	vmul.f32 v2, v41;
	[tilespmem:v9+s22+$0x0] =	vst.idx.add.f32.msk $0xffff, v11  }
0x300: {  	v8 =	vadd.s32 $0x1, v3;
	v11 =	vmul.f32 v6, v40;
	vm12 =	vgt.s32 v3, $0x0;
	[tilespmem:v10+s23+$0x0] =	vst.idx.add.f32.msk $0xffff, v45  }
0x301: {  	v46 =	vmul.f32 v2, v40;
	vm13 =	vgt.s32 v8, $0x0;
	v3 =	vnsel vm12, $0x0, v3;
	[tilespmem:v9+s23+$0x0] =	vst.idx.add.f32.msk $0xffff, v5  }
0x302: {  	vm14 =	vle.f32 v7, $1.918000000e+03;
	vm0 =	vmand vm9, vm10;
	v5 =	vnsel vm13, $0x0, v8;
	[tilespmem:v10+s24+$0x0] =	vst.idx.add.f32.msk $0xffff, v11  }
0x303: {  	vm15 =	vmand vm11, vm14;
	v1 =	vnsel vm0, $0x0, v44;
	[tilespmem:v9+s24+$0x0] =	vst.idx.add.f32.msk $0xffff, v46  }
0x304: {  	v47 =	vnsel vm15, $0x0, v12;
	v7 =	vmul.f32 v1, v31;
	[tilespmem:v10+s25+$0x0] =	vst.idx.add.f32.msk $0xffff, v6  }
0x305: {  	v6 =	vmul.f32 v47, v31;
	[tilespmem:v9+s25+$0x0] =	vst.idx.add.f32.msk $0xffff, v2  }
0x306: {  	v48 =	vmul.f32 v1, v4;
	[tilespmem:v3+s22+$0x0] =	vst.idx.add.f32.msk $0xffff, v7  }
0x307: {  	v4 =	vmul.f32 v47, v4;
	[tilespmem:v5+s22+$0x0] =	vst.idx.add.f32.msk $0xffff, v6  }
0x308: {  	v6 =	vmul.f32 v1, v32;
	[tilespmem:v3+s23+$0x0] =	vst.idx.add.f32.msk $0xffff, v48  }
0x309: {  	v49 =	vmul.f32 v47, v32;
	[tilespmem:v5+s23+$0x0] =	vst.idx.add.f32.msk $0xffff, v4  }
0x30a: {  	[tilespmem:v3+s24+$0x0] =	vst.idx.add.f32.msk $0xffff, v6  }
0x30b: {  	s5 =	simm.s32 $0x0;
	[tilespmem:v5+s24+$0x0] =	vst.idx.add.f32.msk $0xffff, v49  }
0x30c: {  	s2 =	sand.u32 $0x40, s5;
	[tilespmem:v3+s25+$0x0] =	vst.idx.add.f32.msk $0xffff, v1  }
0x30d: {  	s6 =	sand.u32 $0x780, s5;
	s7 =	sor.u32 $0x30, s2;
	[tilespmem:v5+s25+$0x0] =	vst.idx.add.f32.msk $0xffff, v47  }
0x30e: {  	s4 =	sor.u32 s6, s7;
	[dreg:$0x14] =	wrdreg s1  }
0x30f: {  	v0 =	vld [tilespmem:s4+$0x1BC80];
	_ =	sdelay $0x2  }
0x310: {  	s8 =	sor.u32 $0x10, s2  }
0x311: {  	s14 =	sshll.u32 s1, $0x7;
	s9 =	sor.u32 $0x20, s2;
	s1 =	sor.u32 s6, s8  }
0x312: {  	s15 =	sor.u32 s6, s9;
	v1 =	vld [tilespmem:s1+$0x1BC80];
	v0 =	vmax.f32 v0, $9.999999970e-07  }
0x313: {  	v50 =	vld [tilespmem:s15+$0x1BC80];
	(erf) = vrcp.f32 v0;
	_ =	sdelay $0x3  }
0x314: {  	v1 =	vmax.f32 v1, $9.999999970e-07  }
0x315: {  	v2 =	vld [tilespmem:s4+$0x1A480];
	v0 =	vmax.f32 v50, $9.999999970e-07;
	(erf) = vrcp.f32 v1  }
0x316: {  	(erf) = vrcp.f32 v0;
	_ =	sdelay $0x1  }
0x317: {  	s26 =	simm.s32 $0x0  }
0x318: {  	s5 =	sand.u32 $0x1E00, s5;
	v4 =	vld [tilespmem:s26+$0x1BC80];
	v51 =	vpop (erf)  }
0x319: {  	s29 =	sor.u32 s14, s5;
	v52 =	vld [tilespmem:s1+$0x1A480];
	v2 =	vmul.f32 v51, v2  }
0x31a: {  	s11 =	sor.u32 s7, s29;
	v3 =	vld [tilespmem:s15+$0x1A480]  }
0x31b: {  	[tilespmem:s11+$0x10E80] =	vst v2  }
0x31c: {  	v2 =	vld [tilespmem:s4+$0x1AC80]  }
0x31d: {  	v4 =	vmax.f32 v4, $9.999999970e-07;
	v5 =	vpop (erf)  }
0x31e: {  	v1 =	vmul.f32 v5, v52;
	v7 =	vpop (erf);
	(erf) = vrcp.f32 v4  }
0x31f: {  	s12 =	sor.u32 s8, s29;
	s10 =	sor.u32 s9, s29;
	s9 =	simm.s32 $0x40;
	v3 =	vmul.f32 v7, v3  }
0x320: {  	s7 =	sand.u32 $0x40, s9;
	v6 =	vld [tilespmem:s26+$0x1A480];
	[tilespmem:s12+$0x10E80] =	vst v1  }
0x321: {  	s13 =	sand.u32 $0x780, s9;
	s16 =	sor.u32 $0x30, s7;
	v54 =	vld [tilespmem:s1+$0x1AC80];
	[tilespmem:s10+$0x10E80] =	vst v3;
	v53 =	vmul.f32 v2, v51  }
0x322: {  	s8 =	sor.u32 s13, s16;
	v3 =	vld [tilespmem:s15+$0x1AC80]  }
0x323: {  	s17 =	sor.u32 $0x10, s7;
	v4 =	vld [tilespmem:s8+$0x1BC80];
	[tilespmem:s11+$0x14A80] =	vst v53  }
0x324: {  	s18 =	sor.u32 $0x20, s7;
	s5 =	sor.u32 s13, s17;
	v1 =	vld [tilespmem:s4+$0x1B480]  }
0x325: {  	s9 =	sor.u32 s13, s18;
	v8 =	vld [tilespmem:s5+$0x1BC80]  }
0x326: {  	v9 =	vld [tilespmem:s9+$0x1BC80];
	v2 =	vmul.f32 v54, v5  }
0x327: {  	v3 =	vmul.f32 v3, v7;
	v55 =	vpop (erf)  }
0x328: {  	v56 =	vmax.f32 v4, $9.999999970e-07;
	[tilespmem:s12+$0x14A80] =	vst v2;
	v4 =	vmul.f32 v55, v6  }
0x329: {  	s2 =	sor.u32 s2, s29;
	[tilespmem:s10+$0x14A80] =	vst v3;
	v3 =	vld [tilespmem:s1+$0x1B480];
	v0 =	vmul.f32 v1, v51  }
0x32a: {  	(erf) = vrcp.f32 v56;
	v6 =	vmax.f32 v8, $9.999999970e-07;
	[tilespmem:s2+$0x10E80] =	vst v4  }
0x32b: {  	v12 =	vimm.f32 $0.0e+00;
	v57 =	vmax.f32 v9, $9.999999970e-07;
	(erf) = vrcp.f32 v6;
	[tilespmem:s11+$0x18680] =	vst v0  }
0x32c: {  	(erf) = vrcp.f32 v57;
	[tilespmem:s4+$0x1BC80] =	vst v12  }
0x32d: {  	[tilespmem:s4+$0x1A480] =	vst v12  }
0x32e: {  	v58 =	vld [tilespmem:s26+$0x1AC80];
	v59 =	vmul.f32 v3, v5;
	[tilespmem:s4+$0x1AC80] =	vst v12  }
0x32f: {  	v3 =	vld [tilespmem:s8+$0x1A480];
	[tilespmem:s4+$0x1B480] =	vst v12  }
0x330: {  	v5 =	vld [tilespmem:s5+$0x1A480];
	[tilespmem:s12+$0x18680] =	vst v59  }
0x331: {  	v61 =	vld [tilespmem:s9+$0x1A480];
	[tilespmem:s1+$0x1A480] =	vst v12  }
0x332: {  	v8 =	vld [tilespmem:s15+$0x1B480];
	s4 =	simm.s32 $0x100;
	[tilespmem:s1+$0x1AC80] =	vst v12  }
0x333: {  	s13 =	simm.s32 $0x40;
	v6 =	vpop (erf);
	v0 =	vmul.f32 v58, v55;
	s19 =	sand.u32 $0x1E00, s4;
	[tilespmem:s1+$0x1B480] =	vst v12  }
0x334: {  	v62 =	vld [tilespmem:s13+$0x1BC80];
	[tilespmem:s1+$0x1BC80] =	vst v12;
	s29 =	sor.u32 s14, s19;
	v4 =	vpop (erf);
	v3 =	vmul.f32 v6, v3  }
0x335: {  	[tilespmem:s2+$0x14A80] =	vst v0;
	v9 =	vmul.f32 v4, v5;
	s12 =	sor.u32 s16, s29;
	v5 =	vpop (erf)  }
0x336: {  	s16 =	sor.u32 s17, s29;
	v2 =	vmul.f32 v5, v61;
	[tilespmem:s12+$0x10E80] =	vst v3;
	v3 =	vld [tilespmem:s26+$0x1B480]  }
0x337: {  	v7 =	vmul.f32 v8, v7;
	s6 =	sor.u32 s18, s29;
	[tilespmem:s16+$0x10E80] =	vst v9;
	v11 =	vld [tilespmem:s8+$0x1AC80]  }
0x338: {  	[tilespmem:s6+$0x10E80] =	vst v2;
	v9 =	vld [tilespmem:s5+$0x1AC80]  }
0x339: {  	[tilespmem:s10+$0x18680] =	vst v7;
	v0 =	vmax.f32 v62, $9.999999970e-07;
	v10 =	vld [tilespmem:s9+$0x1AC80]  }
0x33a: {  	[tilespmem:s15+$0x1A480] =	vst v12;
	(erf) = vrcp.f32 v0  }
0x33b: {  	[tilespmem:s15+$0x1AC80] =	vst v12  }
0x33c: {  	v7 =	vld [tilespmem:s13+$0x1A480];
	s1 =	simm.s32 $0x80;
	[tilespmem:s15+$0x1B480] =	vst v12;
	s17 =	simm.s32 $0x4;
	s28 =	sor.u32 s7, s29;
	v8 =	vmul.f32 v3, v55;
	v11 =	vmul.f32 v11, v6  }
.LBB2_15:
0x33d: {  	s7 =	sand.u32 $0x40, s1;
	v0 =	vmul.f32 v9, v4;
	[tilespmem:s15+$0x1BC80] =	vst v12;
	s15 =	smov.u32 s9  }
0x33e: {  	s9 =	sand.u32 $0x780, s1;
	s17 =	sadd.s32 $0x4, s17;
	s29 =	sor.u32 $0x30, s7;
	v1 =	vmul.f32 v10, v5;
	[tilespmem:s12+$0x14A80] =	vst v11  }
0x33f: {  	s10 =	sor.u32 $0x10, s7;
	p1 =	slt.u32 s17, $0x74;
	s19 =	sor.u32 s9, s29;
	[tilespmem:s16+$0x14A80] =	vst v0;
	v0 =	vld [tilespmem:s8+$0x1B480]  }
0x340: {  	s18 =	sor.u32 $0x20, s7;
	s11 =	sor.u32 s9, s10;
	v2 =	vld [tilespmem:s19+$0x1BC80];
	[tilespmem:s6+$0x14A80] =	vst v1  }
0x341: {  	s9 =	sor.u32 s9, s18;
	v1 =	vld [tilespmem:s11+$0x1BC80];
	[tilespmem:s2+$0x18680] =	vst v8;
	s2 =	smov.u32 s28  }
0x342: {  	v3 =	vld [tilespmem:s9+$0x1BC80];
	[tilespmem:s26+$0x1A480] =	vst v12  }
0x343: {  	v8 =	vld [tilespmem:s11+$0x1A480];
	v11 =	vpop (erf);
	[tilespmem:s26+$0x1AC80] =	vst v12  }
0x344: {  	v9 =	vld [tilespmem:s9+$0x1A480];
	v7 =	vmul.f32 v11, v7;
	v0 =	vmul.f32 v0, v6;
	[tilespmem:s26+$0x1B480] =	vst v12  }
0x345: {  	v2 =	vmax.f32 v2, $9.999999970e-07;
	v6 =	vld [tilespmem:s5+$0x1B480];
	[tilespmem:s26+$0x1BC80] =	vst v12;
	s26 =	smov.u32 s13  }
0x346: {  	v1 =	vmax.f32 v1, $9.999999970e-07;
	(erf) = vrcp.f32 v2;
	v2 =	vld [tilespmem:s15+$0x1B480];
	[tilespmem:s12+$0x18680] =	vst v0  }
0x347: {  	v0 =	vmax.f32 v3, $9.999999970e-07;
	(erf) = vrcp.f32 v1;
	[tilespmem:s8+$0x1BC80] =	vst v12  }
0x348: {  	(erf) = vrcp.f32 v0;
	[tilespmem:s2+$0x10E80] =	vst v7  }
0x349: {  	v0 =	vld [tilespmem:s26+$0x1AC80];
	[tilespmem:s8+$0x1A480] =	vst v12  }
0x34a: {  	v1 =	vmul.f32 v6, v4;
	[tilespmem:s8+$0x1AC80] =	vst v12  }
0x34b: {  	v3 =	vld [tilespmem:s19+$0x1A480];
	v2 =	vmul.f32 v2, v5;
	[tilespmem:s8+$0x1B480] =	vst v12;
	s8 =	smov.u32 s19  }
0x34c: {  	[tilespmem:s16+$0x18680] =	vst v1  }
0x34d: {  	[tilespmem:s5+$0x1A480] =	vst v12  }
0x34e: {  	s4 =	sadd.s32 $0x100, s4;
	v0 =	vmul.f32 v0, v11;
	[tilespmem:s5+$0x1AC80] =	vst v12  }
0x34f: {  	s13 =	sshra.s32 s4, $0x2;
	s12 =	sand.u32 $0x1E00, s4;
	v6 =	vpop (erf);
	[tilespmem:s5+$0x1B480] =	vst v12  }
0x350: {  	s19 =	sor.u32 s14, s12;
	v1 =	vld [tilespmem:s13+$0x1BC80];
	v3 =	vmul.f32 v6, v3;
	v4 =	vpop (erf);
	[tilespmem:s2+$0x14A80] =	vst v0  }
0x351: {  	s28 =	sor.u32 s7, s19;
	s16 =	sor.u32 s10, s19;
	s12 =	sor.u32 s29, s19;
	v7 =	vld [tilespmem:s13+$0x1A480];
	v0 =	vmul.f32 v4, v8;
	v5 =	vpop (erf);
	[tilespmem:s5+$0x1BC80] =	vst v12  }
0x352: {  	s7 =	sor.u32 s18, s19;
	s5 =	smov.u32 s11;
	v8 =	vmul.f32 v5, v9;
	[tilespmem:s12+$0x10E80] =	vst v3;
	v3 =	vld [tilespmem:s26+$0x1B480]  }
0x353: {  	[tilespmem:s16+$0x10E80] =	vst v0;
	v0 =	vld [tilespmem:s8+$0x1AC80]  }
.Ltmp11:
0x354: {  	v9 =	vld [tilespmem:s5+$0x1AC80];
	[tilespmem:s7+$0x10E80] =	vst v8;
	(pc) =	sbr.rel @p1 .LBB2_15-.Ltmp11, $4  }
0x355: {  	v1 =	vmax.f32 v1, $9.999999970e-07;
	v10 =	vld [tilespmem:s9+$0x1AC80];
	[tilespmem:s6+$0x18680] =	vst v2;
	s6 =	smov.u32 s7  }
0x356: {  	(erf) = vrcp.f32 v1;
	[tilespmem:s15+$0x1A480] =	vst v12  }
0x357: {  	v8 =	vmul.f32 v3, v11;
	[tilespmem:s15+$0x1AC80] =	vst v12  }
0x358: {  	s1 =	sadd.s32 $0x40, s1;
	v11 =	vmul.f32 v0, v6;
	[tilespmem:s15+$0x1B480] =	vst v12  }
0x359: {  	[tilespmem:s15+$0x1BC80] =	vst v12  }
0x35a: {  	[tilespmem:s12+$0x14A80] =	vst v11  }
0x35b: {  	[tilespmem:s2+$0x18680] =	vst v8;
	v54 =	vld [tilespmem:s8+$0x1B480]  }
0x35c: {  	[tilespmem:s26+$0x1A480] =	vst v12  }
0x35d: {  	[tilespmem:s26+$0x1AC80] =	vst v12  }
0x35e: {  	v0 =	vmul.f32 v9, v4;
	[tilespmem:s26+$0x1B480] =	vst v12  }
0x35f: {  	v1 =	vmul.f32 v10, v5;
	[tilespmem:s26+$0x1BC80] =	vst v12  }
0x360: {  	[tilespmem:s16+$0x14A80] =	vst v0;
	v55 =	vpop (erf);
	v0 =	vmul.f32 v54, v6  }
0x361: {  	[tilespmem:s6+$0x14A80] =	vst v1;
	v3 =	vld [tilespmem:s5+$0x1B480];
	v2 =	vmul.f32 v55, v7  }
0x362: {  	[tilespmem:s12+$0x18680] =	vst v0  }
0x363: {  	[tilespmem:s28+$0x10E80] =	vst v2  }
0x364: {  	[tilespmem:s8+$0x1BC80] =	vst v12;
	v56 =	vld [tilespmem:s13+$0x1AC80]  }
0x365: {  	[tilespmem:s8+$0x1A480] =	vst v12  }
0x366: {  	v57 =	vmul.f32 v3, v4;
	[tilespmem:s8+$0x1AC80] =	vst v12  }
0x367: {  	v58 =	vld [tilespmem:s9+$0x1B480];
	[tilespmem:s8+$0x1B480] =	vst v12  }
0x368: {  	[tilespmem:s16+$0x18680] =	vst v57  }
0x369: {  	[tilespmem:s5+$0x1A480] =	vst v12;
	v0 =	vmul.f32 v56, v55  }
0x36a: {  	[tilespmem:s5+$0x1AC80] =	vst v12  }
0x36b: {  	[tilespmem:s28+$0x14A80] =	vst v0  }
0x36c: {  	v59 =	vmul.f32 v58, v5;
	[tilespmem:s5+$0x1B480] =	vst v12;
	v61 =	vld [tilespmem:s13+$0x1B480]  }
0x36d: {  	[tilespmem:s5+$0x1BC80] =	vst v12  }
0x36e: {  	[tilespmem:s6+$0x18680] =	vst v59  }
0x36f: {  	[tilespmem:s9+$0x1A480] =	vst v12  }
0x370: {  	[tilespmem:s9+$0x1AC80] =	vst v12  }
0x371: {  	[tilespmem:s9+$0x1B480] =	vst v12;
	v62 =	vmul.f32 v61, v55  }
0x372: {  	[tilespmem:s9+$0x1BC80] =	vst v12  }
0x373: {  	[tilespmem:s28+$0x18680] =	vst v62  }
0x374: {  	[tilespmem:s13+$0x1A480] =	vst v12  }
0x375: {  	[tilespmem:s13+$0x1AC80] =	vst v12  }
0x376: {  	s1 =	rddreg [dreg:$0x14]  }
0x377: {  	s1 =	sadd.s32 $0x1, s1  }
0x378: {  	p1 =	sne.s32 s1, $0x4  }
.Ltmp12:
0x379: {  	_ = 	snop;
	(pc) =	sbr.rel @p1 .LBB2_12-.Ltmp12, $3  }
0x37a: {  	_ =	sdelay $0x1  }
0x37b: {  	[tilespmem:s13+$0x1B480] =	vst v12  }
0x37c: {  	[tilespmem:s13+$0x1BC80] =	vst v12  }
0x37d: {  	s2 =	rddreg [dreg:$0x10]  }
0x37e: {  	s1 =	sshrl.u32 s2, $0x3  }
0x37f: {  	s2 =	sadd.s32 $0x438, s2;
	s1 =	smul.u32 $0x3C00, s1  }
0x380: {  	s6 =	rddreg [dreg:$0x6];
	s2 =	sshrl.u32 s2, $0x3  }
0x381: {  	s5 =	rddreg [dreg:$0x3];
	s2 =	smul.u32 $0x3C00, s2;
	s1 =	sor.u32 s6, s1  }
0x382: {  	s7 =	simm.s32 $0x200;
	s8 =	simm.s32 $0x400;
	s4 =	sshrl.u32 s1, $0x3  }
0x383: {  	s9 =	simm.s32 $0x10E80;
	s2 =	sor.u32 s6, s2;
	s4 =	sadd.s32 s5, s4  }
0x384: {  	[hbm4b:s4+s7] =	stream.strided.scatter [tilespmem:s9], [sflag:$0x4], $0x1E00, s8, s7, $0x38;
	[tilespmem:$0x1C480] =	vst v63  }
.Ltmp13:
0x385: {  	s1 =	sadd.s32 $0x3F4800, s1;
	s2 =	sshrl.u32 s2, $0x3;
	(pc) =	sbr.rel .LBB2_18-.Ltmp13, $4  }
0x386: {  	s28 =	simm.s32 $0x14A80;
	s1 =	sshrl.u32 s1, $0x3;
	s2 =	sadd.s32 s5, s2  }
0x387: {  	[hbm4b:s2+s7] =	stream.strided.scatter [tilespmem:s28], [sflag:$0x4], $0x1E00, s8, s7, $0x38;
	[tilespmem:$0x1C480] =	vst v63  }
0x388: {  	s29 =	simm.s32 $0x18680;
	s1 =	sadd.s32 s5, s1  }
0x389: {  	[hbm4b:s1+s7] =	stream.strided.scatter [tilespmem:s29], [sflag:$0x4], $0x1E00, s8, s7, $0x38;
	[tilespmem:$0x1C480] =	vst v63  }
.LBB2_20:
0x38a: {  	_ =	sfence.sel $0x180000  }
0x38b: {  	[bflag:$0x0] =	sbarrier.arrive $0xFFFF  }
0x38c: {  	_ =	strace $0x90000047  }
0x38d: {  	s0 =	stileid.u32;
	[bflag:$0x2] =	sbarrier.arrive $0xFFFF  }
0x38e: {  	p0 =	sne.s32 s0, $0x0;
	s0 =	rddreg [dreg:$0x4]  }
0x38f: {  	s0 =	sadd.s32 @!p0 $0x100000, s0  }
0x390: {  	[sflag:s0] =	ssyncadd.tile.s32 @!p0 $0x1;
	_ =	shalt  }
.Lfunc_end2:
_tile_overlayer_lowered:
.L_overlay_start_2:
0x391: {  	(tag) =	ssettag $0x2  }
0x392: {  	s0 =	rddreg [dreg:$0x0];
	s2 =	stileid.u32  }
0x393: {  	s1 =	rddreg [dreg:$0x1];
	p0 =	sne.s32 s2, $0x0  }
0x394: {  	s3 =	rddreg [dreg:$0x2];
	[bflag:$0x3] =	sbarrier.arrive $0xFFFF;
	s2 =	simm.s32 @!p0 $0x1C05  }
0x395: {  	[timem:s3], [sflag:s2] =	dma.local @!p0 [hbm:s0], s1  }
0x396: {  	s0 =	simm.s32 @!p0 $0x5  }
0x397: {  	_ =	swait.ge @!p0 [sflag:s0], s1  }
0x398: {  	s1 =	ssub.s32 @!p0 $0x0, s1;
	[sflag:s0] =	ssyncset.done @!p0 $0x0  }
0x399: {  	[sflag:s0] =	ssyncadd.s32 @!p0 s1  }
0x39a: {  	[bflag:$0x3] =	sbarrier.arrive $0xFFFF  }
0x39b: {  	_ =	shalt  }

</sc_bundles>
